<compile_context>
chip_gen: v7x
topology: tpu7x:2x2x1
jax: 0.10.2.dev20260603
libtpu: 0.0.44.dev20260713+nightly
codegen_flags: <defaults>
</compile_context>

<pallas_src>
import functools

import jax
import jax.numpy as jnp
from jax import lax
from jax.experimental import pallas as pl
from jax.experimental.pallas import tpu as pltpu
from jax.experimental.pallas import tpu_sc as plsc

NC = 2
NS = 16
NW = NC * NS
CHK = 128



def _edges_body(ei_ref, src_ref, dst_ref, *, n, npad, nchunks):
    src = ei_ref[0]
    dst = ei_ref[1]
    src_ref[:nchunks] = src
    dst_ref[:nchunks] = jnp.where(src == dst, n, dst)
    pad = src_ref.shape[0] - nchunks
    if pad:
        spare = npad - n - 1
        r = lax.broadcasted_iota(jnp.int32, (pad, CHK), 0)
        c = lax.broadcasted_iota(jnp.int32, (pad, CHK), 1)
        fill = n + 1 + lax.rem(r * CHK + c, jnp.int32(spare))
        src_ref[nchunks:] = fill
        dst_ref[nchunks:] = fill


def _dinv_from(degw, npad):
    deg = degw[0][:, :1] + degw[1][:, :1] + 1.0
    return lax.rsqrt(deg)


def _m1_body(x_ref, w_ref, b_ref, degw_ref, o_ref, *, n, npad):
    dinv = _dinv_from(degw_ref, npad)
    h = jnp.dot(x_ref[...], w_ref[...], preferred_element_type=jnp.float32)
    rowid = lax.broadcasted_iota(jnp.int32, (npad, 1), 0)
    o_ref[...] = jnp.where(rowid < n, dinv * (h + b_ref[...]), 0.0)


def _l2_body(acc_ref, h1s_ref, degw_ref, g_ref, bt_ref, w_ref, b_ref, o_ref,
             *, n, npad):
    dinv = _dinv_from(degw_ref, npad)
    g = dinv * (acc_ref[0] + acc_ref[1] + h1s_ref[...])
    rowid = lax.broadcasted_iota(jnp.int32, (npad, 1), 0)
    rmask = (rowid < n).astype(jnp.float32)
    mean = jnp.sum(g, axis=0, keepdims=True) / n
    dev = (g - mean) * rmask
    var = jnp.sum(dev * dev, axis=0, keepdims=True) / n
    bn = g_ref[...] * (g - mean) * lax.rsqrt(var + 1e-5) + bt_ref[...]
    r = jnp.maximum(bn, 0.0)
    h2 = jnp.dot(r, w_ref[...], preferred_element_type=jnp.float32) + b_ref[...]
    o_ref[...] = jnp.where(rowid < n, dinv * h2, 0.0)


def _out_body(acc_ref, h2s_ref, degw_ref, o_ref, *, n, npad):
    dinv = _dinv_from(degw_ref, npad)
    o_ref[...] = (dinv * (acc_ref[0] + acc_ref[1] + h2s_ref[...]))[:n]



def _sc_deg_body(dstp_ref, zeros_ref, ones_ref, out_ref,
                 deg_sh, idx_v, ones_v, sem, *, chpt, rpt):
    c = lax.axis_index("c")
    s = lax.axis_index("s")
    wid = s * NC + c
    rows = pl.ds(s * rpt, rpt)
    pltpu.sync_copy(zeros_ref.at[rows], deg_sh.at[rows])
    pltpu.sync_copy(ones_ref, ones_v)
    pltpu.sync_copy(dstp_ref.at[wid], idx_v)
    plsc.subcore_barrier()

    def body(g, carry):
        for u in range(NBUF):
            pltpu.async_copy(ones_v, deg_sh.at[idx_v.at[NBUF * g + u]],
                             sem, add=True)
        for u in range(NBUF):
            pltpu.make_async_copy(ones_v, deg_sh.at[idx_v.at[0]], sem).wait()
        return carry

    lax.fori_loop(0, chpt // NBUF, body, 0)
    plsc.subcore_barrier()
    pltpu.sync_copy(deg_sh.at[rows], out_ref.at[c].at[rows])


NBUF = 3


def _sc_spmm_body(srcp_ref, dstp_ref, hs_ref, zeros_ref, out_ref,
                  acc_sh, sring, dring, rows_v,
                  gs0, gs1, gs2, ds0, ds1, ds2, ss0, ss1, ss2,
                  *, chpt, rpt):
    c = lax.axis_index("c")
    s = lax.axis_index("s")
    wid = s * NC + c
    gsem = (gs0, gs1, gs2)
    dsem = (ds0, ds1, ds2)
    ssem = (ss0, ss1, ss2)
    rows = pl.ds(s * rpt, rpt)
    src_t = srcp_ref.at[wid]
    dst_t = dstp_ref.at[wid]
    pltpu.sync_copy(zeros_ref.at[rows], acc_sh.at[rows])
    for u in range(NBUF):
        pltpu.async_copy(src_t.at[u], sring.at[u], ssem[u])
        pltpu.async_copy(dst_t.at[u], dring.at[u], dsem[u])
    plsc.subcore_barrier()
    for u in range(2):
        pltpu.make_async_copy(dst_t.at[u], dring.at[u], dsem[u]).wait()
        pltpu.async_copy(hs_ref.at[dring.at[u]], rows_v.at[u], gsem[u])

    def body(i, carry):
        j0 = 3 * i
        for u in range(NBUF):
            j = j0 + u
            b = u
            b2 = (u + 2) % NBUF
            pltpu.make_async_copy(hs_ref.at[dring.at[b]], rows_v.at[b],
                                  gsem[b]).wait()

            @pl.when(j + 2 < chpt)
            def _(b2=b2, j=j):
                pltpu.make_async_copy(dst_t.at[j + 2], dring.at[b2],
                                      dsem[b2]).wait()
                pltpu.async_copy(hs_ref.at[dring.at[b2]], rows_v.at[b2],
                                 gsem[b2])

            pltpu.make_async_copy(src_t.at[j], sring.at[b], ssem[b]).wait()
            pltpu.sync_copy(rows_v.at[b], acc_sh.at[sring.at[b]], add=True)

            @pl.when(j + 3 < chpt)
            def _(b=b, j=j):
                pltpu.async_copy(src_t.at[j + 3], sring.at[b], ssem[b])
                pltpu.async_copy(dst_t.at[j + 3], dring.at[b], dsem[b])
        return carry

    lax.fori_loop(0, chpt // NBUF, body, 0)
    plsc.subcore_barrier()
    pltpu.sync_copy(acc_sh.at[rows], out_ref.at[c].at[rows])



def kernel(x, edge_index, W1, b1, gamma1, beta1, W2, b2):
    n, d = x.shape
    e = edge_index.shape[1]
    nchunks = e // CHK
    assert nchunks * CHK == e
    chpt = -(-nchunks // NW)
    chpt = ((chpt + NBUF - 1) // NBUF) * NBUF
    npad = ((n + 1 + 127) // 128) * 128
    rpt = npad // NS

    mesh = plsc.VectorSubcoreMesh(core_axis_name="c", subcore_axis_name="s")

    ei3 = edge_index.reshape(2, nchunks, CHK)
    srcp, dstp = pl.pallas_call(
        functools.partial(_edges_body, n=n, npad=npad, nchunks=nchunks),
        out_shape=[jax.ShapeDtypeStruct((NW * chpt, CHK), jnp.int32)] * 2,
    )(ei3)
    srcp = srcp.reshape(NW, chpt, CHK)
    dstp = dstp.reshape(NW, chpt, CHK)

    zeros16 = jnp.zeros((npad, 16), jnp.float32)
    zeros128 = jnp.zeros((npad, d), jnp.float32)
    ones16 = jnp.ones((CHK, 16), jnp.float32)
    x_pad = jnp.pad(x, ((0, npad - n), (0, 0)))

    deg_w = pl.kernel(
        functools.partial(_sc_deg_body, chpt=chpt, rpt=rpt),
        out_type=jax.ShapeDtypeStruct((NC, npad, 16), jnp.float32),
        mesh=mesh,
        compiler_params=pltpu.CompilerParams(use_tc_tiling_on_sc=False),
        scratch_types=[
            pltpu.VMEM_SHARED((npad, 16), jnp.float32),
            pltpu.VMEM((chpt, CHK), jnp.int32),
            pltpu.VMEM((CHK, 16), jnp.float32),
            pltpu.SemaphoreType.DMA,
        ],
    )(dstp, zeros16, ones16)

    h1s = pl.pallas_call(
        functools.partial(_m1_body, n=n, npad=npad),
        out_shape=jax.ShapeDtypeStruct((npad, d), jnp.float32),
    )(x_pad, W1, b1.reshape(1, d), deg_w)

    spmm = pl.kernel(
        functools.partial(_sc_spmm_body, chpt=chpt, rpt=rpt),
        out_type=jax.ShapeDtypeStruct((NC, npad, d), jnp.float32),
        mesh=mesh,
        scratch_types=[
            pltpu.VMEM_SHARED((npad, d), jnp.float32),
            pltpu.VMEM((NBUF, CHK), jnp.int32),
            pltpu.VMEM((NBUF, CHK), jnp.int32),
            pltpu.VMEM((NBUF, CHK, d), jnp.float32),
        ] + [pltpu.SemaphoreType.DMA] * 9,
    )

    acc1 = spmm(srcp, dstp, h1s, zeros128)

    h2s = pl.pallas_call(
        functools.partial(_l2_body, n=n, npad=npad),
        out_shape=jax.ShapeDtypeStruct((npad, d), jnp.float32),
    )(acc1, h1s, deg_w, gamma1.reshape(1, d), beta1.reshape(1, d),
      W2, b2.reshape(1, d))

    acc2 = spmm(srcp, dstp, h2s, zeros128)

    out = pl.pallas_call(
        functools.partial(_out_body, n=n, npad=npad),
        out_shape=jax.ShapeDtypeStruct((n, d), jnp.float32),
    )(acc2, h2s, deg_w)
    return out

# --- scband reference (transcript-rebuilt; emitter-appended) ---
"""Pipeline reference for scband-geo-mix2-33440615367378 (READ-ONLY COPY).

The authoritative reference and input builder live on the scoring server;
editing this copy changes nothing except your own understanding.
"""

import jax, jax.numpy as jnp
import numpy as np

N = 10000
E = 320000
D = 128


def _build_adj(edge_index, n):
    src, dst = edge_index[0], edge_index[1]
    mask = (src != dst).astype(jnp.float32)
    loop = jnp.arange(n, dtype=src.dtype)
    src = jnp.concatenate([src, loop])
    dst = jnp.concatenate([dst, loop])
    mask = jnp.concatenate([mask, jnp.ones(n, dtype=jnp.float32)])
    deg = jnp.zeros(n, dtype=jnp.float32).at[dst].add(mask)
    dinv = jnp.where(deg > 0, deg ** -0.5, 0.0)
    w = dinv[src] * dinv[dst] * mask
    return src, dst, w


def _spmm(src, dst, w, x, n):
    # torch.sparse.mm(adj, x) with adj[src, dst] = w  =>  out[src] += w * x[dst]
    return jnp.zeros((n, x.shape[1]), dtype=x.dtype).at[src].add(w[:, None] * x[dst])


def _bn(h, gamma, beta, eps=1e-5):
    mean = h.mean(axis=0)
    var = h.var(axis=0)
    return gamma * (h - mean) / jnp.sqrt(var + eps) + beta


def _glorot(key, fan_in, fan_out):
    a = np.sqrt(6.0 / (fan_in + fan_out))
    return jax.random.uniform(key, (fan_in, fan_out), dtype=jnp.float32, minval=-a, maxval=a)


def setup_inputs(seed: int = 0):
    key = jax.random.key(seed)
    ks = jax.random.split(key, 8)
    x = jax.random.normal(ks[0], (N, D), dtype=jnp.float32)
    edge_index = jax.random.randint(ks[1], (2, E), 0, N, dtype=jnp.int32)
    W1 = _glorot(ks[2], D, D)
    b1 = jnp.zeros((D,), dtype=jnp.float32)
    gamma1 = jnp.ones((D,), dtype=jnp.float32)
    beta1 = jnp.zeros((D,), dtype=jnp.float32)
    W2 = _glorot(ks[3], D, D)
    b2 = jnp.zeros((D,), dtype=jnp.float32)
    return {"x": x, "edge_index": edge_index, "W1": W1, "b1": b1,
            "gamma1": gamma1, "beta1": beta1, "W2": W2, "b2": b2}


def reference(x, edge_index, W1, b1, gamma1, beta1, W2, b2):
    n = x.shape[0]
    src, dst, w = _build_adj(edge_index, n)
    # layer 1: GCNLayer -> BN -> ReLU -> dropout (identity in eval)
    h = x @ W1 + b1
    h = _spmm(src, dst, w, h, n)
    h = _bn(h, gamma1, beta1)
    h = jax.nn.relu(h)
    # layer 2 (final conv, no bn/activation)
    h = h @ W2 + b2
    h = _spmm(src, dst, w, h, n)
    return h

if __name__ == "__main__":
    import jax
    _d = setup_inputs()
    print(jax.jit(kernel)(*tuple(_d.values())))

</pallas_src>

<mosaic_0001>
#map = affine_map<(d0, d1) -> (0, 0, 0)>
#map1 = affine_map<(d0, d1) -> (0, 0)>
module attributes {stable_mosaic.version = 14 : i64} {
  func.func @_sc_deg_body(%arg0: i32, %arg1: i32, %arg2: memref<32x81x128xi32, #tpu.memory_space<hbm>>, %arg3: memref<10112x16xf32, #tpu.memory_space<hbm>>, %arg4: memref<128x16xf32, #tpu.memory_space<hbm>>, %arg5: memref<2x10112x16xf32, #tpu.memory_space<hbm>>, %arg6: memref<10112x16xf32, #tpu.memory_space<vmem_shared>>, %arg7: memref<81x128xi32, #tpu.memory_space<vmem>>, %arg8: memref<128x16xf32, #tpu.memory_space<vmem>>, %arg9: memref<!tpu.dma_semaphore, #tpu.memory_space<semaphore_mem>>) attributes {dimension_semantics = [#tpu.dimension_semantics<core_parallel>, #tpu.dimension_semantics<subcore_parallel>], iteration_bounds = array<i64: 2, 16>, scalar_prefetch = 0 : i64, scratch_operands = 4 : i64, tpu.core_type = #tpu.core_type<sc_vector_subcore>, window_params = [{transform_indices = #map}, {transform_indices = #map1}, {transform_indices = #map1}, {transform_indices = #map}]} {
    %mul3A = arith.constant 2 : i32
    %mul3A_0 = arith.muli %arg1, %mul3A : i32
    %add3A = arith.addi %mul3A_0, %arg0 : i32
    %mul3A_1 = arith.constant 632 : i32
    %mul3A_2 = arith.muli %arg1, %mul3A_1 : i32
    "tpu.region"() ({
      %run_scoped3A = tpu.sem_alloc : memref<!tpu.dma_semaphore, #tpu.memory_space<semaphore_mem>>
      %dma_start3A = arith.constant 0 : i32
      %dma_start3A_9 = tpu.memref_slice %arg6[%mul3A_2, %dma_start3A] : memref<10112x16xf32, #tpu.memory_space<vmem_shared>> -> memref<632x16xf32, #tpu.memory_space<vmem_shared>>
      %dma_start3A_10 = arith.constant 0 : i32
      %dma_start3A_11 = tpu.memref_slice %arg3[%mul3A_2, %dma_start3A_10] : memref<10112x16xf32, #tpu.memory_space<hbm>> -> memref<632x16xf32, #tpu.memory_space<hbm>>
      tpu.enqueue_dma source(%dma_start3A_11 : memref<632x16xf32, #tpu.memory_space<hbm>>) target(%dma_start3A_9 : memref<632x16xf32, #tpu.memory_space<vmem_shared>>) target_semaphore(%run_scoped3A : memref<!tpu.dma_semaphore, #tpu.memory_space<semaphore_mem>>)
      %dma_wait3A = arith.constant 0 : i32
      %dma_wait3A_12 = tpu.memref_slice %arg6[%mul3A_2, %dma_wait3A] : memref<10112x16xf32, #tpu.memory_space<vmem_shared>> -> memref<632x16xf32, #tpu.memory_space<vmem_shared>>
      %dma_wait3A_13 = arith.constant 0 : i32
      %dma_wait3A_14 = tpu.memref_slice %arg3[%mul3A_2, %dma_wait3A_13] : memref<10112x16xf32, #tpu.memory_space<hbm>> -> memref<632x16xf32, #tpu.memory_space<hbm>>
      tpu.wait_dma2 semaphore(%run_scoped3A : memref<!tpu.dma_semaphore, #tpu.memory_space<semaphore_mem>>) src(%dma_wait3A_14 : memref<632x16xf32, #tpu.memory_space<hbm>>) dst(%dma_wait3A_12 : memref<632x16xf32, #tpu.memory_space<vmem_shared>>)
      tpu.yield
    }) : () -> ()
    "tpu.region"() ({
      %run_scoped3A = tpu.sem_alloc : memref<!tpu.dma_semaphore, #tpu.memory_space<semaphore_mem>>
      tpu.enqueue_dma source(%arg4 : memref<128x16xf32, #tpu.memory_space<hbm>>) target(%arg8 : memref<128x16xf32, #tpu.memory_space<vmem>>) target_semaphore(%run_scoped3A : memref<!tpu.dma_semaphore, #tpu.memory_space<semaphore_mem>>)
      tpu.wait_dma2 semaphore(%run_scoped3A : memref<!tpu.dma_semaphore, #tpu.memory_space<semaphore_mem>>) src(%arg4 : memref<128x16xf32, #tpu.memory_space<hbm>>) dst(%arg8 : memref<128x16xf32, #tpu.memory_space<vmem>>)
      tpu.yield
    }) : () -> ()
    "tpu.region"() ({
      %run_scoped3A = tpu.sem_alloc : memref<!tpu.dma_semaphore, #tpu.memory_space<semaphore_mem>>
      %dma_start3A = arith.constant 0 : i32
      %dma_start3A_9 = arith.constant 0 : i32
      %dma_start3A_10 = tpu.memref_slice %arg2[%add3A, %dma_start3A, %dma_start3A_9] : memref<32x81x128xi32, #tpu.memory_space<hbm>> -> memref<1x81x128xi32, #tpu.memory_space<hbm>>
      %dma_start3A_11 = tpu.memref_squeeze %dma_start3A_10 : memref<1x81x128xi32, #tpu.memory_space<hbm>> -> memref<81x128xi32, #tpu.memory_space<hbm>>
      %dma_start3A_12 = arith.constant 0 : i32
      %dma_start3A_13 = arith.constant 0 : i32
      %dma_start3A_14 = tpu.memref_slice %arg2[%add3A, %dma_start3A_12, %dma_start3A_13] : memref<32x81x128xi32, #tpu.memory_space<hbm>> -> memref<1x81x128xi32, #tpu.memory_space<hbm>>
      %dma_start3A_15 = tpu.memref_squeeze %dma_start3A_14 : memref<1x81x128xi32, #tpu.memory_space<hbm>> -> memref<81x128xi32, #tpu.memory_space<hbm>>
      tpu.enqueue_dma source(%dma_start3A_15 : memref<81x128xi32, #tpu.memory_space<hbm>>) target(%arg7 : memref<81x128xi32, #tpu.memory_space<vmem>>) target_semaphore(%run_scoped3A : memref<!tpu.dma_semaphore, #tpu.memory_space<semaphore_mem>>)
      %dma_wait3A = arith.constant 0 : i32
      %dma_wait3A_16 = arith.constant 0 : i32
      %dma_wait3A_17 = tpu.memref_slice %arg2[%add3A, %dma_wait3A, %dma_wait3A_16] : memref<32x81x128xi32, #tpu.memory_space<hbm>> -> memref<1x81x128xi32, #tpu.memory_space<hbm>>
      %dma_wait3A_18 = tpu.memref_squeeze %dma_wait3A_17 : memref<1x81x128xi32, #tpu.memory_space<hbm>> -> memref<81x128xi32, #tpu.memory_space<hbm>>
      %dma_wait3A_19 = arith.constant 0 : i32
      %dma_wait3A_20 = arith.constant 0 : i32
      %dma_wait3A_21 = tpu.memref_slice %arg2[%add3A, %dma_wait3A_19, %dma_wait3A_20] : memref<32x81x128xi32, #tpu.memory_space<hbm>> -> memref<1x81x128xi32, #tpu.memory_space<hbm>>
      %dma_wait3A_22 = tpu.memref_squeeze %dma_wait3A_21 : memref<1x81x128xi32, #tpu.memory_space<hbm>> -> memref<81x128xi32, #tpu.memory_space<hbm>>
      tpu.wait_dma2 semaphore(%run_scoped3A : memref<!tpu.dma_semaphore, #tpu.memory_space<semaphore_mem>>) src(%dma_wait3A_22 : memref<81x128xi32, #tpu.memory_space<hbm>>) dst(%arg7 : memref<81x128xi32, #tpu.memory_space<vmem>>)
      tpu.yield
    }) : () -> ()
    %barrier3A = arith.constant 0 : index
    tpu.barrier barrier_id(%barrier3A)
    %scan3A = arith.constant 0 : i32
    %scan3A_3 = arith.constant 0 : i32
    %scan3A_4 = arith.constant 27 : i32
    %scan3A_5 = arith.addi %scan3A_3, %scan3A_4 : i32
    %scan3A_6 = arith.constant 1 : i32
    scf.for %scan3A_9 = %scan3A_3 to %scan3A_5 step %scan3A_6  : i32 {
      %mul3A_10 = arith.constant 3 : i32
      %mul3A_11 = arith.muli %mul3A_10, %scan3A_9 : i32
      %add3A_12 = arith.constant 0 : i32
      %add3A_13 = arith.addi %mul3A_11, %add3A_12 : i32
      %dma_start3A = arith.constant 0 : i32
      %dma_start3A_14 = tpu.memref_slice %arg7[%add3A_13, %dma_start3A] : memref<81x128xi32, #tpu.memory_space<vmem>> -> memref<1x128xi32, #tpu.memory_space<vmem>>
      %dma_start3A_15 = tpu.memref_squeeze %dma_start3A_14 : memref<1x128xi32, #tpu.memory_space<vmem>> -> memref<128xi32, #tpu.memory_space<vmem>>
      %dma_start3A_16 = arith.constant 0 : i32
      %dma_start3A_17 = arith.constant 0 : i32
      %dma_start3A_18 = tpu.memref_slice %arg6[%dma_start3A_16, %dma_start3A_17] : memref<10112x16xf32, #tpu.memory_space<vmem_shared>> -> memref<10112x16xf32, #tpu.memory_space<vmem_shared>>
      tpu.enqueue_indirect_dma source(%arg8 : memref<128x16xf32, #tpu.memory_space<vmem>>) target(%dma_start3A_18 : memref<10112x16xf32, #tpu.memory_space<vmem_shared>>) offsets(%dma_start3A_15 : memref<128xi32, #tpu.memory_space<vmem>>) semaphore(%arg9 : memref<!tpu.dma_semaphore, #tpu.memory_space<semaphore_mem>>) {add = true}
      %mul3A_19 = arith.constant 3 : i32
      %mul3A_20 = arith.muli %mul3A_19, %scan3A_9 : i32
      %add3A_21 = arith.constant 1 : i32
      %add3A_22 = arith.addi %mul3A_20, %add3A_21 : i32
      %dma_start3A_23 = arith.constant 0 : i32
      %dma_start3A_24 = tpu.memref_slice %arg7[%add3A_22, %dma_start3A_23] : memref<81x128xi32, #tpu.memory_space<vmem>> -> memref<1x128xi32, #tpu.memory_space<vmem>>
      %dma_start3A_25 = tpu.memref_squeeze %dma_start3A_24 : memref<1x128xi32, #tpu.memory_space<vmem>> -> memref<128xi32, #tpu.memory_space<vmem>>
      %dma_start3A_26 = arith.constant 0 : i32
      %dma_start3A_27 = arith.constant 0 : i32
      %dma_start3A_28 = tpu.memref_slice %arg6[%dma_start3A_26, %dma_start3A_27] : memref<10112x16xf32, #tpu.memory_space<vmem_shared>> -> memref<10112x16xf32, #tpu.memory_space<vmem_shared>>
      tpu.enqueue_indirect_dma source(%arg8 : memref<128x16xf32, #tpu.memory_space<vmem>>) target(%dma_start3A_28 : memref<10112x16xf32, #tpu.memory_space<vmem_shared>>) offsets(%dma_start3A_25 : memref<128xi32, #tpu.memory_space<vmem>>) semaphore(%arg9 : memref<!tpu.dma_semaphore, #tpu.memory_space<semaphore_mem>>) {add = true}
      %mul3A_29 = arith.constant 3 : i32
      %mul3A_30 = arith.muli %mul3A_29, %scan3A_9 : i32
      %add3A_31 = arith.constant 2 : i32
      %add3A_32 = arith.addi %mul3A_30, %add3A_31 : i32
      %dma_start3A_33 = arith.constant 0 : i32
      %dma_start3A_34 = tpu.memref_slice %arg7[%add3A_32, %dma_start3A_33] : memref<81x128xi32, #tpu.memory_space<vmem>> -> memref<1x128xi32, #tpu.memory_space<vmem>>
      %dma_start3A_35 = tpu.memref_squeeze %dma_start3A_34 : memref<1x128xi32, #tpu.memory_space<vmem>> -> memref<128xi32, #tpu.memory_space<vmem>>
      %dma_start3A_36 = arith.constant 0 : i32
      %dma_start3A_37 = arith.constant 0 : i32
      %dma_start3A_38 = tpu.memref_slice %arg6[%dma_start3A_36, %dma_start3A_37] : memref<10112x16xf32, #tpu.memory_space<vmem_shared>> -> memref<10112x16xf32, #tpu.memory_space<vmem_shared>>
      tpu.enqueue_indirect_dma source(%arg8 : memref<128x16xf32, #tpu.memory_space<vmem>>) target(%dma_start3A_38 : memref<10112x16xf32, #tpu.memory_space<vmem_shared>>) offsets(%dma_start3A_35 : memref<128xi32, #tpu.memory_space<vmem>>) semaphore(%arg9 : memref<!tpu.dma_semaphore, #tpu.memory_space<semaphore_mem>>) {add = true}
      %dma_wait3A = arith.constant 0 : i32
      %dma_wait3A_39 = arith.constant 0 : i32
      %dma_wait3A_40 = tpu.memref_slice %arg7[%dma_wait3A, %dma_wait3A_39] : memref<81x128xi32, #tpu.memory_space<vmem>> -> memref<1x128xi32, #tpu.memory_space<vmem>>
      %dma_wait3A_41 = tpu.memref_squeeze %dma_wait3A_40 : memref<1x128xi32, #tpu.memory_space<vmem>> -> memref<128xi32, #tpu.memory_space<vmem>>
      %dma_wait3A_42 = arith.constant 0 : i32
      %dma_wait3A_43 = arith.constant 0 : i32
      %dma_wait3A_44 = tpu.memref_slice %arg6[%dma_wait3A_42, %dma_wait3A_43] : memref<10112x16xf32, #tpu.memory_space<vmem_shared>> -> memref<10112x16xf32, #tpu.memory_space<vmem_shared>>
      tpu.wait_indirect_dma semaphore(%arg9 : memref<!tpu.dma_semaphore, #tpu.memory_space<semaphore_mem>>) src(%arg8 : memref<128x16xf32, #tpu.memory_space<vmem>>) dst(%dma_wait3A_44 : memref<10112x16xf32, #tpu.memory_space<vmem_shared>>)
      %dma_wait3A_45 = arith.constant 0 : i32
      %dma_wait3A_46 = arith.constant 0 : i32
      %dma_wait3A_47 = tpu.memref_slice %arg7[%dma_wait3A_45, %dma_wait3A_46] : memref<81x128xi32, #tpu.memory_space<vmem>> -> memref<1x128xi32, #tpu.memory_space<vmem>>
      %dma_wait3A_48 = tpu.memref_squeeze %dma_wait3A_47 : memref<1x128xi32, #tpu.memory_space<vmem>> -> memref<128xi32, #tpu.memory_space<vmem>>
      %dma_wait3A_49 = arith.constant 0 : i32
      %dma_wait3A_50 = arith.constant 0 : i32
      %dma_wait3A_51 = tpu.memref_slice %arg6[%dma_wait3A_49, %dma_wait3A_50] : memref<10112x16xf32, #tpu.memory_space<vmem_shared>> -> memref<10112x16xf32, #tpu.memory_space<vmem_shared>>
      tpu.wait_indirect_dma semaphore(%arg9 : memref<!tpu.dma_semaphore, #tpu.memory_space<semaphore_mem>>) src(%arg8 : memref<128x16xf32, #tpu.memory_space<vmem>>) dst(%dma_wait3A_51 : memref<10112x16xf32, #tpu.memory_space<vmem_shared>>)
      %dma_wait3A_52 = arith.constant 0 : i32
      %dma_wait3A_53 = arith.constant 0 : i32
      %dma_wait3A_54 = tpu.memref_slice %arg7[%dma_wait3A_52, %dma_wait3A_53] : memref<81x128xi32, #tpu.memory_space<vmem>> -> memref<1x128xi32, #tpu.memory_space<vmem>>
      %dma_wait3A_55 = tpu.memref_squeeze %dma_wait3A_54 : memref<1x128xi32, #tpu.memory_space<vmem>> -> memref<128xi32, #tpu.memory_space<vmem>>
      %dma_wait3A_56 = arith.constant 0 : i32
      %dma_wait3A_57 = arith.constant 0 : i32
      %dma_wait3A_58 = tpu.memref_slice %arg6[%dma_wait3A_56, %dma_wait3A_57] : memref<10112x16xf32, #tpu.memory_space<vmem_shared>> -> memref<10112x16xf32, #tpu.memory_space<vmem_shared>>
      tpu.wait_indirect_dma semaphore(%arg9 : memref<!tpu.dma_semaphore, #tpu.memory_space<semaphore_mem>>) src(%arg8 : memref<128x16xf32, #tpu.memory_space<vmem>>) dst(%dma_wait3A_58 : memref<10112x16xf32, #tpu.memory_space<vmem_shared>>)
    }
    %scan3A_7 = arith.constant 27 : i32
    %barrier3A_8 = arith.constant 0 : index
    tpu.barrier barrier_id(%barrier3A_8)
    "tpu.region"() ({
      %run_scoped3A = tpu.sem_alloc : memref<!tpu.dma_semaphore, #tpu.memory_space<semaphore_mem>>
      %dma_start3A = arith.constant 0 : i32
      %dma_start3A_9 = arith.constant 0 : i32
      %dma_start3A_10 = tpu.memref_slice %arg5[%arg0, %dma_start3A, %dma_start3A_9] : memref<2x10112x16xf32, #tpu.memory_space<hbm>> -> memref<1x10112x16xf32, #tpu.memory_space<hbm>>
      %dma_start3A_11 = tpu.memref_squeeze %dma_start3A_10 : memref<1x10112x16xf32, #tpu.memory_space<hbm>> -> memref<10112x16xf32, #tpu.memory_space<hbm>>
      %dma_start3A_12 = arith.constant 0 : i32
      %dma_start3A_13 = tpu.memref_slice %dma_start3A_11[%mul3A_2, %dma_start3A_12] : memref<10112x16xf32, #tpu.memory_space<hbm>> -> memref<632x16xf32, #tpu.memory_space<hbm>>
      %dma_start3A_14 = arith.constant 0 : i32
      %dma_start3A_15 = tpu.memref_slice %arg6[%mul3A_2, %dma_start3A_14] : memref<10112x16xf32, #tpu.memory_space<vmem_shared>> -> memref<632x16xf32, #tpu.memory_space<vmem_shared>>
      tpu.enqueue_dma source(%dma_start3A_15 : memref<632x16xf32, #tpu.memory_space<vmem_shared>>) target(%dma_start3A_13 : memref<632x16xf32, #tpu.memory_space<hbm>>) target_semaphore(%run_scoped3A : memref<!tpu.dma_semaphore, #tpu.memory_space<semaphore_mem>>)
      %dma_wait3A = arith.constant 0 : i32
      %dma_wait3A_16 = arith.constant 0 : i32
      %dma_wait3A_17 = tpu.memref_slice %arg5[%arg0, %dma_wait3A, %dma_wait3A_16] : memref<2x10112x16xf32, #tpu.memory_space<hbm>> -> memref<1x10112x16xf32, #tpu.memory_space<hbm>>
      %dma_wait3A_18 = tpu.memref_squeeze %dma_wait3A_17 : memref<1x10112x16xf32, #tpu.memory_space<hbm>> -> memref<10112x16xf32, #tpu.memory_space<hbm>>
      %dma_wait3A_19 = arith.constant 0 : i32
      %dma_wait3A_20 = tpu.memref_slice %dma_wait3A_18[%mul3A_2, %dma_wait3A_19] : memref<10112x16xf32, #tpu.memory_space<hbm>> -> memref<632x16xf32, #tpu.memory_space<hbm>>
      %dma_wait3A_21 = arith.constant 0 : i32
      %dma_wait3A_22 = tpu.memref_slice %arg6[%mul3A_2, %dma_wait3A_21] : memref<10112x16xf32, #tpu.memory_space<vmem_shared>> -> memref<632x16xf32, #tpu.memory_space<vmem_shared>>
      tpu.wait_dma2 semaphore(%run_scoped3A : memref<!tpu.dma_semaphore, #tpu.memory_space<semaphore_mem>>) src(%dma_wait3A_22 : memref<632x16xf32, #tpu.memory_space<vmem_shared>>) dst(%dma_wait3A_20 : memref<632x16xf32, #tpu.memory_space<hbm>>)
      tpu.yield
    }) : () -> ()
    return
  }
}

#map = affine_map<(d0, d1) -> (0, 0, 0)>
#map1 = affine_map<(d0, d1) -> (0, 0)>
module attributes {stable_mosaic.version = 14 : i64} {
  func.func @_sc_spmm_body(%arg0: i32, %arg1: i32, %arg2: memref<32x81x128xi32, #tpu.memory_space<hbm>>, %arg3: memref<32x81x128xi32, #tpu.memory_space<hbm>>, %arg4: memref<10112x128xf32, #tpu.memory_space<hbm>>, %arg5: memref<10112x128xf32, #tpu.memory_space<hbm>>, %arg6: memref<2x10112x128xf32, #tpu.memory_space<hbm>>, %arg7: memref<10112x128xf32, #tpu.memory_space<vmem_shared>>, %arg8: memref<3x128xi32, #tpu.memory_space<vmem>>, %arg9: memref<3x128xi32, #tpu.memory_space<vmem>>, %arg10: memref<3x128x128xf32, #tpu.memory_space<vmem>>, %arg11: memref<!tpu.dma_semaphore, #tpu.memory_space<semaphore_mem>>, %arg12: memref<!tpu.dma_semaphore, #tpu.memory_space<semaphore_mem>>, %arg13: memref<!tpu.dma_semaphore, #tpu.memory_space<semaphore_mem>>, %arg14: memref<!tpu.dma_semaphore, #tpu.memory_space<semaphore_mem>>, %arg15: memref<!tpu.dma_semaphore, #tpu.memory_space<semaphore_mem>>, %arg16: memref<!tpu.dma_semaphore, #tpu.memory_space<semaphore_mem>>, %arg17: memref<!tpu.dma_semaphore, #tpu.memory_space<semaphore_mem>>, %arg18: memref<!tpu.dma_semaphore, #tpu.memory_space<semaphore_mem>>, %arg19: memref<!tpu.dma_semaphore, #tpu.memory_space<semaphore_mem>>) attributes {dimension_semantics = [#tpu.dimension_semantics<core_parallel>, #tpu.dimension_semantics<subcore_parallel>], iteration_bounds = array<i64: 2, 16>, scalar_prefetch = 0 : i64, scratch_operands = 13 : i64, tpu.core_type = #tpu.core_type<sc_vector_subcore>, window_params = [{transform_indices = #map}, {transform_indices = #map}, {transform_indices = #map1}, {transform_indices = #map1}, {transform_indices = #map}]} {
    %mul3A = arith.constant 2 : i32
    %mul3A_0 = arith.muli %arg1, %mul3A : i32
    %add3A = arith.addi %mul3A_0, %arg0 : i32
    %mul3A_1 = arith.constant 632 : i32
    %mul3A_2 = arith.muli %arg1, %mul3A_1 : i32
    "tpu.region"() ({
      %run_scoped3A = tpu.sem_alloc : memref<!tpu.dma_semaphore, #tpu.memory_space<semaphore_mem>>
      %dma_start3A_207 = arith.constant 0 : i32
      %dma_start3A_208 = tpu.memref_slice %arg7[%mul3A_2, %dma_start3A_207] : memref<10112x128xf32, #tpu.memory_space<vmem_shared>> -> memref<632x128xf32, #tpu.memory_space<vmem_shared>>
      %dma_start3A_209 = arith.constant 0 : i32
      %dma_start3A_210 = tpu.memref_slice %arg5[%mul3A_2, %dma_start3A_209] : memref<10112x128xf32, #tpu.memory_space<hbm>> -> memref<632x128xf32, #tpu.memory_space<hbm>>
      tpu.enqueue_dma source(%dma_start3A_210 : memref<632x128xf32, #tpu.memory_space<hbm>>) target(%dma_start3A_208 : memref<632x128xf32, #tpu.memory_space<vmem_shared>>) target_semaphore(%run_scoped3A : memref<!tpu.dma_semaphore, #tpu.memory_space<semaphore_mem>>)
      %dma_wait3A_211 = arith.constant 0 : i32
      %dma_wait3A_212 = tpu.memref_slice %arg7[%mul3A_2, %dma_wait3A_211] : memref<10112x128xf32, #tpu.memory_space<vmem_shared>> -> memref<632x128xf32, #tpu.memory_space<vmem_shared>>
      %dma_wait3A_213 = arith.constant 0 : i32
      %dma_wait3A_214 = tpu.memref_slice %arg5[%mul3A_2, %dma_wait3A_213] : memref<10112x128xf32, #tpu.memory_space<hbm>> -> memref<632x128xf32, #tpu.memory_space<hbm>>
      tpu.wait_dma2 semaphore(%run_scoped3A : memref<!tpu.dma_semaphore, #tpu.memory_space<semaphore_mem>>) src(%dma_wait3A_214 : memref<632x128xf32, #tpu.memory_space<hbm>>) dst(%dma_wait3A_212 : memref<632x128xf32, #tpu.memory_space<vmem_shared>>)
      tpu.yield
    }) : () -> ()
    %dma_start3A = arith.constant 0 : i32
    %dma_start3A_3 = arith.constant 0 : i32
    %dma_start3A_4 = arith.constant 0 : i32
    %dma_start3A_5 = tpu.memref_slice %arg8[%dma_start3A_3, %dma_start3A_4] : memref<3x128xi32, #tpu.memory_space<vmem>> -> memref<1x128xi32, #tpu.memory_space<vmem>>
    %dma_start3A_6 = tpu.memref_squeeze %dma_start3A_5 : memref<1x128xi32, #tpu.memory_space<vmem>> -> memref<128xi32, #tpu.memory_space<vmem>>
    %dma_start3A_7 = arith.constant 0 : i32
    %dma_start3A_8 = arith.constant 0 : i32
    %dma_start3A_9 = tpu.memref_slice %arg2[%add3A, %dma_start3A_7, %dma_start3A_8] : memref<32x81x128xi32, #tpu.memory_space<hbm>> -> memref<1x81x128xi32, #tpu.memory_space<hbm>>
    %dma_start3A_10 = tpu.memref_squeeze %dma_start3A_9 : memref<1x81x128xi32, #tpu.memory_space<hbm>> -> memref<81x128xi32, #tpu.memory_space<hbm>>
    %dma_start3A_11 = arith.constant 0 : i32
    %dma_start3A_12 = tpu.memref_slice %dma_start3A_10[%dma_start3A, %dma_start3A_11] : memref<81x128xi32, #tpu.memory_space<hbm>> -> memref<1x128xi32, #tpu.memory_space<hbm>>
    %dma_start3A_13 = tpu.memref_squeeze %dma_start3A_12 : memref<1x128xi32, #tpu.memory_space<hbm>> -> memref<128xi32, #tpu.memory_space<hbm>>
    %dma_start3A_14 = arith.constant 0 : i32
    %dma_start3A_15 = tpu.memref_slice %arg8[%dma_start3A_3, %dma_start3A_14] : memref<3x128xi32, #tpu.memory_space<vmem>> -> memref<1x128xi32, #tpu.memory_space<vmem>>
    %dma_start3A_16 = tpu.memref_squeeze %dma_start3A_15 : memref<1x128xi32, #tpu.memory_space<vmem>> -> memref<128xi32, #tpu.memory_space<vmem>>
    %dma_start3A_17 = arith.constant 0 : i32
    %dma_start3A_18 = arith.constant 0 : i32
    %dma_start3A_19 = tpu.memref_slice %arg2[%add3A, %dma_start3A_17, %dma_start3A_18] : memref<32x81x128xi32, #tpu.memory_space<hbm>> -> memref<1x81x128xi32, #tpu.memory_space<hbm>>
    %dma_start3A_20 = tpu.memref_squeeze %dma_start3A_19 : memref<1x81x128xi32, #tpu.memory_space<hbm>> -> memref<81x128xi32, #tpu.memory_space<hbm>>
    %dma_start3A_21 = arith.constant 0 : i32
    %dma_start3A_22 = tpu.memref_slice %dma_start3A_20[%dma_start3A, %dma_start3A_21] : memref<81x128xi32, #tpu.memory_space<hbm>> -> memref<1x128xi32, #tpu.memory_space<hbm>>
    %dma_start3A_23 = tpu.memref_squeeze %dma_start3A_22 : memref<1x128xi32, #tpu.memory_space<hbm>> -> memref<128xi32, #tpu.memory_space<hbm>>
    tpu.enqueue_dma source(%dma_start3A_23 : memref<128xi32, #tpu.memory_space<hbm>>) target(%dma_start3A_16 : memref<128xi32, #tpu.memory_space<vmem>>) target_semaphore(%arg17 : memref<!tpu.dma_semaphore, #tpu.memory_space<semaphore_mem>>)
    %dma_start3A_24 = arith.constant 0 : i32
    %dma_start3A_25 = arith.constant 0 : i32
    %dma_start3A_26 = arith.constant 0 : i32
    %dma_start3A_27 = tpu.memref_slice %arg9[%dma_start3A_25, %dma_start3A_26] : memref<3x128xi32, #tpu.memory_space<vmem>> -> memref<1x128xi32, #tpu.memory_space<vmem>>
    %dma_start3A_28 = tpu.memref_squeeze %dma_start3A_27 : memref<1x128xi32, #tpu.memory_space<vmem>> -> memref<128xi32, #tpu.memory_space<vmem>>
    %dma_start3A_29 = arith.constant 0 : i32
    %dma_start3A_30 = arith.constant 0 : i32
    %dma_start3A_31 = tpu.memref_slice %arg3[%add3A, %dma_start3A_29, %dma_start3A_30] : memref<32x81x128xi32, #tpu.memory_space<hbm>> -> memref<1x81x128xi32, #tpu.memory_space<hbm>>
    %dma_start3A_32 = tpu.memref_squeeze %dma_start3A_31 : memref<1x81x128xi32, #tpu.memory_space<hbm>> -> memref<81x128xi32, #tpu.memory_space<hbm>>
    %dma_start3A_33 = arith.constant 0 : i32
    %dma_start3A_34 = tpu.memref_slice %dma_start3A_32[%dma_start3A_24, %dma_start3A_33] : memref<81x128xi32, #tpu.memory_space<hbm>> -> memref<1x128xi32, #tpu.memory_space<hbm>>
    %dma_start3A_35 = tpu.memref_squeeze %dma_start3A_34 : memref<1x128xi32, #tpu.memory_space<hbm>> -> memref<128xi32, #tpu.memory_space<hbm>>
    %dma_start3A_36 = arith.constant 0 : i32
    %dma_start3A_37 = tpu.memref_slice %arg9[%dma_start3A_25, %dma_start3A_36] : memref<3x128xi32, #tpu.memory_space<vmem>> -> memref<1x128xi32, #tpu.memory_space<vmem>>
    %dma_start3A_38 = tpu.memref_squeeze %dma_start3A_37 : memref<1x128xi32, #tpu.memory_space<vmem>> -> memref<128xi32, #tpu.memory_space<vmem>>
    %dma_start3A_39 = arith.constant 0 : i32
    %dma_start3A_40 = arith.constant 0 : i32
    %dma_start3A_41 = tpu.memref_slice %arg3[%add3A, %dma_start3A_39, %dma_start3A_40] : memref<32x81x128xi32, #tpu.memory_space<hbm>> -> memref<1x81x128xi32, #tpu.memory_space<hbm>>
    %dma_start3A_42 = tpu.memref_squeeze %dma_start3A_41 : memref<1x81x128xi32, #tpu.memory_space<hbm>> -> memref<81x128xi32, #tpu.memory_space<hbm>>
    %dma_start3A_43 = arith.constant 0 : i32
    %dma_start3A_44 = tpu.memref_slice %dma_start3A_42[%dma_start3A_24, %dma_start3A_43] : memref<81x128xi32, #tpu.memory_space<hbm>> -> memref<1x128xi32, #tpu.memory_space<hbm>>
    %dma_start3A_45 = tpu.memref_squeeze %dma_start3A_44 : memref<1x128xi32, #tpu.memory_space<hbm>> -> memref<128xi32, #tpu.memory_space<hbm>>
    tpu.enqueue_dma source(%dma_start3A_45 : memref<128xi32, #tpu.memory_space<hbm>>) target(%dma_start3A_38 : memref<128xi32, #tpu.memory_space<vmem>>) target_semaphore(%arg14 : memref<!tpu.dma_semaphore, #tpu.memory_space<semaphore_mem>>)
    %dma_start3A_46 = arith.constant 1 : i32
    %dma_start3A_47 = arith.constant 1 : i32
    %dma_start3A_48 = arith.constant 0 : i32
    %dma_start3A_49 = tpu.memref_slice %arg8[%dma_start3A_47, %dma_start3A_48] : memref<3x128xi32, #tpu.memory_space<vmem>> -> memref<1x128xi32, #tpu.memory_space<vmem>>
    %dma_start3A_50 = tpu.memref_squeeze %dma_start3A_49 : memref<1x128xi32, #tpu.memory_space<vmem>> -> memref<128xi32, #tpu.memory_space<vmem>>
    %dma_start3A_51 = arith.constant 0 : i32
    %dma_start3A_52 = arith.constant 0 : i32
    %dma_start3A_53 = tpu.memref_slice %arg2[%add3A, %dma_start3A_51, %dma_start3A_52] : memref<32x81x128xi32, #tpu.memory_space<hbm>> -> memref<1x81x128xi32, #tpu.memory_space<hbm>>
    %dma_start3A_54 = tpu.memref_squeeze %dma_start3A_53 : memref<1x81x128xi32, #tpu.memory_space<hbm>> -> memref<81x128xi32, #tpu.memory_space<hbm>>
    %dma_start3A_55 = arith.constant 0 : i32
    %dma_start3A_56 = tpu.memref_slice %dma_start3A_54[%dma_start3A_46, %dma_start3A_55] : memref<81x128xi32, #tpu.memory_space<hbm>> -> memref<1x128xi32, #tpu.memory_space<hbm>>
    %dma_start3A_57 = tpu.memref_squeeze %dma_start3A_56 : memref<1x128xi32, #tpu.memory_space<hbm>> -> memref<128xi32, #tpu.memory_space<hbm>>
    %dma_start3A_58 = arith.constant 0 : i32
    %dma_start3A_59 = tpu.memref_slice %arg8[%dma_start3A_47, %dma_start3A_58] : memref<3x128xi32, #tpu.memory_space<vmem>> -> memref<1x128xi32, #tpu.memory_space<vmem>>
    %dma_start3A_60 = tpu.memref_squeeze %dma_start3A_59 : memref<1x128xi32, #tpu.memory_space<vmem>> -> memref<128xi32, #tpu.memory_space<vmem>>
    %dma_start3A_61 = arith.constant 0 : i32
    %dma_start3A_62 = arith.constant 0 : i32
    %dma_start3A_63 = tpu.memref_slice %arg2[%add3A, %dma_start3A_61, %dma_start3A_62] : memref<32x81x128xi32, #tpu.memory_space<hbm>> -> memref<1x81x128xi32, #tpu.memory_space<hbm>>
    %dma_start3A_64 = tpu.memref_squeeze %dma_start3A_63 : memref<1x81x128xi32, #tpu.memory_space<hbm>> -> memref<81x128xi32, #tpu.memory_space<hbm>>
    %dma_start3A_65 = arith.constant 0 : i32
    %dma_start3A_66 = tpu.memref_slice %dma_start3A_64[%dma_start3A_46, %dma_start3A_65] : memref<81x128xi32, #tpu.memory_space<hbm>> -> memref<1x128xi32, #tpu.memory_space<hbm>>
    %dma_start3A_67 = tpu.memref_squeeze %dma_start3A_66 : memref<1x128xi32, #tpu.memory_space<hbm>> -> memref<128xi32, #tpu.memory_space<hbm>>
    tpu.enqueue_dma source(%dma_start3A_67 : memref<128xi32, #tpu.memory_space<hbm>>) target(%dma_start3A_60 : memref<128xi32, #tpu.memory_space<vmem>>) target_semaphore(%arg18 : memref<!tpu.dma_semaphore, #tpu.memory_space<semaphore_mem>>)
    %dma_start3A_68 = arith.constant 1 : i32
    %dma_start3A_69 = arith.constant 1 : i32
    %dma_start3A_70 = arith.constant 0 : i32
    %dma_start3A_71 = tpu.memref_slice %arg9[%dma_start3A_69, %dma_start3A_70] : memref<3x128xi32, #tpu.memory_space<vmem>> -> memref<1x128xi32, #tpu.memory_space<vmem>>
    %dma_start3A_72 = tpu.memref_squeeze %dma_start3A_71 : memref<1x128xi32, #tpu.memory_space<vmem>> -> memref<128xi32, #tpu.memory_space<vmem>>
    %dma_start3A_73 = arith.constant 0 : i32
    %dma_start3A_74 = arith.constant 0 : i32
    %dma_start3A_75 = tpu.memref_slice %arg3[%add3A, %dma_start3A_73, %dma_start3A_74] : memref<32x81x128xi32, #tpu.memory_space<hbm>> -> memref<1x81x128xi32, #tpu.memory_space<hbm>>
    %dma_start3A_76 = tpu.memref_squeeze %dma_start3A_75 : memref<1x81x128xi32, #tpu.memory_space<hbm>> -> memref<81x128xi32, #tpu.memory_space<hbm>>
    %dma_start3A_77 = arith.constant 0 : i32
    %dma_start3A_78 = tpu.memref_slice %dma_start3A_76[%dma_start3A_68, %dma_start3A_77] : memref<81x128xi32, #tpu.memory_space<hbm>> -> memref<1x128xi32, #tpu.memory_space<hbm>>
    %dma_start3A_79 = tpu.memref_squeeze %dma_start3A_78 : memref<1x128xi32, #tpu.memory_space<hbm>> -> memref<128xi32, #tpu.memory_space<hbm>>
    %dma_start3A_80 = arith.constant 0 : i32
    %dma_start3A_81 = tpu.memref_slice %arg9[%dma_start3A_69, %dma_start3A_80] : memref<3x128xi32, #tpu.memory_space<vmem>> -> memref<1x128xi32, #tpu.memory_space<vmem>>
    %dma_start3A_82 = tpu.memref_squeeze %dma_start3A_81 : memref<1x128xi32, #tpu.memory_space<vmem>> -> memref<128xi32, #tpu.memory_space<vmem>>
    %dma_start3A_83 = arith.constant 0 : i32
    %dma_start3A_84 = arith.constant 0 : i32
    %dma_start3A_85 = tpu.memref_slice %arg3[%add3A, %dma_start3A_83, %dma_start3A_84] : memref<32x81x128xi32, #tpu.memory_space<hbm>> -> memref<1x81x128xi32, #tpu.memory_space<hbm>>
    %dma_start3A_86 = tpu.memref_squeeze %dma_start3A_85 : memref<1x81x128xi32, #tpu.memory_space<hbm>> -> memref<81x128xi32, #tpu.memory_space<hbm>>
    %dma_start3A_87 = arith.constant 0 : i32
    %dma_start3A_88 = tpu.memref_slice %dma_start3A_86[%dma_start3A_68, %dma_start3A_87] : memref<81x128xi32, #tpu.memory_space<hbm>> -> memref<1x128xi32, #tpu.memory_space<hbm>>
    %dma_start3A_89 = tpu.memref_squeeze %dma_start3A_88 : memref<1x128xi32, #tpu.memory_space<hbm>> -> memref<128xi32, #tpu.memory_space<hbm>>
    tpu.enqueue_dma source(%dma_start3A_89 : memref<128xi32, #tpu.memory_space<hbm>>) target(%dma_start3A_82 : memref<128xi32, #tpu.memory_space<vmem>>) target_semaphore(%arg15 : memref<!tpu.dma_semaphore, #tpu.memory_space<semaphore_mem>>)
    %dma_start3A_90 = arith.constant 2 : i32
    %dma_start3A_91 = arith.constant 2 : i32
    %dma_start3A_92 = arith.constant 0 : i32
    %dma_start3A_93 = tpu.memref_slice %arg8[%dma_start3A_91, %dma_start3A_92] : memref<3x128xi32, #tpu.memory_space<vmem>> -> memref<1x128xi32, #tpu.memory_space<vmem>>
    %dma_start3A_94 = tpu.memref_squeeze %dma_start3A_93 : memref<1x128xi32, #tpu.memory_space<vmem>> -> memref<128xi32, #tpu.memory_space<vmem>>
    %dma_start3A_95 = arith.constant 0 : i32
    %dma_start3A_96 = arith.constant 0 : i32
    %dma_start3A_97 = tpu.memref_slice %arg2[%add3A, %dma_start3A_95, %dma_start3A_96] : memref<32x81x128xi32, #tpu.memory_space<hbm>> -> memref<1x81x128xi32, #tpu.memory_space<hbm>>
    %dma_start3A_98 = tpu.memref_squeeze %dma_start3A_97 : memref<1x81x128xi32, #tpu.memory_space<hbm>> -> memref<81x128xi32, #tpu.memory_space<hbm>>
    %dma_start3A_99 = arith.constant 0 : i32
    %dma_start3A_100 = tpu.memref_slice %dma_start3A_98[%dma_start3A_90, %dma_start3A_99] : memref<81x128xi32, #tpu.memory_space<hbm>> -> memref<1x128xi32, #tpu.memory_space<hbm>>
    %dma_start3A_101 = tpu.memref_squeeze %dma_start3A_100 : memref<1x128xi32, #tpu.memory_space<hbm>> -> memref<128xi32, #tpu.memory_space<hbm>>
    %dma_start3A_102 = arith.constant 0 : i32
    %dma_start3A_103 = tpu.memref_slice %arg8[%dma_start3A_91, %dma_start3A_102] : memref<3x128xi32, #tpu.memory_space<vmem>> -> memref<1x128xi32, #tpu.memory_space<vmem>>
    %dma_start3A_104 = tpu.memref_squeeze %dma_start3A_103 : memref<1x128xi32, #tpu.memory_space<vmem>> -> memref<128xi32, #tpu.memory_space<vmem>>
    %dma_start3A_105 = arith.constant 0 : i32
    %dma_start3A_106 = arith.constant 0 : i32
    %dma_start3A_107 = tpu.memref_slice %arg2[%add3A, %dma_start3A_105, %dma_start3A_106] : memref<32x81x128xi32, #tpu.memory_space<hbm>> -> memref<1x81x128xi32, #tpu.memory_space<hbm>>
    %dma_start3A_108 = tpu.memref_squeeze %dma_start3A_107 : memref<1x81x128xi32, #tpu.memory_space<hbm>> -> memref<81x128xi32, #tpu.memory_space<hbm>>
    %dma_start3A_109 = arith.constant 0 : i32
    %dma_start3A_110 = tpu.memref_slice %dma_start3A_108[%dma_start3A_90, %dma_start3A_109] : memref<81x128xi32, #tpu.memory_space<hbm>> -> memref<1x128xi32, #tpu.memory_space<hbm>>
    %dma_start3A_111 = tpu.memref_squeeze %dma_start3A_110 : memref<1x128xi32, #tpu.memory_space<hbm>> -> memref<128xi32, #tpu.memory_space<hbm>>
    tpu.enqueue_dma source(%dma_start3A_111 : memref<128xi32, #tpu.memory_space<hbm>>) target(%dma_start3A_104 : memref<128xi32, #tpu.memory_space<vmem>>) target_semaphore(%arg19 : memref<!tpu.dma_semaphore, #tpu.memory_space<semaphore_mem>>)
    %dma_start3A_112 = arith.constant 2 : i32
    %dma_start3A_113 = arith.constant 2 : i32
    %dma_start3A_114 = arith.constant 0 : i32
    %dma_start3A_115 = tpu.memref_slice %arg9[%dma_start3A_113, %dma_start3A_114] : memref<3x128xi32, #tpu.memory_space<vmem>> -> memref<1x128xi32, #tpu.memory_space<vmem>>
    %dma_start3A_116 = tpu.memref_squeeze %dma_start3A_115 : memref<1x128xi32, #tpu.memory_space<vmem>> -> memref<128xi32, #tpu.memory_space<vmem>>
    %dma_start3A_117 = arith.constant 0 : i32
    %dma_start3A_118 = arith.constant 0 : i32
    %dma_start3A_119 = tpu.memref_slice %arg3[%add3A, %dma_start3A_117, %dma_start3A_118] : memref<32x81x128xi32, #tpu.memory_space<hbm>> -> memref<1x81x128xi32, #tpu.memory_space<hbm>>
    %dma_start3A_120 = tpu.memref_squeeze %dma_start3A_119 : memref<1x81x128xi32, #tpu.memory_space<hbm>> -> memref<81x128xi32, #tpu.memory_space<hbm>>
    %dma_start3A_121 = arith.constant 0 : i32
    %dma_start3A_122 = tpu.memref_slice %dma_start3A_120[%dma_start3A_112, %dma_start3A_121] : memref<81x128xi32, #tpu.memory_space<hbm>> -> memref<1x128xi32, #tpu.memory_space<hbm>>
    %dma_start3A_123 = tpu.memref_squeeze %dma_start3A_122 : memref<1x128xi32, #tpu.memory_space<hbm>> -> memref<128xi32, #tpu.memory_space<hbm>>
    %dma_start3A_124 = arith.constant 0 : i32
    %dma_start3A_125 = tpu.memref_slice %arg9[%dma_start3A_113, %dma_start3A_124] : memref<3x128xi32, #tpu.memory_space<vmem>> -> memref<1x128xi32, #tpu.memory_space<vmem>>
    %dma_start3A_126 = tpu.memref_squeeze %dma_start3A_125 : memref<1x128xi32, #tpu.memory_space<vmem>> -> memref<128xi32, #tpu.memory_space<vmem>>
    %dma_start3A_127 = arith.constant 0 : i32
    %dma_start3A_128 = arith.constant 0 : i32
    %dma_start3A_129 = tpu.memref_slice %arg3[%add3A, %dma_start3A_127, %dma_start3A_128] : memref<32x81x128xi32, #tpu.memory_space<hbm>> -> memref<1x81x128xi32, #tpu.memory_space<hbm>>
    %dma_start3A_130 = tpu.memref_squeeze %dma_start3A_129 : memref<1x81x128xi32, #tpu.memory_space<hbm>> -> memref<81x128xi32, #tpu.memory_space<hbm>>
    %dma_start3A_131 = arith.constant 0 : i32
    %dma_start3A_132 = tpu.memref_slice %dma_start3A_130[%dma_start3A_112, %dma_start3A_131] : memref<81x128xi32, #tpu.memory_space<hbm>> -> memref<1x128xi32, #tpu.memory_space<hbm>>
    %dma_start3A_133 = tpu.memref_squeeze %dma_start3A_132 : memref<1x128xi32, #tpu.memory_space<hbm>> -> memref<128xi32, #tpu.memory_space<hbm>>
    tpu.enqueue_dma source(%dma_start3A_133 : memref<128xi32, #tpu.memory_space<hbm>>) target(%dma_start3A_126 : memref<128xi32, #tpu.memory_space<vmem>>) target_semaphore(%arg16 : memref<!tpu.dma_semaphore, #tpu.memory_space<semaphore_mem>>)
    %barrier3A = arith.constant 0 : index
    tpu.barrier barrier_id(%barrier3A)
    %dma_wait3A = arith.constant 0 : i32
    %dma_wait3A_134 = arith.constant 0 : i32
    %dma_wait3A_135 = arith.constant 0 : i32
    %dma_wait3A_136 = tpu.memref_slice %arg9[%dma_wait3A_134, %dma_wait3A_135] : memref<3x128xi32, #tpu.memory_space<vmem>> -> memref<1x128xi32, #tpu.memory_space<vmem>>
    %dma_wait3A_137 = tpu.memref_squeeze %dma_wait3A_136 : memref<1x128xi32, #tpu.memory_space<vmem>> -> memref<128xi32, #tpu.memory_space<vmem>>
    %dma_wait3A_138 = arith.constant 0 : i32
    %dma_wait3A_139 = arith.constant 0 : i32
    %dma_wait3A_140 = tpu.memref_slice %arg3[%add3A, %dma_wait3A_138, %dma_wait3A_139] : memref<32x81x128xi32, #tpu.memory_space<hbm>> -> memref<1x81x128xi32, #tpu.memory_space<hbm>>
    %dma_wait3A_141 = tpu.memref_squeeze %dma_wait3A_140 : memref<1x81x128xi32, #tpu.memory_space<hbm>> -> memref<81x128xi32, #tpu.memory_space<hbm>>
    %dma_wait3A_142 = arith.constant 0 : i32
    %dma_wait3A_143 = tpu.memref_slice %dma_wait3A_141[%dma_wait3A, %dma_wait3A_142] : memref<81x128xi32, #tpu.memory_space<hbm>> -> memref<1x128xi32, #tpu.memory_space<hbm>>
    %dma_wait3A_144 = tpu.memref_squeeze %dma_wait3A_143 : memref<1x128xi32, #tpu.memory_space<hbm>> -> memref<128xi32, #tpu.memory_space<hbm>>
    %dma_wait3A_145 = arith.constant 0 : i32
    %dma_wait3A_146 = tpu.memref_slice %arg9[%dma_wait3A_134, %dma_wait3A_145] : memref<3x128xi32, #tpu.memory_space<vmem>> -> memref<1x128xi32, #tpu.memory_space<vmem>>
    %dma_wait3A_147 = tpu.memref_squeeze %dma_wait3A_146 : memref<1x128xi32, #tpu.memory_space<vmem>> -> memref<128xi32, #tpu.memory_space<vmem>>
    %dma_wait3A_148 = arith.constant 0 : i32
    %dma_wait3A_149 = arith.constant 0 : i32
    %dma_wait3A_150 = tpu.memref_slice %arg3[%add3A, %dma_wait3A_148, %dma_wait3A_149] : memref<32x81x128xi32, #tpu.memory_space<hbm>> -> memref<1x81x128xi32, #tpu.memory_space<hbm>>
    %dma_wait3A_151 = tpu.memref_squeeze %dma_wait3A_150 : memref<1x81x128xi32, #tpu.memory_space<hbm>> -> memref<81x128xi32, #tpu.memory_space<hbm>>
    %dma_wait3A_152 = arith.constant 0 : i32
    %dma_wait3A_153 = tpu.memref_slice %dma_wait3A_151[%dma_wait3A, %dma_wait3A_152] : memref<81x128xi32, #tpu.memory_space<hbm>> -> memref<1x128xi32, #tpu.memory_space<hbm>>
    %dma_wait3A_154 = tpu.memref_squeeze %dma_wait3A_153 : memref<1x128xi32, #tpu.memory_space<hbm>> -> memref<128xi32, #tpu.memory_space<hbm>>
    tpu.wait_dma2 semaphore(%arg14 : memref<!tpu.dma_semaphore, #tpu.memory_space<semaphore_mem>>) src(%dma_wait3A_154 : memref<128xi32, #tpu.memory_space<hbm>>) dst(%dma_wait3A_147 : memref<128xi32, #tpu.memory_space<vmem>>)
    %dma_start3A_155 = arith.constant 0 : i32
    %dma_start3A_156 = arith.constant 0 : i32
    %dma_start3A_157 = arith.constant 0 : i32
    %dma_start3A_158 = arith.constant 0 : i32
    %dma_start3A_159 = tpu.memref_slice %arg10[%dma_start3A_156, %dma_start3A_157, %dma_start3A_158] : memref<3x128x128xf32, #tpu.memory_space<vmem>> -> memref<1x128x128xf32, #tpu.memory_space<vmem>>
    %dma_start3A_160 = tpu.memref_squeeze %dma_start3A_159 : memref<1x128x128xf32, #tpu.memory_space<vmem>> -> memref<128x128xf32, #tpu.memory_space<vmem>>
    %dma_start3A_161 = arith.constant 0 : i32
    %dma_start3A_162 = tpu.memref_slice %arg9[%dma_start3A_155, %dma_start3A_161] : memref<3x128xi32, #tpu.memory_space<vmem>> -> memref<1x128xi32, #tpu.memory_space<vmem>>
    %dma_start3A_163 = tpu.memref_squeeze %dma_start3A_162 : memref<1x128xi32, #tpu.memory_space<vmem>> -> memref<128xi32, #tpu.memory_space<vmem>>
    %dma_start3A_164 = arith.constant 0 : i32
    %dma_start3A_165 = arith.constant 0 : i32
    %dma_start3A_166 = tpu.memref_slice %arg4[%dma_start3A_164, %dma_start3A_165] : memref<10112x128xf32, #tpu.memory_space<hbm>> -> memref<10112x128xf32, #tpu.memory_space<hbm>>
    tpu.enqueue_indirect_dma source(%dma_start3A_166 : memref<10112x128xf32, #tpu.memory_space<hbm>>) target(%dma_start3A_160 : memref<128x128xf32, #tpu.memory_space<vmem>>) offsets(%dma_start3A_163 : memref<128xi32, #tpu.memory_space<vmem>>) semaphore(%arg11 : memref<!tpu.dma_semaphore, #tpu.memory_space<semaphore_mem>>)
    %dma_wait3A_167 = arith.constant 1 : i32
    %dma_wait3A_168 = arith.constant 1 : i32
    %dma_wait3A_169 = arith.constant 0 : i32
    %dma_wait3A_170 = tpu.memref_slice %arg9[%dma_wait3A_168, %dma_wait3A_169] : memref<3x128xi32, #tpu.memory_space<vmem>> -> memref<1x128xi32, #tpu.memory_space<vmem>>
    %dma_wait3A_171 = tpu.memref_squeeze %dma_wait3A_170 : memref<1x128xi32, #tpu.memory_space<vmem>> -> memref<128xi32, #tpu.memory_space<vmem>>
    %dma_wait3A_172 = arith.constant 0 : i32
    %dma_wait3A_173 = arith.constant 0 : i32
    %dma_wait3A_174 = tpu.memref_slice %arg3[%add3A, %dma_wait3A_172, %dma_wait3A_173] : memref<32x81x128xi32, #tpu.memory_space<hbm>> -> memref<1x81x128xi32, #tpu.memory_space<hbm>>
    %dma_wait3A_175 = tpu.memref_squeeze %dma_wait3A_174 : memref<1x81x128xi32, #tpu.memory_space<hbm>> -> memref<81x128xi32, #tpu.memory_space<hbm>>
    %dma_wait3A_176 = arith.constant 0 : i32
    %dma_wait3A_177 = tpu.memref_slice %dma_wait3A_175[%dma_wait3A_167, %dma_wait3A_176] : memref<81x128xi32, #tpu.memory_space<hbm>> -> memref<1x128xi32, #tpu.memory_space<hbm>>
    %dma_wait3A_178 = tpu.memref_squeeze %dma_wait3A_177 : memref<1x128xi32, #tpu.memory_space<hbm>> -> memref<128xi32, #tpu.memory_space<hbm>>
    %dma_wait3A_179 = arith.constant 0 : i32
    %dma_wait3A_180 = tpu.memref_slice %arg9[%dma_wait3A_168, %dma_wait3A_179] : memref<3x128xi32, #tpu.memory_space<vmem>> -> memref<1x128xi32, #tpu.memory_space<vmem>>
    %dma_wait3A_181 = tpu.memref_squeeze %dma_wait3A_180 : memref<1x128xi32, #tpu.memory_space<vmem>> -> memref<128xi32, #tpu.memory_space<vmem>>
    %dma_wait3A_182 = arith.constant 0 : i32
    %dma_wait3A_183 = arith.constant 0 : i32
    %dma_wait3A_184 = tpu.memref_slice %arg3[%add3A, %dma_wait3A_182, %dma_wait3A_183] : memref<32x81x128xi32, #tpu.memory_space<hbm>> -> memref<1x81x128xi32, #tpu.memory_space<hbm>>
    %dma_wait3A_185 = tpu.memref_squeeze %dma_wait3A_184 : memref<1x81x128xi32, #tpu.memory_space<hbm>> -> memref<81x128xi32, #tpu.memory_space<hbm>>
    %dma_wait3A_186 = arith.constant 0 : i32
    %dma_wait3A_187 = tpu.memref_slice %dma_wait3A_185[%dma_wait3A_167, %dma_wait3A_186] : memref<81x128xi32, #tpu.memory_space<hbm>> -> memref<1x128xi32, #tpu.memory_space<hbm>>
    %dma_wait3A_188 = tpu.memref_squeeze %dma_wait3A_187 : memref<1x128xi32, #tpu.memory_space<hbm>> -> memref<128xi32, #tpu.memory_space<hbm>>
    tpu.wait_dma2 semaphore(%arg15 : memref<!tpu.dma_semaphore, #tpu.memory_space<semaphore_mem>>) src(%dma_wait3A_188 : memref<128xi32, #tpu.memory_space<hbm>>) dst(%dma_wait3A_181 : memref<128xi32, #tpu.memory_space<vmem>>)
    %dma_start3A_189 = arith.constant 1 : i32
    %dma_start3A_190 = arith.constant 1 : i32
    %dma_start3A_191 = arith.constant 0 : i32
    %dma_start3A_192 = arith.constant 0 : i32
    %dma_start3A_193 = tpu.memref_slice %arg10[%dma_start3A_190, %dma_start3A_191, %dma_start3A_192] : memref<3x128x128xf32, #tpu.memory_space<vmem>> -> memref<1x128x128xf32, #tpu.memory_space<vmem>>
    %dma_start3A_194 = tpu.memref_squeeze %dma_start3A_193 : memref<1x128x128xf32, #tpu.memory_space<vmem>> -> memref<128x128xf32, #tpu.memory_space<vmem>>
    %dma_start3A_195 = arith.constant 0 : i32
    %dma_start3A_196 = tpu.memref_slice %arg9[%dma_start3A_189, %dma_start3A_195] : memref<3x128xi32, #tpu.memory_space<vmem>> -> memref<1x128xi32, #tpu.memory_space<vmem>>
    %dma_start3A_197 = tpu.memref_squeeze %dma_start3A_196 : memref<1x128xi32, #tpu.memory_space<vmem>> -> memref<128xi32, #tpu.memory_space<vmem>>
    %dma_start3A_198 = arith.constant 0 : i32
    %dma_start3A_199 = arith.constant 0 : i32
    %dma_start3A_200 = tpu.memref_slice %arg4[%dma_start3A_198, %dma_start3A_199] : memref<10112x128xf32, #tpu.memory_space<hbm>> -> memref<10112x128xf32, #tpu.memory_space<hbm>>
    tpu.enqueue_indirect_dma source(%dma_start3A_200 : memref<10112x128xf32, #tpu.memory_space<hbm>>) target(%dma_start3A_194 : memref<128x128xf32, #tpu.memory_space<vmem>>) offsets(%dma_start3A_197 : memref<128xi32, #tpu.memory_space<vmem>>) semaphore(%arg12 : memref<!tpu.dma_semaphore, #tpu.memory_space<semaphore_mem>>)
    %scan3A = arith.constant 0 : i32
    %scan3A_201 = arith.constant 0 : i32
    %scan3A_202 = arith.constant 27 : i32
    %scan3A_203 = arith.addi %scan3A_201, %scan3A_202 : i32
    %scan3A_204 = arith.constant 1 : i32
    scf.for %scan3A_207 = %scan3A_201 to %scan3A_203 step %scan3A_204  : i32 {
      %mul3A_208 = arith.constant 3 : i32
      %mul3A_209 = arith.muli %mul3A_208, %scan3A_207 : i32
      %add3A_210 = arith.constant 0 : i32
      %add3A_211 = arith.addi %mul3A_209, %add3A_210 : i32
      %dma_wait3A_212 = arith.constant 0 : i32
      %dma_wait3A_213 = arith.constant 0 : i32
      %dma_wait3A_214 = arith.constant 0 : i32
      %dma_wait3A_215 = arith.constant 0 : i32
      %dma_wait3A_216 = tpu.memref_slice %arg10[%dma_wait3A_213, %dma_wait3A_214, %dma_wait3A_215] : memref<3x128x128xf32, #tpu.memory_space<vmem>> -> memref<1x128x128xf32, #tpu.memory_space<vmem>>
      %dma_wait3A_217 = tpu.memref_squeeze %dma_wait3A_216 : memref<1x128x128xf32, #tpu.memory_space<vmem>> -> memref<128x128xf32, #tpu.memory_space<vmem>>
      %dma_wait3A_218 = arith.constant 0 : i32
      %dma_wait3A_219 = tpu.memref_slice %arg9[%dma_wait3A_212, %dma_wait3A_218] : memref<3x128xi32, #tpu.memory_space<vmem>> -> memref<1x128xi32, #tpu.memory_space<vmem>>
      %dma_wait3A_220 = tpu.memref_squeeze %dma_wait3A_219 : memref<1x128xi32, #tpu.memory_space<vmem>> -> memref<128xi32, #tpu.memory_space<vmem>>
      %dma_wait3A_221 = arith.constant 0 : i32
      %dma_wait3A_222 = arith.constant 0 : i32
      %dma_wait3A_223 = tpu.memref_slice %arg4[%dma_wait3A_221, %dma_wait3A_222] : memref<10112x128xf32, #tpu.memory_space<hbm>> -> memref<10112x128xf32, #tpu.memory_space<hbm>>
      tpu.wait_indirect_dma semaphore(%arg11 : memref<!tpu.dma_semaphore, #tpu.memory_space<semaphore_mem>>) src(%dma_wait3A_223 : memref<10112x128xf32, #tpu.memory_space<hbm>>) dst(%dma_wait3A_217 : memref<128x128xf32, #tpu.memory_space<vmem>>)
      %add3A_224 = arith.constant 2 : i32
      %add3A_225 = arith.addi %add3A_211, %add3A_224 : i32
      %lt3A = arith.constant 81 : i32
      %lt3A_226 = arith.cmpi slt, %add3A_225, %lt3A : i32
      %convert_element_type3A = arith.extui %lt3A_226 : i1 to i32
      %cond3A = arith.constant 0 : i32
      %cond3A_227 = arith.cmpi ne, %convert_element_type3A, %cond3A : i32
      scf.if %cond3A_227 {
        %add3A_359 = arith.constant 2 : i32
        %add3A_360 = arith.addi %add3A_211, %add3A_359 : i32
        %dma_wait3A_361 = arith.constant 2 : i32
        %dma_wait3A_362 = arith.constant 0 : i32
        %dma_wait3A_363 = tpu.memref_slice %arg9[%dma_wait3A_361, %dma_wait3A_362] : memref<3x128xi32, #tpu.memory_space<vmem>> -> memref<1x128xi32, #tpu.memory_space<vmem>>
        %dma_wait3A_364 = tpu.memref_squeeze %dma_wait3A_363 : memref<1x128xi32, #tpu.memory_space<vmem>> -> memref<128xi32, #tpu.memory_space<vmem>>
        %dma_wait3A_365 = arith.constant 0 : i32
        %dma_wait3A_366 = arith.constant 0 : i32
        %dma_wait3A_367 = tpu.memref_slice %arg3[%add3A, %dma_wait3A_365, %dma_wait3A_366] : memref<32x81x128xi32, #tpu.memory_space<hbm>> -> memref<1x81x128xi32, #tpu.memory_space<hbm>>
        %dma_wait3A_368 = tpu.memref_squeeze %dma_wait3A_367 : memref<1x81x128xi32, #tpu.memory_space<hbm>> -> memref<81x128xi32, #tpu.memory_space<hbm>>
        %dma_wait3A_369 = arith.constant 0 : i32
        %dma_wait3A_370 = tpu.memref_slice %dma_wait3A_368[%add3A_360, %dma_wait3A_369] : memref<81x128xi32, #tpu.memory_space<hbm>> -> memref<1x128xi32, #tpu.memory_space<hbm>>
        %dma_wait3A_371 = tpu.memref_squeeze %dma_wait3A_370 : memref<1x128xi32, #tpu.memory_space<hbm>> -> memref<128xi32, #tpu.memory_space<hbm>>
        %dma_wait3A_372 = arith.constant 0 : i32
        %dma_wait3A_373 = tpu.memref_slice %arg9[%dma_wait3A_361, %dma_wait3A_372] : memref<3x128xi32, #tpu.memory_space<vmem>> -> memref<1x128xi32, #tpu.memory_space<vmem>>
        %dma_wait3A_374 = tpu.memref_squeeze %dma_wait3A_373 : memref<1x128xi32, #tpu.memory_space<vmem>> -> memref<128xi32, #tpu.memory_space<vmem>>
        %dma_wait3A_375 = arith.constant 0 : i32
        %dma_wait3A_376 = arith.constant 0 : i32
        %dma_wait3A_377 = tpu.memref_slice %arg3[%add3A, %dma_wait3A_375, %dma_wait3A_376] : memref<32x81x128xi32, #tpu.memory_space<hbm>> -> memref<1x81x128xi32, #tpu.memory_space<hbm>>
        %dma_wait3A_378 = tpu.memref_squeeze %dma_wait3A_377 : memref<1x81x128xi32, #tpu.memory_space<hbm>> -> memref<81x128xi32, #tpu.memory_space<hbm>>
        %dma_wait3A_379 = arith.constant 0 : i32
        %dma_wait3A_380 = tpu.memref_slice %dma_wait3A_378[%add3A_360, %dma_wait3A_379] : memref<81x128xi32, #tpu.memory_space<hbm>> -> memref<1x128xi32, #tpu.memory_space<hbm>>
        %dma_wait3A_381 = tpu.memref_squeeze %dma_wait3A_380 : memref<1x128xi32, #tpu.memory_space<hbm>> -> memref<128xi32, #tpu.memory_space<hbm>>
        tpu.wait_dma2 semaphore(%arg16 : memref<!tpu.dma_semaphore, #tpu.memory_space<semaphore_mem>>) src(%dma_wait3A_381 : memref<128xi32, #tpu.memory_space<hbm>>) dst(%dma_wait3A_374 : memref<128xi32, #tpu.memory_space<vmem>>)
        %dma_start3A_382 = arith.constant 2 : i32
        %dma_start3A_383 = arith.constant 2 : i32
        %dma_start3A_384 = arith.constant 0 : i32
        %dma_start3A_385 = arith.constant 0 : i32
        %dma_start3A_386 = tpu.memref_slice %arg10[%dma_start3A_383, %dma_start3A_384, %dma_start3A_385] : memref<3x128x128xf32, #tpu.memory_space<vmem>> -> memref<1x128x128xf32, #tpu.memory_space<vmem>>
        %dma_start3A_387 = tpu.memref_squeeze %dma_start3A_386 : memref<1x128x128xf32, #tpu.memory_space<vmem>> -> memref<128x128xf32, #tpu.memory_space<vmem>>
        %dma_start3A_388 = arith.constant 0 : i32
        %dma_start3A_389 = tpu.memref_slice %arg9[%dma_start3A_382, %dma_start3A_388] : memref<3x128xi32, #tpu.memory_space<vmem>> -> memref<1x128xi32, #tpu.memory_space<vmem>>
        %dma_start3A_390 = tpu.memref_squeeze %dma_start3A_389 : memref<1x128xi32, #tpu.memory_space<vmem>> -> memref<128xi32, #tpu.memory_space<vmem>>
        %dma_start3A_391 = arith.constant 0 : i32
        %dma_start3A_392 = arith.constant 0 : i32
        %dma_start3A_393 = tpu.memref_slice %arg4[%dma_start3A_391, %dma_start3A_392] : memref<10112x128xf32, #tpu.memory_space<hbm>> -> memref<10112x128xf32, #tpu.memory_space<hbm>>
        tpu.enqueue_indirect_dma source(%dma_start3A_393 : memref<10112x128xf32, #tpu.memory_space<hbm>>) target(%dma_start3A_387 : memref<128x128xf32, #tpu.memory_space<vmem>>) offsets(%dma_start3A_390 : memref<128xi32, #tpu.memory_space<vmem>>) semaphore(%arg13 : memref<!tpu.dma_semaphore, #tpu.memory_space<semaphore_mem>>)
      } else {
      }
      %dma_wait3A_228 = arith.constant 0 : i32
      %dma_wait3A_229 = arith.constant 0 : i32
      %dma_wait3A_230 = tpu.memref_slice %arg8[%dma_wait3A_228, %dma_wait3A_229] : memref<3x128xi32, #tpu.memory_space<vmem>> -> memref<1x128xi32, #tpu.memory_space<vmem>>
      %dma_wait3A_231 = tpu.memref_squeeze %dma_wait3A_230 : memref<1x128xi32, #tpu.memory_space<vmem>> -> memref<128xi32, #tpu.memory_space<vmem>>
      %dma_wait3A_232 = arith.constant 0 : i32
      %dma_wait3A_233 = arith.constant 0 : i32
      %dma_wait3A_234 = tpu.memref_slice %arg2[%add3A, %dma_wait3A_232, %dma_wait3A_233] : memref<32x81x128xi32, #tpu.memory_space<hbm>> -> memref<1x81x128xi32, #tpu.memory_space<hbm>>
      %dma_wait3A_235 = tpu.memref_squeeze %dma_wait3A_234 : memref<1x81x128xi32, #tpu.memory_space<hbm>> -> memref<81x128xi32, #tpu.memory_space<hbm>>
      %dma_wait3A_236 = arith.constant 0 : i32
      %dma_wait3A_237 = tpu.memref_slice %dma_wait3A_235[%add3A_211, %dma_wait3A_236] : memref<81x128xi32, #tpu.memory_space<hbm>> -> memref<1x128xi32, #tpu.memory_space<hbm>>
      %dma_wait3A_238 = tpu.memref_squeeze %dma_wait3A_237 : memref<1x128xi32, #tpu.memory_space<hbm>> -> memref<128xi32, #tpu.memory_space<hbm>>
      %dma_wait3A_239 = arith.constant 0 : i32
      %dma_wait3A_240 = tpu.memref_slice %arg8[%dma_wait3A_228, %dma_wait3A_239] : memref<3x128xi32, #tpu.memory_space<vmem>> -> memref<1x128xi32, #tpu.memory_space<vmem>>
      %dma_wait3A_241 = tpu.memref_squeeze %dma_wait3A_240 : memref<1x128xi32, #tpu.memory_space<vmem>> -> memref<128xi32, #tpu.memory_space<vmem>>
      %dma_wait3A_242 = arith.constant 0 : i32
      %dma_wait3A_243 = arith.constant 0 : i32
      %dma_wait3A_244 = tpu.memref_slice %arg2[%add3A, %dma_wait3A_242, %dma_wait3A_243] : memref<32x81x128xi32, #tpu.memory_space<hbm>> -> memref<1x81x128xi32, #tpu.memory_space<hbm>>
      %dma_wait3A_245 = tpu.memref_squeeze %dma_wait3A_244 : memref<1x81x128xi32, #tpu.memory_space<hbm>> -> memref<81x128xi32, #tpu.memory_space<hbm>>
      %dma_wait3A_246 = arith.constant 0 : i32
      %dma_wait3A_247 = tpu.memref_slice %dma_wait3A_245[%add3A_211, %dma_wait3A_246] : memref<81x128xi32, #tpu.memory_space<hbm>> -> memref<1x128xi32, #tpu.memory_space<hbm>>
      %dma_wait3A_248 = tpu.memref_squeeze %dma_wait3A_247 : memref<1x128xi32, #tpu.memory_space<hbm>> -> memref<128xi32, #tpu.memory_space<hbm>>
      tpu.wait_dma2 semaphore(%arg17 : memref<!tpu.dma_semaphore, #tpu.memory_space<semaphore_mem>>) src(%dma_wait3A_248 : memref<128xi32, #tpu.memory_space<hbm>>) dst(%dma_wait3A_241 : memref<128xi32, #tpu.memory_space<vmem>>)
      %run_scoped3A = arith.constant 0 : i32
      %run_scoped3A_249 = arith.constant 0 : i32
      "tpu.region"() ({
        %run_scoped3A_359 = tpu.sem_alloc : memref<!tpu.dma_semaphore, #tpu.memory_space<semaphore_mem>>
        %dma_start3A_360 = arith.constant 0 : i32
        %dma_start3A_361 = arith.constant 0 : i32
        %dma_start3A_362 = tpu.memref_slice %arg10[%run_scoped3A, %dma_start3A_360, %dma_start3A_361] : memref<3x128x128xf32, #tpu.memory_space<vmem>> -> memref<1x128x128xf32, #tpu.memory_space<vmem>>
        %dma_start3A_363 = tpu.memref_squeeze %dma_start3A_362 : memref<1x128x128xf32, #tpu.memory_space<vmem>> -> memref<128x128xf32, #tpu.memory_space<vmem>>
        %dma_start3A_364 = arith.constant 0 : i32
        %dma_start3A_365 = tpu.memref_slice %arg8[%run_scoped3A_249, %dma_start3A_364] : memref<3x128xi32, #tpu.memory_space<vmem>> -> memref<1x128xi32, #tpu.memory_space<vmem>>
        %dma_start3A_366 = tpu.memref_squeeze %dma_start3A_365 : memref<1x128xi32, #tpu.memory_space<vmem>> -> memref<128xi32, #tpu.memory_space<vmem>>
        %dma_start3A_367 = arith.constant 0 : i32
        %dma_start3A_368 = arith.constant 0 : i32
        %dma_start3A_369 = tpu.memref_slice %arg7[%dma_start3A_367, %dma_start3A_368] : memref<10112x128xf32, #tpu.memory_space<vmem_shared>> -> memref<10112x128xf32, #tpu.memory_space<vmem_shared>>
        tpu.enqueue_indirect_dma source(%dma_start3A_363 : memref<128x128xf32, #tpu.memory_space<vmem>>) target(%dma_start3A_369 : memref<10112x128xf32, #tpu.memory_space<vmem_shared>>) offsets(%dma_start3A_366 : memref<128xi32, #tpu.memory_space<vmem>>) semaphore(%run_scoped3A_359 : memref<!tpu.dma_semaphore, #tpu.memory_space<semaphore_mem>>) {add = true}
        %dma_wait3A_370 = arith.constant 0 : i32
        %dma_wait3A_371 = arith.constant 0 : i32
        %dma_wait3A_372 = tpu.memref_slice %arg10[%run_scoped3A, %dma_wait3A_370, %dma_wait3A_371] : memref<3x128x128xf32, #tpu.memory_space<vmem>> -> memref<1x128x128xf32, #tpu.memory_space<vmem>>
        %dma_wait3A_373 = tpu.memref_squeeze %dma_wait3A_372 : memref<1x128x128xf32, #tpu.memory_space<vmem>> -> memref<128x128xf32, #tpu.memory_space<vmem>>
        %dma_wait3A_374 = arith.constant 0 : i32
        %dma_wait3A_375 = tpu.memref_slice %arg8[%run_scoped3A_249, %dma_wait3A_374] : memref<3x128xi32, #tpu.memory_space<vmem>> -> memref<1x128xi32, #tpu.memory_space<vmem>>
        %dma_wait3A_376 = tpu.memref_squeeze %dma_wait3A_375 : memref<1x128xi32, #tpu.memory_space<vmem>> -> memref<128xi32, #tpu.memory_space<vmem>>
        %dma_wait3A_377 = arith.constant 0 : i32
        %dma_wait3A_378 = arith.constant 0 : i32
        %dma_wait3A_379 = tpu.memref_slice %arg7[%dma_wait3A_377, %dma_wait3A_378] : memref<10112x128xf32, #tpu.memory_space<vmem_shared>> -> memref<10112x128xf32, #tpu.memory_space<vmem_shared>>
        tpu.wait_indirect_dma semaphore(%run_scoped3A_359 : memref<!tpu.dma_semaphore, #tpu.memory_space<semaphore_mem>>) src(%dma_wait3A_373 : memref<128x128xf32, #tpu.memory_space<vmem>>) dst(%dma_wait3A_379 : memref<10112x128xf32, #tpu.memory_space<vmem_shared>>)
        tpu.yield
      }) : () -> ()
      %add3A_250 = arith.constant 3 : i32
      %add3A_251 = arith.addi %add3A_211, %add3A_250 : i32
      %lt3A_252 = arith.constant 81 : i32
      %lt3A_253 = arith.cmpi slt, %add3A_251, %lt3A_252 : i32
      %convert_element_type3A_254 = arith.extui %lt3A_253 : i1 to i32
      %cond3A_255 = arith.constant 0 : i32
      %cond3A_256 = arith.cmpi ne, %convert_element_type3A_254, %cond3A_255 : i32
      scf.if %cond3A_256 {
        %add3A_359 = arith.constant 3 : i32
        %add3A_360 = arith.addi %add3A_211, %add3A_359 : i32
        %dma_start3A_361 = arith.constant 0 : i32
        %dma_start3A_362 = arith.constant 0 : i32
        %dma_start3A_363 = tpu.memref_slice %arg8[%dma_start3A_361, %dma_start3A_362] : memref<3x128xi32, #tpu.memory_space<vmem>> -> memref<1x128xi32, #tpu.memory_space<vmem>>
        %dma_start3A_364 = tpu.memref_squeeze %dma_start3A_363 : memref<1x128xi32, #tpu.memory_space<vmem>> -> memref<128xi32, #tpu.memory_space<vmem>>
        %dma_start3A_365 = arith.constant 0 : i32
        %dma_start3A_366 = arith.constant 0 : i32
        %dma_start3A_367 = tpu.memref_slice %arg2[%add3A, %dma_start3A_365, %dma_start3A_366] : memref<32x81x128xi32, #tpu.memory_space<hbm>> -> memref<1x81x128xi32, #tpu.memory_space<hbm>>
        %dma_start3A_368 = tpu.memref_squeeze %dma_start3A_367 : memref<1x81x128xi32, #tpu.memory_space<hbm>> -> memref<81x128xi32, #tpu.memory_space<hbm>>
        %dma_start3A_369 = arith.constant 0 : i32
        %dma_start3A_370 = tpu.memref_slice %dma_start3A_368[%add3A_360, %dma_start3A_369] : memref<81x128xi32, #tpu.memory_space<hbm>> -> memref<1x128xi32, #tpu.memory_space<hbm>>
        %dma_start3A_371 = tpu.memref_squeeze %dma_start3A_370 : memref<1x128xi32, #tpu.memory_space<hbm>> -> memref<128xi32, #tpu.memory_space<hbm>>
        %dma_start3A_372 = arith.constant 0 : i32
        %dma_start3A_373 = tpu.memref_slice %arg8[%dma_start3A_361, %dma_start3A_372] : memref<3x128xi32, #tpu.memory_space<vmem>> -> memref<1x128xi32, #tpu.memory_space<vmem>>
        %dma_start3A_374 = tpu.memref_squeeze %dma_start3A_373 : memref<1x128xi32, #tpu.memory_space<vmem>> -> memref<128xi32, #tpu.memory_space<vmem>>
        %dma_start3A_375 = arith.constant 0 : i32
        %dma_start3A_376 = arith.constant 0 : i32
        %dma_start3A_377 = tpu.memref_slice %arg2[%add3A, %dma_start3A_375, %dma_start3A_376] : memref<32x81x128xi32, #tpu.memory_space<hbm>> -> memref<1x81x128xi32, #tpu.memory_space<hbm>>
        %dma_start3A_378 = tpu.memref_squeeze %dma_start3A_377 : memref<1x81x128xi32, #tpu.memory_space<hbm>> -> memref<81x128xi32, #tpu.memory_space<hbm>>
        %dma_start3A_379 = arith.constant 0 : i32
        %dma_start3A_380 = tpu.memref_slice %dma_start3A_378[%add3A_360, %dma_start3A_379] : memref<81x128xi32, #tpu.memory_space<hbm>> -> memref<1x128xi32, #tpu.memory_space<hbm>>
        %dma_start3A_381 = tpu.memref_squeeze %dma_start3A_380 : memref<1x128xi32, #tpu.memory_space<hbm>> -> memref<128xi32, #tpu.memory_space<hbm>>
        tpu.enqueue_dma source(%dma_start3A_381 : memref<128xi32, #tpu.memory_space<hbm>>) target(%dma_start3A_374 : memref<128xi32, #tpu.memory_space<vmem>>) target_semaphore(%arg17 : memref<!tpu.dma_semaphore, #tpu.memory_space<semaphore_mem>>)
        %add3A_382 = arith.constant 3 : i32
        %add3A_383 = arith.addi %add3A_211, %add3A_382 : i32
        %dma_start3A_384 = arith.constant 0 : i32
        %dma_start3A_385 = arith.constant 0 : i32
        %dma_start3A_386 = tpu.memref_slice %arg9[%dma_start3A_384, %dma_start3A_385] : memref<3x128xi32, #tpu.memory_space<vmem>> -> memref<1x128xi32, #tpu.memory_space<vmem>>
        %dma_start3A_387 = tpu.memref_squeeze %dma_start3A_386 : memref<1x128xi32, #tpu.memory_space<vmem>> -> memref<128xi32, #tpu.memory_space<vmem>>
        %dma_start3A_388 = arith.constant 0 : i32
        %dma_start3A_389 = arith.constant 0 : i32
        %dma_start3A_390 = tpu.memref_slice %arg3[%add3A, %dma_start3A_388, %dma_start3A_389] : memref<32x81x128xi32, #tpu.memory_space<hbm>> -> memref<1x81x128xi32, #tpu.memory_space<hbm>>
        %dma_start3A_391 = tpu.memref_squeeze %dma_start3A_390 : memref<1x81x128xi32, #tpu.memory_space<hbm>> -> memref<81x128xi32, #tpu.memory_space<hbm>>
        %dma_start3A_392 = arith.constant 0 : i32
        %dma_start3A_393 = tpu.memref_slice %dma_start3A_391[%add3A_383, %dma_start3A_392] : memref<81x128xi32, #tpu.memory_space<hbm>> -> memref<1x128xi32, #tpu.memory_space<hbm>>
        %dma_start3A_394 = tpu.memref_squeeze %dma_start3A_393 : memref<1x128xi32, #tpu.memory_space<hbm>> -> memref<128xi32, #tpu.memory_space<hbm>>
        %dma_start3A_395 = arith.constant 0 : i32
        %dma_start3A_396 = tpu.memref_slice %arg9[%dma_start3A_384, %dma_start3A_395] : memref<3x128xi32, #tpu.memory_space<vmem>> -> memref<1x128xi32, #tpu.memory_space<vmem>>
        %dma_start3A_397 = tpu.memref_squeeze %dma_start3A_396 : memref<1x128xi32, #tpu.memory_space<vmem>> -> memref<128xi32, #tpu.memory_space<vmem>>
        %dma_start3A_398 = arith.constant 0 : i32
        %dma_start3A_399 = arith.constant 0 : i32
        %dma_start3A_400 = tpu.memref_slice %arg3[%add3A, %dma_start3A_398, %dma_start3A_399] : memref<32x81x128xi32, #tpu.memory_space<hbm>> -> memref<1x81x128xi32, #tpu.memory_space<hbm>>
        %dma_start3A_401 = tpu.memref_squeeze %dma_start3A_400 : memref<1x81x128xi32, #tpu.memory_space<hbm>> -> memref<81x128xi32, #tpu.memory_space<hbm>>
        %dma_start3A_402 = arith.constant 0 : i32
        %dma_start3A_403 = tpu.memref_slice %dma_start3A_401[%add3A_383, %dma_start3A_402] : memref<81x128xi32, #tpu.memory_space<hbm>> -> memref<1x128xi32, #tpu.memory_space<hbm>>
        %dma_start3A_404 = tpu.memref_squeeze %dma_start3A_403 : memref<1x128xi32, #tpu.memory_space<hbm>> -> memref<128xi32, #tpu.memory_space<hbm>>
        tpu.enqueue_dma source(%dma_start3A_404 : memref<128xi32, #tpu.memory_space<hbm>>) target(%dma_start3A_397 : memref<128xi32, #tpu.memory_space<vmem>>) target_semaphore(%arg14 : memref<!tpu.dma_semaphore, #tpu.memory_space<semaphore_mem>>)
      } else {
      }
      %add3A_257 = arith.constant 1 : i32
      %add3A_258 = arith.addi %mul3A_209, %add3A_257 : i32
      %dma_wait3A_259 = arith.constant 1 : i32
      %dma_wait3A_260 = arith.constant 1 : i32
      %dma_wait3A_261 = arith.constant 0 : i32
      %dma_wait3A_262 = arith.constant 0 : i32
      %dma_wait3A_263 = tpu.memref_slice %arg10[%dma_wait3A_260, %dma_wait3A_261, %dma_wait3A_262] : memref<3x128x128xf32, #tpu.memory_space<vmem>> -> memref<1x128x128xf32, #tpu.memory_space<vmem>>
      %dma_wait3A_264 = tpu.memref_squeeze %dma_wait3A_263 : memref<1x128x128xf32, #tpu.memory_space<vmem>> -> memref<128x128xf32, #tpu.memory_space<vmem>>
      %dma_wait3A_265 = arith.constant 0 : i32
      %dma_wait3A_266 = tpu.memref_slice %arg9[%dma_wait3A_259, %dma_wait3A_265] : memref<3x128xi32, #tpu.memory_space<vmem>> -> memref<1x128xi32, #tpu.memory_space<vmem>>
      %dma_wait3A_267 = tpu.memref_squeeze %dma_wait3A_266 : memref<1x128xi32, #tpu.memory_space<vmem>> -> memref<128xi32, #tpu.memory_space<vmem>>
      %dma_wait3A_268 = arith.constant 0 : i32
      %dma_wait3A_269 = arith.constant 0 : i32
      %dma_wait3A_270 = tpu.memref_slice %arg4[%dma_wait3A_268, %dma_wait3A_269] : memref<10112x128xf32, #tpu.memory_space<hbm>> -> memref<10112x128xf32, #tpu.memory_space<hbm>>
      tpu.wait_indirect_dma semaphore(%arg12 : memref<!tpu.dma_semaphore, #tpu.memory_space<semaphore_mem>>) src(%dma_wait3A_270 : memref<10112x128xf32, #tpu.memory_space<hbm>>) dst(%dma_wait3A_264 : memref<128x128xf32, #tpu.memory_space<vmem>>)
      %add3A_271 = arith.constant 2 : i32
      %add3A_272 = arith.addi %add3A_258, %add3A_271 : i32
      %lt3A_273 = arith.constant 81 : i32
      %lt3A_274 = arith.cmpi slt, %add3A_272, %lt3A_273 : i32
      %convert_element_type3A_275 = arith.extui %lt3A_274 : i1 to i32
      %cond3A_276 = arith.constant 0 : i32
      %cond3A_277 = arith.cmpi ne, %convert_element_type3A_275, %cond3A_276 : i32
      scf.if %cond3A_277 {
        %add3A_359 = arith.constant 2 : i32
        %add3A_360 = arith.addi %add3A_258, %add3A_359 : i32
        %dma_wait3A_361 = arith.constant 0 : i32
        %dma_wait3A_362 = arith.constant 0 : i32
        %dma_wait3A_363 = tpu.memref_slice %arg9[%dma_wait3A_361, %dma_wait3A_362] : memref<3x128xi32, #tpu.memory_space<vmem>> -> memref<1x128xi32, #tpu.memory_space<vmem>>
        %dma_wait3A_364 = tpu.memref_squeeze %dma_wait3A_363 : memref<1x128xi32, #tpu.memory_space<vmem>> -> memref<128xi32, #tpu.memory_space<vmem>>
        %dma_wait3A_365 = arith.constant 0 : i32
        %dma_wait3A_366 = arith.constant 0 : i32
        %dma_wait3A_367 = tpu.memref_slice %arg3[%add3A, %dma_wait3A_365, %dma_wait3A_366] : memref<32x81x128xi32, #tpu.memory_space<hbm>> -> memref<1x81x128xi32, #tpu.memory_space<hbm>>
        %dma_wait3A_368 = tpu.memref_squeeze %dma_wait3A_367 : memref<1x81x128xi32, #tpu.memory_space<hbm>> -> memref<81x128xi32, #tpu.memory_space<hbm>>
        %dma_wait3A_369 = arith.constant 0 : i32
        %dma_wait3A_370 = tpu.memref_slice %dma_wait3A_368[%add3A_360, %dma_wait3A_369] : memref<81x128xi32, #tpu.memory_space<hbm>> -> memref<1x128xi32, #tpu.memory_space<hbm>>
        %dma_wait3A_371 = tpu.memref_squeeze %dma_wait3A_370 : memref<1x128xi32, #tpu.memory_space<hbm>> -> memref<128xi32, #tpu.memory_space<hbm>>
        %dma_wait3A_372 = arith.constant 0 : i32
        %dma_wait3A_373 = tpu.memref_slice %arg9[%dma_wait3A_361, %dma_wait3A_372] : memref<3x128xi32, #tpu.memory_space<vmem>> -> memref<1x128xi32, #tpu.memory_space<vmem>>
        %dma_wait3A_374 = tpu.memref_squeeze %dma_wait3A_373 : memref<1x128xi32, #tpu.memory_space<vmem>> -> memref<128xi32, #tpu.memory_space<vmem>>
        %dma_wait3A_375 = arith.constant 0 : i32
        %dma_wait3A_376 = arith.constant 0 : i32
        %dma_wait3A_377 = tpu.memref_slice %arg3[%add3A, %dma_wait3A_375, %dma_wait3A_376] : memref<32x81x128xi32, #tpu.memory_space<hbm>> -> memref<1x81x128xi32, #tpu.memory_space<hbm>>
        %dma_wait3A_378 = tpu.memref_squeeze %dma_wait3A_377 : memref<1x81x128xi32, #tpu.memory_space<hbm>> -> memref<81x128xi32, #tpu.memory_space<hbm>>
        %dma_wait3A_379 = arith.constant 0 : i32
        %dma_wait3A_380 = tpu.memref_slice %dma_wait3A_378[%add3A_360, %dma_wait3A_379] : memref<81x128xi32, #tpu.memory_space<hbm>> -> memref<1x128xi32, #tpu.memory_space<hbm>>
        %dma_wait3A_381 = tpu.memref_squeeze %dma_wait3A_380 : memref<1x128xi32, #tpu.memory_space<hbm>> -> memref<128xi32, #tpu.memory_space<hbm>>
        tpu.wait_dma2 semaphore(%arg14 : memref<!tpu.dma_semaphore, #tpu.memory_space<semaphore_mem>>) src(%dma_wait3A_381 : memref<128xi32, #tpu.memory_space<hbm>>) dst(%dma_wait3A_374 : memref<128xi32, #tpu.memory_space<vmem>>)
        %dma_start3A_382 = arith.constant 0 : i32
        %dma_start3A_383 = arith.constant 0 : i32
        %dma_start3A_384 = arith.constant 0 : i32
        %dma_start3A_385 = arith.constant 0 : i32
        %dma_start3A_386 = tpu.memref_slice %arg10[%dma_start3A_383, %dma_start3A_384, %dma_start3A_385] : memref<3x128x128xf32, #tpu.memory_space<vmem>> -> memref<1x128x128xf32, #tpu.memory_space<vmem>>
        %dma_start3A_387 = tpu.memref_squeeze %dma_start3A_386 : memref<1x128x128xf32, #tpu.memory_space<vmem>> -> memref<128x128xf32, #tpu.memory_space<vmem>>
        %dma_start3A_388 = arith.constant 0 : i32
        %dma_start3A_389 = tpu.memref_slice %arg9[%dma_start3A_382, %dma_start3A_388] : memref<3x128xi32, #tpu.memory_space<vmem>> -> memref<1x128xi32, #tpu.memory_space<vmem>>
        %dma_start3A_390 = tpu.memref_squeeze %dma_start3A_389 : memref<1x128xi32, #tpu.memory_space<vmem>> -> memref<128xi32, #tpu.memory_space<vmem>>
        %dma_start3A_391 = arith.constant 0 : i32
        %dma_start3A_392 = arith.constant 0 : i32
        %dma_start3A_393 = tpu.memref_slice %arg4[%dma_start3A_391, %dma_start3A_392] : memref<10112x128xf32, #tpu.memory_space<hbm>> -> memref<10112x128xf32, #tpu.memory_space<hbm>>
        tpu.enqueue_indirect_dma source(%dma_start3A_393 : memref<10112x128xf32, #tpu.memory_space<hbm>>) target(%dma_start3A_387 : memref<128x128xf32, #tpu.memory_space<vmem>>) offsets(%dma_start3A_390 : memref<128xi32, #tpu.memory_space<vmem>>) semaphore(%arg11 : memref<!tpu.dma_semaphore, #tpu.memory_space<semaphore_mem>>)
      } else {
      }
      %dma_wait3A_278 = arith.constant 1 : i32
      %dma_wait3A_279 = arith.constant 0 : i32
      %dma_wait3A_280 = tpu.memref_slice %arg8[%dma_wait3A_278, %dma_wait3A_279] : memref<3x128xi32, #tpu.memory_space<vmem>> -> memref<1x128xi32, #tpu.memory_space<vmem>>
      %dma_wait3A_281 = tpu.memref_squeeze %dma_wait3A_280 : memref<1x128xi32, #tpu.memory_space<vmem>> -> memref<128xi32, #tpu.memory_space<vmem>>
      %dma_wait3A_282 = arith.constant 0 : i32
      %dma_wait3A_283 = arith.constant 0 : i32
      %dma_wait3A_284 = tpu.memref_slice %arg2[%add3A, %dma_wait3A_282, %dma_wait3A_283] : memref<32x81x128xi32, #tpu.memory_space<hbm>> -> memref<1x81x128xi32, #tpu.memory_space<hbm>>
      %dma_wait3A_285 = tpu.memref_squeeze %dma_wait3A_284 : memref<1x81x128xi32, #tpu.memory_space<hbm>> -> memref<81x128xi32, #tpu.memory_space<hbm>>
      %dma_wait3A_286 = arith.constant 0 : i32
      %dma_wait3A_287 = tpu.memref_slice %dma_wait3A_285[%add3A_258, %dma_wait3A_286] : memref<81x128xi32, #tpu.memory_space<hbm>> -> memref<1x128xi32, #tpu.memory_space<hbm>>
      %dma_wait3A_288 = tpu.memref_squeeze %dma_wait3A_287 : memref<1x128xi32, #tpu.memory_space<hbm>> -> memref<128xi32, #tpu.memory_space<hbm>>
      %dma_wait3A_289 = arith.constant 0 : i32
      %dma_wait3A_290 = tpu.memref_slice %arg8[%dma_wait3A_278, %dma_wait3A_289] : memref<3x128xi32, #tpu.memory_space<vmem>> -> memref<1x128xi32, #tpu.memory_space<vmem>>
      %dma_wait3A_291 = tpu.memref_squeeze %dma_wait3A_290 : memref<1x128xi32, #tpu.memory_space<vmem>> -> memref<128xi32, #tpu.memory_space<vmem>>
      %dma_wait3A_292 = arith.constant 0 : i32
      %dma_wait3A_293 = arith.constant 0 : i32
      %dma_wait3A_294 = tpu.memref_slice %arg2[%add3A, %dma_wait3A_292, %dma_wait3A_293] : memref<32x81x128xi32, #tpu.memory_space<hbm>> -> memref<1x81x128xi32, #tpu.memory_space<hbm>>
      %dma_wait3A_295 = tpu.memref_squeeze %dma_wait3A_294 : memref<1x81x128xi32, #tpu.memory_space<hbm>> -> memref<81x128xi32, #tpu.memory_space<hbm>>
      %dma_wait3A_296 = arith.constant 0 : i32
      %dma_wait3A_297 = tpu.memref_slice %dma_wait3A_295[%add3A_258, %dma_wait3A_296] : memref<81x128xi32, #tpu.memory_space<hbm>> -> memref<1x128xi32, #tpu.memory_space<hbm>>
      %dma_wait3A_298 = tpu.memref_squeeze %dma_wait3A_297 : memref<1x128xi32, #tpu.memory_space<hbm>> -> memref<128xi32, #tpu.memory_space<hbm>>
      tpu.wait_dma2 semaphore(%arg18 : memref<!tpu.dma_semaphore, #tpu.memory_space<semaphore_mem>>) src(%dma_wait3A_298 : memref<128xi32, #tpu.memory_space<hbm>>) dst(%dma_wait3A_291 : memref<128xi32, #tpu.memory_space<vmem>>)
      %run_scoped3A_299 = arith.constant 1 : i32
      %run_scoped3A_300 = arith.constant 1 : i32
      "tpu.region"() ({
        %run_scoped3A_359 = tpu.sem_alloc : memref<!tpu.dma_semaphore, #tpu.memory_space<semaphore_mem>>
        %dma_start3A_360 = arith.constant 0 : i32
        %dma_start3A_361 = arith.constant 0 : i32
        %dma_start3A_362 = tpu.memref_slice %arg10[%run_scoped3A_299, %dma_start3A_360, %dma_start3A_361] : memref<3x128x128xf32, #tpu.memory_space<vmem>> -> memref<1x128x128xf32, #tpu.memory_space<vmem>>
        %dma_start3A_363 = tpu.memref_squeeze %dma_start3A_362 : memref<1x128x128xf32, #tpu.memory_space<vmem>> -> memref<128x128xf32, #tpu.memory_space<vmem>>
        %dma_start3A_364 = arith.constant 0 : i32
        %dma_start3A_365 = tpu.memref_slice %arg8[%run_scoped3A_300, %dma_start3A_364] : memref<3x128xi32, #tpu.memory_space<vmem>> -> memref<1x128xi32, #tpu.memory_space<vmem>>
        %dma_start3A_366 = tpu.memref_squeeze %dma_start3A_365 : memref<1x128xi32, #tpu.memory_space<vmem>> -> memref<128xi32, #tpu.memory_space<vmem>>
        %dma_start3A_367 = arith.constant 0 : i32
        %dma_start3A_368 = arith.constant 0 : i32
        %dma_start3A_369 = tpu.memref_slice %arg7[%dma_start3A_367, %dma_start3A_368] : memref<10112x128xf32, #tpu.memory_space<vmem_shared>> -> memref<10112x128xf32, #tpu.memory_space<vmem_shared>>
        tpu.enqueue_indirect_dma source(%dma_start3A_363 : memref<128x128xf32, #tpu.memory_space<vmem>>) target(%dma_start3A_369 : memref<10112x128xf32, #tpu.memory_space<vmem_shared>>) offsets(%dma_start3A_366 : memref<128xi32, #tpu.memory_space<vmem>>) semaphore(%run_scoped3A_359 : memref<!tpu.dma_semaphore, #tpu.memory_space<semaphore_mem>>) {add = true}
        %dma_wait3A_370 = arith.constant 0 : i32
        %dma_wait3A_371 = arith.constant 0 : i32
        %dma_wait3A_372 = tpu.memref_slice %arg10[%run_scoped3A_299, %dma_wait3A_370, %dma_wait3A_371] : memref<3x128x128xf32, #tpu.memory_space<vmem>> -> memref<1x128x128xf32, #tpu.memory_space<vmem>>
        %dma_wait3A_373 = tpu.memref_squeeze %dma_wait3A_372 : memref<1x128x128xf32, #tpu.memory_space<vmem>> -> memref<128x128xf32, #tpu.memory_space<vmem>>
        %dma_wait3A_374 = arith.constant 0 : i32
        %dma_wait3A_375 = tpu.memref_slice %arg8[%run_scoped3A_300, %dma_wait3A_374] : memref<3x128xi32, #tpu.memory_space<vmem>> -> memref<1x128xi32, #tpu.memory_space<vmem>>
        %dma_wait3A_376 = tpu.memref_squeeze %dma_wait3A_375 : memref<1x128xi32, #tpu.memory_space<vmem>> -> memref<128xi32, #tpu.memory_space<vmem>>
        %dma_wait3A_377 = arith.constant 0 : i32
        %dma_wait3A_378 = arith.constant 0 : i32
        %dma_wait3A_379 = tpu.memref_slice %arg7[%dma_wait3A_377, %dma_wait3A_378] : memref<10112x128xf32, #tpu.memory_space<vmem_shared>> -> memref<10112x128xf32, #tpu.memory_space<vmem_shared>>
        tpu.wait_indirect_dma semaphore(%run_scoped3A_359 : memref<!tpu.dma_semaphore, #tpu.memory_space<semaphore_mem>>) src(%dma_wait3A_373 : memref<128x128xf32, #tpu.memory_space<vmem>>) dst(%dma_wait3A_379 : memref<10112x128xf32, #tpu.memory_space<vmem_shared>>)
        tpu.yield
      }) : () -> ()
      %add3A_301 = arith.constant 3 : i32
      %add3A_302 = arith.addi %add3A_258, %add3A_301 : i32
      %lt3A_303 = arith.constant 81 : i32
      %lt3A_304 = arith.cmpi slt, %add3A_302, %lt3A_303 : i32
      %convert_element_type3A_305 = arith.extui %lt3A_304 : i1 to i32
      %cond3A_306 = arith.constant 0 : i32
      %cond3A_307 = arith.cmpi ne, %convert_element_type3A_305, %cond3A_306 : i32
      scf.if %cond3A_307 {
        %add3A_359 = arith.constant 3 : i32
        %add3A_360 = arith.addi %add3A_258, %add3A_359 : i32
        %dma_start3A_361 = arith.constant 1 : i32
        %dma_start3A_362 = arith.constant 0 : i32
        %dma_start3A_363 = tpu.memref_slice %arg8[%dma_start3A_361, %dma_start3A_362] : memref<3x128xi32, #tpu.memory_space<vmem>> -> memref<1x128xi32, #tpu.memory_space<vmem>>
        %dma_start3A_364 = tpu.memref_squeeze %dma_start3A_363 : memref<1x128xi32, #tpu.memory_space<vmem>> -> memref<128xi32, #tpu.memory_space<vmem>>
        %dma_start3A_365 = arith.constant 0 : i32
        %dma_start3A_366 = arith.constant 0 : i32
        %dma_start3A_367 = tpu.memref_slice %arg2[%add3A, %dma_start3A_365, %dma_start3A_366] : memref<32x81x128xi32, #tpu.memory_space<hbm>> -> memref<1x81x128xi32, #tpu.memory_space<hbm>>
        %dma_start3A_368 = tpu.memref_squeeze %dma_start3A_367 : memref<1x81x128xi32, #tpu.memory_space<hbm>> -> memref<81x128xi32, #tpu.memory_space<hbm>>
        %dma_start3A_369 = arith.constant 0 : i32
        %dma_start3A_370 = tpu.memref_slice %dma_start3A_368[%add3A_360, %dma_start3A_369] : memref<81x128xi32, #tpu.memory_space<hbm>> -> memref<1x128xi32, #tpu.memory_space<hbm>>
        %dma_start3A_371 = tpu.memref_squeeze %dma_start3A_370 : memref<1x128xi32, #tpu.memory_space<hbm>> -> memref<128xi32, #tpu.memory_space<hbm>>
        %dma_start3A_372 = arith.constant 0 : i32
        %dma_start3A_373 = tpu.memref_slice %arg8[%dma_start3A_361, %dma_start3A_372] : memref<3x128xi32, #tpu.memory_space<vmem>> -> memref<1x128xi32, #tpu.memory_space<vmem>>
        %dma_start3A_374 = tpu.memref_squeeze %dma_start3A_373 : memref<1x128xi32, #tpu.memory_space<vmem>> -> memref<128xi32, #tpu.memory_space<vmem>>
        %dma_start3A_375 = arith.constant 0 : i32
        %dma_start3A_376 = arith.constant 0 : i32
        %dma_start3A_377 = tpu.memref_slice %arg2[%add3A, %dma_start3A_375, %dma_start3A_376] : memref<32x81x128xi32, #tpu.memory_space<hbm>> -> memref<1x81x128xi32, #tpu.memory_space<hbm>>
        %dma_start3A_378 = tpu.memref_squeeze %dma_start3A_377 : memref<1x81x128xi32, #tpu.memory_space<hbm>> -> memref<81x128xi32, #tpu.memory_space<hbm>>
        %dma_start3A_379 = arith.constant 0 : i32
        %dma_start3A_380 = tpu.memref_slice %dma_start3A_378[%add3A_360, %dma_start3A_379] : memref<81x128xi32, #tpu.memory_space<hbm>> -> memref<1x128xi32, #tpu.memory_space<hbm>>
        %dma_start3A_381 = tpu.memref_squeeze %dma_start3A_380 : memref<1x128xi32, #tpu.memory_space<hbm>> -> memref<128xi32, #tpu.memory_space<hbm>>
        tpu.enqueue_dma source(%dma_start3A_381 : memref<128xi32, #tpu.memory_space<hbm>>) target(%dma_start3A_374 : memref<128xi32, #tpu.memory_space<vmem>>) target_semaphore(%arg18 : memref<!tpu.dma_semaphore, #tpu.memory_space<semaphore_mem>>)
        %add3A_382 = arith.constant 3 : i32
        %add3A_383 = arith.addi %add3A_258, %add3A_382 : i32
        %dma_start3A_384 = arith.constant 1 : i32
        %dma_start3A_385 = arith.constant 0 : i32
        %dma_start3A_386 = tpu.memref_slice %arg9[%dma_start3A_384, %dma_start3A_385] : memref<3x128xi32, #tpu.memory_space<vmem>> -> memref<1x128xi32, #tpu.memory_space<vmem>>
        %dma_start3A_387 = tpu.memref_squeeze %dma_start3A_386 : memref<1x128xi32, #tpu.memory_space<vmem>> -> memref<128xi32, #tpu.memory_space<vmem>>
        %dma_start3A_388 = arith.constant 0 : i32
        %dma_start3A_389 = arith.constant 0 : i32
        %dma_start3A_390 = tpu.memref_slice %arg3[%add3A, %dma_start3A_388, %dma_start3A_389] : memref<32x81x128xi32, #tpu.memory_space<hbm>> -> memref<1x81x128xi32, #tpu.memory_space<hbm>>
        %dma_start3A_391 = tpu.memref_squeeze %dma_start3A_390 : memref<1x81x128xi32, #tpu.memory_space<hbm>> -> memref<81x128xi32, #tpu.memory_space<hbm>>
        %dma_start3A_392 = arith.constant 0 : i32
        %dma_start3A_393 = tpu.memref_slice %dma_start3A_391[%add3A_383, %dma_start3A_392] : memref<81x128xi32, #tpu.memory_space<hbm>> -> memref<1x128xi32, #tpu.memory_space<hbm>>
        %dma_start3A_394 = tpu.memref_squeeze %dma_start3A_393 : memref<1x128xi32, #tpu.memory_space<hbm>> -> memref<128xi32, #tpu.memory_space<hbm>>
        %dma_start3A_395 = arith.constant 0 : i32
        %dma_start3A_396 = tpu.memref_slice %arg9[%dma_start3A_384, %dma_start3A_395] : memref<3x128xi32, #tpu.memory_space<vmem>> -> memref<1x128xi32, #tpu.memory_space<vmem>>
        %dma_start3A_397 = tpu.memref_squeeze %dma_start3A_396 : memref<1x128xi32, #tpu.memory_space<vmem>> -> memref<128xi32, #tpu.memory_space<vmem>>
        %dma_start3A_398 = arith.constant 0 : i32
        %dma_start3A_399 = arith.constant 0 : i32
        %dma_start3A_400 = tpu.memref_slice %arg3[%add3A, %dma_start3A_398, %dma_start3A_399] : memref<32x81x128xi32, #tpu.memory_space<hbm>> -> memref<1x81x128xi32, #tpu.memory_space<hbm>>
        %dma_start3A_401 = tpu.memref_squeeze %dma_start3A_400 : memref<1x81x128xi32, #tpu.memory_space<hbm>> -> memref<81x128xi32, #tpu.memory_space<hbm>>
        %dma_start3A_402 = arith.constant 0 : i32
        %dma_start3A_403 = tpu.memref_slice %dma_start3A_401[%add3A_383, %dma_start3A_402] : memref<81x128xi32, #tpu.memory_space<hbm>> -> memref<1x128xi32, #tpu.memory_space<hbm>>
        %dma_start3A_404 = tpu.memref_squeeze %dma_start3A_403 : memref<1x128xi32, #tpu.memory_space<hbm>> -> memref<128xi32, #tpu.memory_space<hbm>>
        tpu.enqueue_dma source(%dma_start3A_404 : memref<128xi32, #tpu.memory_space<hbm>>) target(%dma_start3A_397 : memref<128xi32, #tpu.memory_space<vmem>>) target_semaphore(%arg15 : memref<!tpu.dma_semaphore, #tpu.memory_space<semaphore_mem>>)
      } else {
      }
      %add3A_308 = arith.constant 2 : i32
      %add3A_309 = arith.addi %mul3A_209, %add3A_308 : i32
      %dma_wait3A_310 = arith.constant 2 : i32
      %dma_wait3A_311 = arith.constant 2 : i32
      %dma_wait3A_312 = arith.constant 0 : i32
      %dma_wait3A_313 = arith.constant 0 : i32
      %dma_wait3A_314 = tpu.memref_slice %arg10[%dma_wait3A_311, %dma_wait3A_312, %dma_wait3A_313] : memref<3x128x128xf32, #tpu.memory_space<vmem>> -> memref<1x128x128xf32, #tpu.memory_space<vmem>>
      %dma_wait3A_315 = tpu.memref_squeeze %dma_wait3A_314 : memref<1x128x128xf32, #tpu.memory_space<vmem>> -> memref<128x128xf32, #tpu.memory_space<vmem>>
      %dma_wait3A_316 = arith.constant 0 : i32
      %dma_wait3A_317 = tpu.memref_slice %arg9[%dma_wait3A_310, %dma_wait3A_316] : memref<3x128xi32, #tpu.memory_space<vmem>> -> memref<1x128xi32, #tpu.memory_space<vmem>>
      %dma_wait3A_318 = tpu.memref_squeeze %dma_wait3A_317 : memref<1x128xi32, #tpu.memory_space<vmem>> -> memref<128xi32, #tpu.memory_space<vmem>>
      %dma_wait3A_319 = arith.constant 0 : i32
      %dma_wait3A_320 = arith.constant 0 : i32
      %dma_wait3A_321 = tpu.memref_slice %arg4[%dma_wait3A_319, %dma_wait3A_320] : memref<10112x128xf32, #tpu.memory_space<hbm>> -> memref<10112x128xf32, #tpu.memory_space<hbm>>
      tpu.wait_indirect_dma semaphore(%arg13 : memref<!tpu.dma_semaphore, #tpu.memory_space<semaphore_mem>>) src(%dma_wait3A_321 : memref<10112x128xf32, #tpu.memory_space<hbm>>) dst(%dma_wait3A_315 : memref<128x128xf32, #tpu.memory_space<vmem>>)
      %add3A_322 = arith.constant 2 : i32
      %add3A_323 = arith.addi %add3A_309, %add3A_322 : i32
      %lt3A_324 = arith.constant 81 : i32
      %lt3A_325 = arith.cmpi slt, %add3A_323, %lt3A_324 : i32
      %convert_element_type3A_326 = arith.extui %lt3A_325 : i1 to i32
      %cond3A_327 = arith.constant 0 : i32
      %cond3A_328 = arith.cmpi ne, %convert_element_type3A_326, %cond3A_327 : i32
      scf.if %cond3A_328 {
        %add3A_359 = arith.constant 2 : i32
        %add3A_360 = arith.addi %add3A_309, %add3A_359 : i32
        %dma_wait3A_361 = arith.constant 1 : i32
        %dma_wait3A_362 = arith.constant 0 : i32
        %dma_wait3A_363 = tpu.memref_slice %arg9[%dma_wait3A_361, %dma_wait3A_362] : memref<3x128xi32, #tpu.memory_space<vmem>> -> memref<1x128xi32, #tpu.memory_space<vmem>>
        %dma_wait3A_364 = tpu.memref_squeeze %dma_wait3A_363 : memref<1x128xi32, #tpu.memory_space<vmem>> -> memref<128xi32, #tpu.memory_space<vmem>>
        %dma_wait3A_365 = arith.constant 0 : i32
        %dma_wait3A_366 = arith.constant 0 : i32
        %dma_wait3A_367 = tpu.memref_slice %arg3[%add3A, %dma_wait3A_365, %dma_wait3A_366] : memref<32x81x128xi32, #tpu.memory_space<hbm>> -> memref<1x81x128xi32, #tpu.memory_space<hbm>>
        %dma_wait3A_368 = tpu.memref_squeeze %dma_wait3A_367 : memref<1x81x128xi32, #tpu.memory_space<hbm>> -> memref<81x128xi32, #tpu.memory_space<hbm>>
        %dma_wait3A_369 = arith.constant 0 : i32
        %dma_wait3A_370 = tpu.memref_slice %dma_wait3A_368[%add3A_360, %dma_wait3A_369] : memref<81x128xi32, #tpu.memory_space<hbm>> -> memref<1x128xi32, #tpu.memory_space<hbm>>
        %dma_wait3A_371 = tpu.memref_squeeze %dma_wait3A_370 : memref<1x128xi32, #tpu.memory_space<hbm>> -> memref<128xi32, #tpu.memory_space<hbm>>
        %dma_wait3A_372 = arith.constant 0 : i32
        %dma_wait3A_373 = tpu.memref_slice %arg9[%dma_wait3A_361, %dma_wait3A_372] : memref<3x128xi32, #tpu.memory_space<vmem>> -> memref<1x128xi32, #tpu.memory_space<vmem>>
        %dma_wait3A_374 = tpu.memref_squeeze %dma_wait3A_373 : memref<1x128xi32, #tpu.memory_space<vmem>> -> memref<128xi32, #tpu.memory_space<vmem>>
        %dma_wait3A_375 = arith.constant 0 : i32
        %dma_wait3A_376 = arith.constant 0 : i32
        %dma_wait3A_377 = tpu.memref_slice %arg3[%add3A, %dma_wait3A_375, %dma_wait3A_376] : memref<32x81x128xi32, #tpu.memory_space<hbm>> -> memref<1x81x128xi32, #tpu.memory_space<hbm>>
        %dma_wait3A_378 = tpu.memref_squeeze %dma_wait3A_377 : memref<1x81x128xi32, #tpu.memory_space<hbm>> -> memref<81x128xi32, #tpu.memory_space<hbm>>
        %dma_wait3A_379 = arith.constant 0 : i32
        %dma_wait3A_380 = tpu.memref_slice %dma_wait3A_378[%add3A_360, %dma_wait3A_379] : memref<81x128xi32, #tpu.memory_space<hbm>> -> memref<1x128xi32, #tpu.memory_space<hbm>>
        %dma_wait3A_381 = tpu.memref_squeeze %dma_wait3A_380 : memref<1x128xi32, #tpu.memory_space<hbm>> -> memref<128xi32, #tpu.memory_space<hbm>>
        tpu.wait_dma2 semaphore(%arg15 : memref<!tpu.dma_semaphore, #tpu.memory_space<semaphore_mem>>) src(%dma_wait3A_381 : memref<128xi32, #tpu.memory_space<hbm>>) dst(%dma_wait3A_374 : memref<128xi32, #tpu.memory_space<vmem>>)
        %dma_start3A_382 = arith.constant 1 : i32
        %dma_start3A_383 = arith.constant 1 : i32
        %dma_start3A_384 = arith.constant 0 : i32
        %dma_start3A_385 = arith.constant 0 : i32
        %dma_start3A_386 = tpu.memref_slice %arg10[%dma_start3A_383, %dma_start3A_384, %dma_start3A_385] : memref<3x128x128xf32, #tpu.memory_space<vmem>> -> memref<1x128x128xf32, #tpu.memory_space<vmem>>
        %dma_start3A_387 = tpu.memref_squeeze %dma_start3A_386 : memref<1x128x128xf32, #tpu.memory_space<vmem>> -> memref<128x128xf32, #tpu.memory_space<vmem>>
        %dma_start3A_388 = arith.constant 0 : i32
        %dma_start3A_389 = tpu.memref_slice %arg9[%dma_start3A_382, %dma_start3A_388] : memref<3x128xi32, #tpu.memory_space<vmem>> -> memref<1x128xi32, #tpu.memory_space<vmem>>
        %dma_start3A_390 = tpu.memref_squeeze %dma_start3A_389 : memref<1x128xi32, #tpu.memory_space<vmem>> -> memref<128xi32, #tpu.memory_space<vmem>>
        %dma_start3A_391 = arith.constant 0 : i32
        %dma_start3A_392 = arith.constant 0 : i32
        %dma_start3A_393 = tpu.memref_slice %arg4[%dma_start3A_391, %dma_start3A_392] : memref<10112x128xf32, #tpu.memory_space<hbm>> -> memref<10112x128xf32, #tpu.memory_space<hbm>>
        tpu.enqueue_indirect_dma source(%dma_start3A_393 : memref<10112x128xf32, #tpu.memory_space<hbm>>) target(%dma_start3A_387 : memref<128x128xf32, #tpu.memory_space<vmem>>) offsets(%dma_start3A_390 : memref<128xi32, #tpu.memory_space<vmem>>) semaphore(%arg12 : memref<!tpu.dma_semaphore, #tpu.memory_space<semaphore_mem>>)
      } else {
      }
      %dma_wait3A_329 = arith.constant 2 : i32
      %dma_wait3A_330 = arith.constant 0 : i32
      %dma_wait3A_331 = tpu.memref_slice %arg8[%dma_wait3A_329, %dma_wait3A_330] : memref<3x128xi32, #tpu.memory_space<vmem>> -> memref<1x128xi32, #tpu.memory_space<vmem>>
      %dma_wait3A_332 = tpu.memref_squeeze %dma_wait3A_331 : memref<1x128xi32, #tpu.memory_space<vmem>> -> memref<128xi32, #tpu.memory_space<vmem>>
      %dma_wait3A_333 = arith.constant 0 : i32
      %dma_wait3A_334 = arith.constant 0 : i32
      %dma_wait3A_335 = tpu.memref_slice %arg2[%add3A, %dma_wait3A_333, %dma_wait3A_334] : memref<32x81x128xi32, #tpu.memory_space<hbm>> -> memref<1x81x128xi32, #tpu.memory_space<hbm>>
      %dma_wait3A_336 = tpu.memref_squeeze %dma_wait3A_335 : memref<1x81x128xi32, #tpu.memory_space<hbm>> -> memref<81x128xi32, #tpu.memory_space<hbm>>
      %dma_wait3A_337 = arith.constant 0 : i32
      %dma_wait3A_338 = tpu.memref_slice %dma_wait3A_336[%add3A_309, %dma_wait3A_337] : memref<81x128xi32, #tpu.memory_space<hbm>> -> memref<1x128xi32, #tpu.memory_space<hbm>>
      %dma_wait3A_339 = tpu.memref_squeeze %dma_wait3A_338 : memref<1x128xi32, #tpu.memory_space<hbm>> -> memref<128xi32, #tpu.memory_space<hbm>>
      %dma_wait3A_340 = arith.constant 0 : i32
      %dma_wait3A_341 = tpu.memref_slice %arg8[%dma_wait3A_329, %dma_wait3A_340] : memref<3x128xi32, #tpu.memory_space<vmem>> -> memref<1x128xi32, #tpu.memory_space<vmem>>
      %dma_wait3A_342 = tpu.memref_squeeze %dma_wait3A_341 : memref<1x128xi32, #tpu.memory_space<vmem>> -> memref<128xi32, #tpu.memory_space<vmem>>
      %dma_wait3A_343 = arith.constant 0 : i32
      %dma_wait3A_344 = arith.constant 0 : i32
      %dma_wait3A_345 = tpu.memref_slice %arg2[%add3A, %dma_wait3A_343, %dma_wait3A_344] : memref<32x81x128xi32, #tpu.memory_space<hbm>> -> memref<1x81x128xi32, #tpu.memory_space<hbm>>
      %dma_wait3A_346 = tpu.memref_squeeze %dma_wait3A_345 : memref<1x81x128xi32, #tpu.memory_space<hbm>> -> memref<81x128xi32, #tpu.memory_space<hbm>>
      %dma_wait3A_347 = arith.constant 0 : i32
      %dma_wait3A_348 = tpu.memref_slice %dma_wait3A_346[%add3A_309, %dma_wait3A_347] : memref<81x128xi32, #tpu.memory_space<hbm>> -> memref<1x128xi32, #tpu.memory_space<hbm>>
      %dma_wait3A_349 = tpu.memref_squeeze %dma_wait3A_348 : memref<1x128xi32, #tpu.memory_space<hbm>> -> memref<128xi32, #tpu.memory_space<hbm>>
      tpu.wait_dma2 semaphore(%arg19 : memref<!tpu.dma_semaphore, #tpu.memory_space<semaphore_mem>>) src(%dma_wait3A_349 : memref<128xi32, #tpu.memory_space<hbm>>) dst(%dma_wait3A_342 : memref<128xi32, #tpu.memory_space<vmem>>)
      %run_scoped3A_350 = arith.constant 2 : i32
      %run_scoped3A_351 = arith.constant 2 : i32
      "tpu.region"() ({
        %run_scoped3A_359 = tpu.sem_alloc : memref<!tpu.dma_semaphore, #tpu.memory_space<semaphore_mem>>
        %dma_start3A_360 = arith.constant 0 : i32
        %dma_start3A_361 = arith.constant 0 : i32
        %dma_start3A_362 = tpu.memref_slice %arg10[%run_scoped3A_350, %dma_start3A_360, %dma_start3A_361] : memref<3x128x128xf32, #tpu.memory_space<vmem>> -> memref<1x128x128xf32, #tpu.memory_space<vmem>>
        %dma_start3A_363 = tpu.memref_squeeze %dma_start3A_362 : memref<1x128x128xf32, #tpu.memory_space<vmem>> -> memref<128x128xf32, #tpu.memory_space<vmem>>
        %dma_start3A_364 = arith.constant 0 : i32
        %dma_start3A_365 = tpu.memref_slice %arg8[%run_scoped3A_351, %dma_start3A_364] : memref<3x128xi32, #tpu.memory_space<vmem>> -> memref<1x128xi32, #tpu.memory_space<vmem>>
        %dma_start3A_366 = tpu.memref_squeeze %dma_start3A_365 : memref<1x128xi32, #tpu.memory_space<vmem>> -> memref<128xi32, #tpu.memory_space<vmem>>
        %dma_start3A_367 = arith.constant 0 : i32
        %dma_start3A_368 = arith.constant 0 : i32
        %dma_start3A_369 = tpu.memref_slice %arg7[%dma_start3A_367, %dma_start3A_368] : memref<10112x128xf32, #tpu.memory_space<vmem_shared>> -> memref<10112x128xf32, #tpu.memory_space<vmem_shared>>
        tpu.enqueue_indirect_dma source(%dma_start3A_363 : memref<128x128xf32, #tpu.memory_space<vmem>>) target(%dma_start3A_369 : memref<10112x128xf32, #tpu.memory_space<vmem_shared>>) offsets(%dma_start3A_366 : memref<128xi32, #tpu.memory_space<vmem>>) semaphore(%run_scoped3A_359 : memref<!tpu.dma_semaphore, #tpu.memory_space<semaphore_mem>>) {add = true}
        %dma_wait3A_370 = arith.constant 0 : i32
        %dma_wait3A_371 = arith.constant 0 : i32
        %dma_wait3A_372 = tpu.memref_slice %arg10[%run_scoped3A_350, %dma_wait3A_370, %dma_wait3A_371] : memref<3x128x128xf32, #tpu.memory_space<vmem>> -> memref<1x128x128xf32, #tpu.memory_space<vmem>>
        %dma_wait3A_373 = tpu.memref_squeeze %dma_wait3A_372 : memref<1x128x128xf32, #tpu.memory_space<vmem>> -> memref<128x128xf32, #tpu.memory_space<vmem>>
        %dma_wait3A_374 = arith.constant 0 : i32
        %dma_wait3A_375 = tpu.memref_slice %arg8[%run_scoped3A_351, %dma_wait3A_374] : memref<3x128xi32, #tpu.memory_space<vmem>> -> memref<1x128xi32, #tpu.memory_space<vmem>>
        %dma_wait3A_376 = tpu.memref_squeeze %dma_wait3A_375 : memref<1x128xi32, #tpu.memory_space<vmem>> -> memref<128xi32, #tpu.memory_space<vmem>>
        %dma_wait3A_377 = arith.constant 0 : i32
        %dma_wait3A_378 = arith.constant 0 : i32
        %dma_wait3A_379 = tpu.memref_slice %arg7[%dma_wait3A_377, %dma_wait3A_378] : memref<10112x128xf32, #tpu.memory_space<vmem_shared>> -> memref<10112x128xf32, #tpu.memory_space<vmem_shared>>
        tpu.wait_indirect_dma semaphore(%run_scoped3A_359 : memref<!tpu.dma_semaphore, #tpu.memory_space<semaphore_mem>>) src(%dma_wait3A_373 : memref<128x128xf32, #tpu.memory_space<vmem>>) dst(%dma_wait3A_379 : memref<10112x128xf32, #tpu.memory_space<vmem_shared>>)
        tpu.yield
      }) : () -> ()
      %add3A_352 = arith.constant 3 : i32
      %add3A_353 = arith.addi %add3A_309, %add3A_352 : i32
      %lt3A_354 = arith.constant 81 : i32
      %lt3A_355 = arith.cmpi slt, %add3A_353, %lt3A_354 : i32
      %convert_element_type3A_356 = arith.extui %lt3A_355 : i1 to i32
      %cond3A_357 = arith.constant 0 : i32
      %cond3A_358 = arith.cmpi ne, %convert_element_type3A_356, %cond3A_357 : i32
      scf.if %cond3A_358 {
        %add3A_359 = arith.constant 3 : i32
        %add3A_360 = arith.addi %add3A_309, %add3A_359 : i32
        %dma_start3A_361 = arith.constant 2 : i32
        %dma_start3A_362 = arith.constant 0 : i32
        %dma_start3A_363 = tpu.memref_slice %arg8[%dma_start3A_361, %dma_start3A_362] : memref<3x128xi32, #tpu.memory_space<vmem>> -> memref<1x128xi32, #tpu.memory_space<vmem>>
        %dma_start3A_364 = tpu.memref_squeeze %dma_start3A_363 : memref<1x128xi32, #tpu.memory_space<vmem>> -> memref<128xi32, #tpu.memory_space<vmem>>
        %dma_start3A_365 = arith.constant 0 : i32
        %dma_start3A_366 = arith.constant 0 : i32
        %dma_start3A_367 = tpu.memref_slice %arg2[%add3A, %dma_start3A_365, %dma_start3A_366] : memref<32x81x128xi32, #tpu.memory_space<hbm>> -> memref<1x81x128xi32, #tpu.memory_space<hbm>>
        %dma_start3A_368 = tpu.memref_squeeze %dma_start3A_367 : memref<1x81x128xi32, #tpu.memory_space<hbm>> -> memref<81x128xi32, #tpu.memory_space<hbm>>
        %dma_start3A_369 = arith.constant 0 : i32
        %dma_start3A_370 = tpu.memref_slice %dma_start3A_368[%add3A_360, %dma_start3A_369] : memref<81x128xi32, #tpu.memory_space<hbm>> -> memref<1x128xi32, #tpu.memory_space<hbm>>
        %dma_start3A_371 = tpu.memref_squeeze %dma_start3A_370 : memref<1x128xi32, #tpu.memory_space<hbm>> -> memref<128xi32, #tpu.memory_space<hbm>>
        %dma_start3A_372 = arith.constant 0 : i32
        %dma_start3A_373 = tpu.memref_slice %arg8[%dma_start3A_361, %dma_start3A_372] : memref<3x128xi32, #tpu.memory_space<vmem>> -> memref<1x128xi32, #tpu.memory_space<vmem>>
        %dma_start3A_374 = tpu.memref_squeeze %dma_start3A_373 : memref<1x128xi32, #tpu.memory_space<vmem>> -> memref<128xi32, #tpu.memory_space<vmem>>
        %dma_start3A_375 = arith.constant 0 : i32
        %dma_start3A_376 = arith.constant 0 : i32
        %dma_start3A_377 = tpu.memref_slice %arg2[%add3A, %dma_start3A_375, %dma_start3A_376] : memref<32x81x128xi32, #tpu.memory_space<hbm>> -> memref<1x81x128xi32, #tpu.memory_space<hbm>>
        %dma_start3A_378 = tpu.memref_squeeze %dma_start3A_377 : memref<1x81x128xi32, #tpu.memory_space<hbm>> -> memref<81x128xi32, #tpu.memory_space<hbm>>
        %dma_start3A_379 = arith.constant 0 : i32
        %dma_start3A_380 = tpu.memref_slice %dma_start3A_378[%add3A_360, %dma_start3A_379] : memref<81x128xi32, #tpu.memory_space<hbm>> -> memref<1x128xi32, #tpu.memory_space<hbm>>
        %dma_start3A_381 = tpu.memref_squeeze %dma_start3A_380 : memref<1x128xi32, #tpu.memory_space<hbm>> -> memref<128xi32, #tpu.memory_space<hbm>>
        tpu.enqueue_dma source(%dma_start3A_381 : memref<128xi32, #tpu.memory_space<hbm>>) target(%dma_start3A_374 : memref<128xi32, #tpu.memory_space<vmem>>) target_semaphore(%arg19 : memref<!tpu.dma_semaphore, #tpu.memory_space<semaphore_mem>>)
        %add3A_382 = arith.constant 3 : i32
        %add3A_383 = arith.addi %add3A_309, %add3A_382 : i32
        %dma_start3A_384 = arith.constant 2 : i32
        %dma_start3A_385 = arith.constant 0 : i32
        %dma_start3A_386 = tpu.memref_slice %arg9[%dma_start3A_384, %dma_start3A_385] : memref<3x128xi32, #tpu.memory_space<vmem>> -> memref<1x128xi32, #tpu.memory_space<vmem>>
        %dma_start3A_387 = tpu.memref_squeeze %dma_start3A_386 : memref<1x128xi32, #tpu.memory_space<vmem>> -> memref<128xi32, #tpu.memory_space<vmem>>
        %dma_start3A_388 = arith.constant 0 : i32
        %dma_start3A_389 = arith.constant 0 : i32
        %dma_start3A_390 = tpu.memref_slice %arg3[%add3A, %dma_start3A_388, %dma_start3A_389] : memref<32x81x128xi32, #tpu.memory_space<hbm>> -> memref<1x81x128xi32, #tpu.memory_space<hbm>>
        %dma_start3A_391 = tpu.memref_squeeze %dma_start3A_390 : memref<1x81x128xi32, #tpu.memory_space<hbm>> -> memref<81x128xi32, #tpu.memory_space<hbm>>
        %dma_start3A_392 = arith.constant 0 : i32
        %dma_start3A_393 = tpu.memref_slice %dma_start3A_391[%add3A_383, %dma_start3A_392] : memref<81x128xi32, #tpu.memory_space<hbm>> -> memref<1x128xi32, #tpu.memory_space<hbm>>
        %dma_start3A_394 = tpu.memref_squeeze %dma_start3A_393 : memref<1x128xi32, #tpu.memory_space<hbm>> -> memref<128xi32, #tpu.memory_space<hbm>>
        %dma_start3A_395 = arith.constant 0 : i32
        %dma_start3A_396 = tpu.memref_slice %arg9[%dma_start3A_384, %dma_start3A_395] : memref<3x128xi32, #tpu.memory_space<vmem>> -> memref<1x128xi32, #tpu.memory_space<vmem>>
        %dma_start3A_397 = tpu.memref_squeeze %dma_start3A_396 : memref<1x128xi32, #tpu.memory_space<vmem>> -> memref<128xi32, #tpu.memory_space<vmem>>
        %dma_start3A_398 = arith.constant 0 : i32
        %dma_start3A_399 = arith.constant 0 : i32
        %dma_start3A_400 = tpu.memref_slice %arg3[%add3A, %dma_start3A_398, %dma_start3A_399] : memref<32x81x128xi32, #tpu.memory_space<hbm>> -> memref<1x81x128xi32, #tpu.memory_space<hbm>>
        %dma_start3A_401 = tpu.memref_squeeze %dma_start3A_400 : memref<1x81x128xi32, #tpu.memory_space<hbm>> -> memref<81x128xi32, #tpu.memory_space<hbm>>
        %dma_start3A_402 = arith.constant 0 : i32
        %dma_start3A_403 = tpu.memref_slice %dma_start3A_401[%add3A_383, %dma_start3A_402] : memref<81x128xi32, #tpu.memory_space<hbm>> -> memref<1x128xi32, #tpu.memory_space<hbm>>
        %dma_start3A_404 = tpu.memref_squeeze %dma_start3A_403 : memref<1x128xi32, #tpu.memory_space<hbm>> -> memref<128xi32, #tpu.memory_space<hbm>>
        tpu.enqueue_dma source(%dma_start3A_404 : memref<128xi32, #tpu.memory_space<hbm>>) target(%dma_start3A_397 : memref<128xi32, #tpu.memory_space<vmem>>) target_semaphore(%arg16 : memref<!tpu.dma_semaphore, #tpu.memory_space<semaphore_mem>>)
      } else {
      }
    }
    %scan3A_205 = arith.constant 27 : i32
    %barrier3A_206 = arith.constant 0 : index
    tpu.barrier barrier_id(%barrier3A_206)
    "tpu.region"() ({
      %run_scoped3A = tpu.sem_alloc : memref<!tpu.dma_semaphore, #tpu.memory_space<semaphore_mem>>
      %dma_start3A_207 = arith.constant 0 : i32
      %dma_start3A_208 = arith.constant 0 : i32
      %dma_start3A_209 = tpu.memref_slice %arg6[%arg0, %dma_start3A_207, %dma_start3A_208] : memref<2x10112x128xf32, #tpu.memory_space<hbm>> -> memref<1x10112x128xf32, #tpu.memory_space<hbm>>
      %dma_start3A_210 = tpu.memref_squeeze %dma_start3A_209 : memref<1x10112x128xf32, #tpu.memory_space<hbm>> -> memref<10112x128xf32, #tpu.memory_space<hbm>>
      %dma_start3A_211 = arith.constant 0 : i32
      %dma_start3A_212 = tpu.memref_slice %dma_start3A_210[%mul3A_2, %dma_start3A_211] : memref<10112x128xf32, #tpu.memory_space<hbm>> -> memref<632x128xf32, #tpu.memory_space<hbm>>
      %dma_start3A_213 = arith.constant 0 : i32
      %dma_start3A_214 = tpu.memref_slice %arg7[%mul3A_2, %dma_start3A_213] : memref<10112x128xf32, #tpu.memory_space<vmem_shared>> -> memref<632x128xf32, #tpu.memory_space<vmem_shared>>
      tpu.enqueue_dma source(%dma_start3A_214 : memref<632x128xf32, #tpu.memory_space<vmem_shared>>) target(%dma_start3A_212 : memref<632x128xf32, #tpu.memory_space<hbm>>) target_semaphore(%run_scoped3A : memref<!tpu.dma_semaphore, #tpu.memory_space<semaphore_mem>>)
      %dma_wait3A_215 = arith.constant 0 : i32
      %dma_wait3A_216 = arith.constant 0 : i32
      %dma_wait3A_217 = tpu.memref_slice %arg6[%arg0, %dma_wait3A_215, %dma_wait3A_216] : memref<2x10112x128xf32, #tpu.memory_space<hbm>> -> memref<1x10112x128xf32, #tpu.memory_space<hbm>>
      %dma_wait3A_218 = tpu.memref_squeeze %dma_wait3A_217 : memref<1x10112x128xf32, #tpu.memory_space<hbm>> -> memref<10112x128xf32, #tpu.memory_space<hbm>>
      %dma_wait3A_219 = arith.constant 0 : i32
      %dma_wait3A_220 = tpu.memref_slice %dma_wait3A_218[%mul3A_2, %dma_wait3A_219] : memref<10112x128xf32, #tpu.memory_space<hbm>> -> memref<632x128xf32, #tpu.memory_space<hbm>>
      %dma_wait3A_221 = arith.constant 0 : i32
      %dma_wait3A_222 = tpu.memref_slice %arg7[%mul3A_2, %dma_wait3A_221] : memref<10112x128xf32, #tpu.memory_space<vmem_shared>> -> memref<632x128xf32, #tpu.memory_space<vmem_shared>>
      tpu.wait_dma2 semaphore(%run_scoped3A : memref<!tpu.dma_semaphore, #tpu.memory_space<semaphore_mem>>) src(%dma_wait3A_222 : memref<632x128xf32, #tpu.memory_space<vmem_shared>>) dst(%dma_wait3A_220 : memref<632x128xf32, #tpu.memory_space<hbm>>)
      tpu.yield
    }) : () -> ()
    return
  }
}

#map = affine_map<(d0, d1) -> (0, 0, 0)>
#map1 = affine_map<(d0, d1) -> (0, 0)>
module attributes {stable_mosaic.version = 14 : i64} {
  func.func @_sc_spmm_body(%arg0: i32, %arg1: i32, %arg2: memref<32x81x128xi32, #tpu.memory_space<hbm>>, %arg3: memref<32x81x128xi32, #tpu.memory_space<hbm>>, %arg4: memref<10112x128xf32, #tpu.memory_space<hbm>>, %arg5: memref<10112x128xf32, #tpu.memory_space<hbm>>, %arg6: memref<2x10112x128xf32, #tpu.memory_space<hbm>>, %arg7: memref<10112x128xf32, #tpu.memory_space<vmem_shared>>, %arg8: memref<3x128xi32, #tpu.memory_space<vmem>>, %arg9: memref<3x128xi32, #tpu.memory_space<vmem>>, %arg10: memref<3x128x128xf32, #tpu.memory_space<vmem>>, %arg11: memref<!tpu.dma_semaphore, #tpu.memory_space<semaphore_mem>>, %arg12: memref<!tpu.dma_semaphore, #tpu.memory_space<semaphore_mem>>, %arg13: memref<!tpu.dma_semaphore, #tpu.memory_space<semaphore_mem>>, %arg14: memref<!tpu.dma_semaphore, #tpu.memory_space<semaphore_mem>>, %arg15: memref<!tpu.dma_semaphore, #tpu.memory_space<semaphore_mem>>, %arg16: memref<!tpu.dma_semaphore, #tpu.memory_space<semaphore_mem>>, %arg17: memref<!tpu.dma_semaphore, #tpu.memory_space<semaphore_mem>>, %arg18: memref<!tpu.dma_semaphore, #tpu.memory_space<semaphore_mem>>, %arg19: memref<!tpu.dma_semaphore, #tpu.memory_space<semaphore_mem>>) attributes {dimension_semantics = [#tpu.dimension_semantics<core_parallel>, #tpu.dimension_semantics<subcore_parallel>], iteration_bounds = array<i64: 2, 16>, scalar_prefetch = 0 : i64, scratch_operands = 13 : i64, tpu.core_type = #tpu.core_type<sc_vector_subcore>, window_params = [{transform_indices = #map}, {transform_indices = #map}, {transform_indices = #map1}, {transform_indices = #map1}, {transform_indices = #map}]} {
    %mul3A = arith.constant 2 : i32
    %mul3A_0 = arith.muli %arg1, %mul3A : i32
    %add3A = arith.addi %mul3A_0, %arg0 : i32
    %mul3A_1 = arith.constant 632 : i32
    %mul3A_2 = arith.muli %arg1, %mul3A_1 : i32
    "tpu.region"() ({
      %run_scoped3A = tpu.sem_alloc : memref<!tpu.dma_semaphore, #tpu.memory_space<semaphore_mem>>
      %dma_start3A_207 = arith.constant 0 : i32
      %dma_start3A_208 = tpu.memref_slice %arg7[%mul3A_2, %dma_start3A_207] : memref<10112x128xf32, #tpu.memory_space<vmem_shared>> -> memref<632x128xf32, #tpu.memory_space<vmem_shared>>
      %dma_start3A_209 = arith.constant 0 : i32
      %dma_start3A_210 = tpu.memref_slice %arg5[%mul3A_2, %dma_start3A_209] : memref<10112x128xf32, #tpu.memory_space<hbm>> -> memref<632x128xf32, #tpu.memory_space<hbm>>
      tpu.enqueue_dma source(%dma_start3A_210 : memref<632x128xf32, #tpu.memory_space<hbm>>) target(%dma_start3A_208 : memref<632x128xf32, #tpu.memory_space<vmem_shared>>) target_semaphore(%run_scoped3A : memref<!tpu.dma_semaphore, #tpu.memory_space<semaphore_mem>>)
      %dma_wait3A_211 = arith.constant 0 : i32
      %dma_wait3A_212 = tpu.memref_slice %arg7[%mul3A_2, %dma_wait3A_211] : memref<10112x128xf32, #tpu.memory_space<vmem_shared>> -> memref<632x128xf32, #tpu.memory_space<vmem_shared>>
      %dma_wait3A_213 = arith.constant 0 : i32
      %dma_wait3A_214 = tpu.memref_slice %arg5[%mul3A_2, %dma_wait3A_213] : memref<10112x128xf32, #tpu.memory_space<hbm>> -> memref<632x128xf32, #tpu.memory_space<hbm>>
      tpu.wait_dma2 semaphore(%run_scoped3A : memref<!tpu.dma_semaphore, #tpu.memory_space<semaphore_mem>>) src(%dma_wait3A_214 : memref<632x128xf32, #tpu.memory_space<hbm>>) dst(%dma_wait3A_212 : memref<632x128xf32, #tpu.memory_space<vmem_shared>>)
      tpu.yield
    }) : () -> ()
    %dma_start3A = arith.constant 0 : i32
    %dma_start3A_3 = arith.constant 0 : i32
    %dma_start3A_4 = arith.constant 0 : i32
    %dma_start3A_5 = tpu.memref_slice %arg8[%dma_start3A_3, %dma_start3A_4] : memref<3x128xi32, #tpu.memory_space<vmem>> -> memref<1x128xi32, #tpu.memory_space<vmem>>
    %dma_start3A_6 = tpu.memref_squeeze %dma_start3A_5 : memref<1x128xi32, #tpu.memory_space<vmem>> -> memref<128xi32, #tpu.memory_space<vmem>>
    %dma_start3A_7 = arith.constant 0 : i32
    %dma_start3A_8 = arith.constant 0 : i32
    %dma_start3A_9 = tpu.memref_slice %arg2[%add3A, %dma_start3A_7, %dma_start3A_8] : memref<32x81x128xi32, #tpu.memory_space<hbm>> -> memref<1x81x128xi32, #tpu.memory_space<hbm>>
    %dma_start3A_10 = tpu.memref_squeeze %dma_start3A_9 : memref<1x81x128xi32, #tpu.memory_space<hbm>> -> memref<81x128xi32, #tpu.memory_space<hbm>>
    %dma_start3A_11 = arith.constant 0 : i32
    %dma_start3A_12 = tpu.memref_slice %dma_start3A_10[%dma_start3A, %dma_start3A_11] : memref<81x128xi32, #tpu.memory_space<hbm>> -> memref<1x128xi32, #tpu.memory_space<hbm>>
    %dma_start3A_13 = tpu.memref_squeeze %dma_start3A_12 : memref<1x128xi32, #tpu.memory_space<hbm>> -> memref<128xi32, #tpu.memory_space<hbm>>
    %dma_start3A_14 = arith.constant 0 : i32
    %dma_start3A_15 = tpu.memref_slice %arg8[%dma_start3A_3, %dma_start3A_14] : memref<3x128xi32, #tpu.memory_space<vmem>> -> memref<1x128xi32, #tpu.memory_space<vmem>>
    %dma_start3A_16 = tpu.memref_squeeze %dma_start3A_15 : memref<1x128xi32, #tpu.memory_space<vmem>> -> memref<128xi32, #tpu.memory_space<vmem>>
    %dma_start3A_17 = arith.constant 0 : i32
    %dma_start3A_18 = arith.constant 0 : i32
    %dma_start3A_19 = tpu.memref_slice %arg2[%add3A, %dma_start3A_17, %dma_start3A_18] : memref<32x81x128xi32, #tpu.memory_space<hbm>> -> memref<1x81x128xi32, #tpu.memory_space<hbm>>
    %dma_start3A_20 = tpu.memref_squeeze %dma_start3A_19 : memref<1x81x128xi32, #tpu.memory_space<hbm>> -> memref<81x128xi32, #tpu.memory_space<hbm>>
    %dma_start3A_21 = arith.constant 0 : i32
    %dma_start3A_22 = tpu.memref_slice %dma_start3A_20[%dma_start3A, %dma_start3A_21] : memref<81x128xi32, #tpu.memory_space<hbm>> -> memref<1x128xi32, #tpu.memory_space<hbm>>
    %dma_start3A_23 = tpu.memref_squeeze %dma_start3A_22 : memref<1x128xi32, #tpu.memory_space<hbm>> -> memref<128xi32, #tpu.memory_space<hbm>>
    tpu.enqueue_dma source(%dma_start3A_23 : memref<128xi32, #tpu.memory_space<hbm>>) target(%dma_start3A_16 : memref<128xi32, #tpu.memory_space<vmem>>) target_semaphore(%arg17 : memref<!tpu.dma_semaphore, #tpu.memory_space<semaphore_mem>>)
    %dma_start3A_24 = arith.constant 0 : i32
    %dma_start3A_25 = arith.constant 0 : i32
    %dma_start3A_26 = arith.constant 0 : i32
    %dma_start3A_27 = tpu.memref_slice %arg9[%dma_start3A_25, %dma_start3A_26] : memref<3x128xi32, #tpu.memory_space<vmem>> -> memref<1x128xi32, #tpu.memory_space<vmem>>
    %dma_start3A_28 = tpu.memref_squeeze %dma_start3A_27 : memref<1x128xi32, #tpu.memory_space<vmem>> -> memref<128xi32, #tpu.memory_space<vmem>>
    %dma_start3A_29 = arith.constant 0 : i32
    %dma_start3A_30 = arith.constant 0 : i32
    %dma_start3A_31 = tpu.memref_slice %arg3[%add3A, %dma_start3A_29, %dma_start3A_30] : memref<32x81x128xi32, #tpu.memory_space<hbm>> -> memref<1x81x128xi32, #tpu.memory_space<hbm>>
    %dma_start3A_32 = tpu.memref_squeeze %dma_start3A_31 : memref<1x81x128xi32, #tpu.memory_space<hbm>> -> memref<81x128xi32, #tpu.memory_space<hbm>>
    %dma_start3A_33 = arith.constant 0 : i32
    %dma_start3A_34 = tpu.memref_slice %dma_start3A_32[%dma_start3A_24, %dma_start3A_33] : memref<81x128xi32, #tpu.memory_space<hbm>> -> memref<1x128xi32, #tpu.memory_space<hbm>>
    %dma_start3A_35 = tpu.memref_squeeze %dma_start3A_34 : memref<1x128xi32, #tpu.memory_space<hbm>> -> memref<128xi32, #tpu.memory_space<hbm>>
    %dma_start3A_36 = arith.constant 0 : i32
    %dma_start3A_37 = tpu.memref_slice %arg9[%dma_start3A_25, %dma_start3A_36] : memref<3x128xi32, #tpu.memory_space<vmem>> -> memref<1x128xi32, #tpu.memory_space<vmem>>
    %dma_start3A_38 = tpu.memref_squeeze %dma_start3A_37 : memref<1x128xi32, #tpu.memory_space<vmem>> -> memref<128xi32, #tpu.memory_space<vmem>>
    %dma_start3A_39 = arith.constant 0 : i32
    %dma_start3A_40 = arith.constant 0 : i32
    %dma_start3A_41 = tpu.memref_slice %arg3[%add3A, %dma_start3A_39, %dma_start3A_40] : memref<32x81x128xi32, #tpu.memory_space<hbm>> -> memref<1x81x128xi32, #tpu.memory_space<hbm>>
    %dma_start3A_42 = tpu.memref_squeeze %dma_start3A_41 : memref<1x81x128xi32, #tpu.memory_space<hbm>> -> memref<81x128xi32, #tpu.memory_space<hbm>>
    %dma_start3A_43 = arith.constant 0 : i32
    %dma_start3A_44 = tpu.memref_slice %dma_start3A_42[%dma_start3A_24, %dma_start3A_43] : memref<81x128xi32, #tpu.memory_space<hbm>> -> memref<1x128xi32, #tpu.memory_space<hbm>>
    %dma_start3A_45 = tpu.memref_squeeze %dma_start3A_44 : memref<1x128xi32, #tpu.memory_space<hbm>> -> memref<128xi32, #tpu.memory_space<hbm>>
    tpu.enqueue_dma source(%dma_start3A_45 : memref<128xi32, #tpu.memory_space<hbm>>) target(%dma_start3A_38 : memref<128xi32, #tpu.memory_space<vmem>>) target_semaphore(%arg14 : memref<!tpu.dma_semaphore, #tpu.memory_space<semaphore_mem>>)
    %dma_start3A_46 = arith.constant 1 : i32
    %dma_start3A_47 = arith.constant 1 : i32
    %dma_start3A_48 = arith.constant 0 : i32
    %dma_start3A_49 = tpu.memref_slice %arg8[%dma_start3A_47, %dma_start3A_48] : memref<3x128xi32, #tpu.memory_space<vmem>> -> memref<1x128xi32, #tpu.memory_space<vmem>>
    %dma_start3A_50 = tpu.memref_squeeze %dma_start3A_49 : memref<1x128xi32, #tpu.memory_space<vmem>> -> memref<128xi32, #tpu.memory_space<vmem>>
    %dma_start3A_51 = arith.constant 0 : i32
    %dma_start3A_52 = arith.constant 0 : i32
    %dma_start3A_53 = tpu.memref_slice %arg2[%add3A, %dma_start3A_51, %dma_start3A_52] : memref<32x81x128xi32, #tpu.memory_space<hbm>> -> memref<1x81x128xi32, #tpu.memory_space<hbm>>
    %dma_start3A_54 = tpu.memref_squeeze %dma_start3A_53 : memref<1x81x128xi32, #tpu.memory_space<hbm>> -> memref<81x128xi32, #tpu.memory_space<hbm>>
    %dma_start3A_55 = arith.constant 0 : i32
    %dma_start3A_56 = tpu.memref_slice %dma_start3A_54[%dma_start3A_46, %dma_start3A_55] : memref<81x128xi32, #tpu.memory_space<hbm>> -> memref<1x128xi32, #tpu.memory_space<hbm>>
    %dma_start3A_57 = tpu.memref_squeeze %dma_start3A_56 : memref<1x128xi32, #tpu.memory_space<hbm>> -> memref<128xi32, #tpu.memory_space<hbm>>
    %dma_start3A_58 = arith.constant 0 : i32
    %dma_start3A_59 = tpu.memref_slice %arg8[%dma_start3A_47, %dma_start3A_58] : memref<3x128xi32, #tpu.memory_space<vmem>> -> memref<1x128xi32, #tpu.memory_space<vmem>>
    %dma_start3A_60 = tpu.memref_squeeze %dma_start3A_59 : memref<1x128xi32, #tpu.memory_space<vmem>> -> memref<128xi32, #tpu.memory_space<vmem>>
    %dma_start3A_61 = arith.constant 0 : i32
    %dma_start3A_62 = arith.constant 0 : i32
    %dma_start3A_63 = tpu.memref_slice %arg2[%add3A, %dma_start3A_61, %dma_start3A_62] : memref<32x81x128xi32, #tpu.memory_space<hbm>> -> memref<1x81x128xi32, #tpu.memory_space<hbm>>
    %dma_start3A_64 = tpu.memref_squeeze %dma_start3A_63 : memref<1x81x128xi32, #tpu.memory_space<hbm>> -> memref<81x128xi32, #tpu.memory_space<hbm>>
    %dma_start3A_65 = arith.constant 0 : i32
    %dma_start3A_66 = tpu.memref_slice %dma_start3A_64[%dma_start3A_46, %dma_start3A_65] : memref<81x128xi32, #tpu.memory_space<hbm>> -> memref<1x128xi32, #tpu.memory_space<hbm>>
    %dma_start3A_67 = tpu.memref_squeeze %dma_start3A_66 : memref<1x128xi32, #tpu.memory_space<hbm>> -> memref<128xi32, #tpu.memory_space<hbm>>
    tpu.enqueue_dma source(%dma_start3A_67 : memref<128xi32, #tpu.memory_space<hbm>>) target(%dma_start3A_60 : memref<128xi32, #tpu.memory_space<vmem>>) target_semaphore(%arg18 : memref<!tpu.dma_semaphore, #tpu.memory_space<semaphore_mem>>)
    %dma_start3A_68 = arith.constant 1 : i32
    %dma_start3A_69 = arith.constant 1 : i32
    %dma_start3A_70 = arith.constant 0 : i32
    %dma_start3A_71 = tpu.memref_slice %arg9[%dma_start3A_69, %dma_start3A_70] : memref<3x128xi32, #tpu.memory_space<vmem>> -> memref<1x128xi32, #tpu.memory_space<vmem>>
    %dma_start3A_72 = tpu.memref_squeeze %dma_start3A_71 : memref<1x128xi32, #tpu.memory_space<vmem>> -> memref<128xi32, #tpu.memory_space<vmem>>
    %dma_start3A_73 = arith.constant 0 : i32
    %dma_start3A_74 = arith.constant 0 : i32
    %dma_start3A_75 = tpu.memref_slice %arg3[%add3A, %dma_start3A_73, %dma_start3A_74] : memref<32x81x128xi32, #tpu.memory_space<hbm>> -> memref<1x81x128xi32, #tpu.memory_space<hbm>>
    %dma_start3A_76 = tpu.memref_squeeze %dma_start3A_75 : memref<1x81x128xi32, #tpu.memory_space<hbm>> -> memref<81x128xi32, #tpu.memory_space<hbm>>
    %dma_start3A_77 = arith.constant 0 : i32
    %dma_start3A_78 = tpu.memref_slice %dma_start3A_76[%dma_start3A_68, %dma_start3A_77] : memref<81x128xi32, #tpu.memory_space<hbm>> -> memref<1x128xi32, #tpu.memory_space<hbm>>
    %dma_start3A_79 = tpu.memref_squeeze %dma_start3A_78 : memref<1x128xi32, #tpu.memory_space<hbm>> -> memref<128xi32, #tpu.memory_space<hbm>>
    %dma_start3A_80 = arith.constant 0 : i32
    %dma_start3A_81 = tpu.memref_slice %arg9[%dma_start3A_69, %dma_start3A_80] : memref<3x128xi32, #tpu.memory_space<vmem>> -> memref<1x128xi32, #tpu.memory_space<vmem>>
    %dma_start3A_82 = tpu.memref_squeeze %dma_start3A_81 : memref<1x128xi32, #tpu.memory_space<vmem>> -> memref<128xi32, #tpu.memory_space<vmem>>
    %dma_start3A_83 = arith.constant 0 : i32
    %dma_start3A_84 = arith.constant 0 : i32
    %dma_start3A_85 = tpu.memref_slice %arg3[%add3A, %dma_start3A_83, %dma_start3A_84] : memref<32x81x128xi32, #tpu.memory_space<hbm>> -> memref<1x81x128xi32, #tpu.memory_space<hbm>>
    %dma_start3A_86 = tpu.memref_squeeze %dma_start3A_85 : memref<1x81x128xi32, #tpu.memory_space<hbm>> -> memref<81x128xi32, #tpu.memory_space<hbm>>
    %dma_start3A_87 = arith.constant 0 : i32
    %dma_start3A_88 = tpu.memref_slice %dma_start3A_86[%dma_start3A_68, %dma_start3A_87] : memref<81x128xi32, #tpu.memory_space<hbm>> -> memref<1x128xi32, #tpu.memory_space<hbm>>
    %dma_start3A_89 = tpu.memref_squeeze %dma_start3A_88 : memref<1x128xi32, #tpu.memory_space<hbm>> -> memref<128xi32, #tpu.memory_space<hbm>>
    tpu.enqueue_dma source(%dma_start3A_89 : memref<128xi32, #tpu.memory_space<hbm>>) target(%dma_start3A_82 : memref<128xi32, #tpu.memory_space<vmem>>) target_semaphore(%arg15 : memref<!tpu.dma_semaphore, #tpu.memory_space<semaphore_mem>>)
    %dma_start3A_90 = arith.constant 2 : i32
    %dma_start3A_91 = arith.constant 2 : i32
    %dma_start3A_92 = arith.constant 0 : i32
    %dma_start3A_93 = tpu.memref_slice %arg8[%dma_start3A_91, %dma_start3A_92] : memref<3x128xi32, #tpu.memory_space<vmem>> -> memref<1x128xi32, #tpu.memory_space<vmem>>
    %dma_start3A_94 = tpu.memref_squeeze %dma_start3A_93 : memref<1x128xi32, #tpu.memory_space<vmem>> -> memref<128xi32, #tpu.memory_space<vmem>>
    %dma_start3A_95 = arith.constant 0 : i32
    %dma_start3A_96 = arith.constant 0 : i32
    %dma_start3A_97 = tpu.memref_slice %arg2[%add3A, %dma_start3A_95, %dma_start3A_96] : memref<32x81x128xi32, #tpu.memory_space<hbm>> -> memref<1x81x128xi32, #tpu.memory_space<hbm>>
    %dma_start3A_98 = tpu.memref_squeeze %dma_start3A_97 : memref<1x81x128xi32, #tpu.memory_space<hbm>> -> memref<81x128xi32, #tpu.memory_space<hbm>>
    %dma_start3A_99 = arith.constant 0 : i32
    %dma_start3A_100 = tpu.memref_slice %dma_start3A_98[%dma_start3A_90, %dma_start3A_99] : memref<81x128xi32, #tpu.memory_space<hbm>> -> memref<1x128xi32, #tpu.memory_space<hbm>>
    %dma_start3A_101 = tpu.memref_squeeze %dma_start3A_100 : memref<1x128xi32, #tpu.memory_space<hbm>> -> memref<128xi32, #tpu.memory_space<hbm>>
    %dma_start3A_102 = arith.constant 0 : i32
    %dma_start3A_103 = tpu.memref_slice %arg8[%dma_start3A_91, %dma_start3A_102] : memref<3x128xi32, #tpu.memory_space<vmem>> -> memref<1x128xi32, #tpu.memory_space<vmem>>
    %dma_start3A_104 = tpu.memref_squeeze %dma_start3A_103 : memref<1x128xi32, #tpu.memory_space<vmem>> -> memref<128xi32, #tpu.memory_space<vmem>>
    %dma_start3A_105 = arith.constant 0 : i32
    %dma_start3A_106 = arith.constant 0 : i32
    %dma_start3A_107 = tpu.memref_slice %arg2[%add3A, %dma_start3A_105, %dma_start3A_106] : memref<32x81x128xi32, #tpu.memory_space<hbm>> -> memref<1x81x128xi32, #tpu.memory_space<hbm>>
    %dma_start3A_108 = tpu.memref_squeeze %dma_start3A_107 : memref<1x81x128xi32, #tpu.memory_space<hbm>> -> memref<81x128xi32, #tpu.memory_space<hbm>>
    %dma_start3A_109 = arith.constant 0 : i32
    %dma_start3A_110 = tpu.memref_slice %dma_start3A_108[%dma_start3A_90, %dma_start3A_109] : memref<81x128xi32, #tpu.memory_space<hbm>> -> memref<1x128xi32, #tpu.memory_space<hbm>>
    %dma_start3A_111 = tpu.memref_squeeze %dma_start3A_110 : memref<1x128xi32, #tpu.memory_space<hbm>> -> memref<128xi32, #tpu.memory_space<hbm>>
    tpu.enqueue_dma source(%dma_start3A_111 : memref<128xi32, #tpu.memory_space<hbm>>) target(%dma_start3A_104 : memref<128xi32, #tpu.memory_space<vmem>>) target_semaphore(%arg19 : memref<!tpu.dma_semaphore, #tpu.memory_space<semaphore_mem>>)
    %dma_start3A_112 = arith.constant 2 : i32
    %dma_start3A_113 = arith.constant 2 : i32
    %dma_start3A_114 = arith.constant 0 : i32
    %dma_start3A_115 = tpu.memref_slice %arg9[%dma_start3A_113, %dma_start3A_114] : memref<3x128xi32, #tpu.memory_space<vmem>> -> memref<1x128xi32, #tpu.memory_space<vmem>>
    %dma_start3A_116 = tpu.memref_squeeze %dma_start3A_115 : memref<1x128xi32, #tpu.memory_space<vmem>> -> memref<128xi32, #tpu.memory_space<vmem>>
    %dma_start3A_117 = arith.constant 0 : i32
    %dma_start3A_118 = arith.constant 0 : i32
    %dma_start3A_119 = tpu.memref_slice %arg3[%add3A, %dma_start3A_117, %dma_start3A_118] : memref<32x81x128xi32, #tpu.memory_space<hbm>> -> memref<1x81x128xi32, #tpu.memory_space<hbm>>
    %dma_start3A_120 = tpu.memref_squeeze %dma_start3A_119 : memref<1x81x128xi32, #tpu.memory_space<hbm>> -> memref<81x128xi32, #tpu.memory_space<hbm>>
    %dma_start3A_121 = arith.constant 0 : i32
    %dma_start3A_122 = tpu.memref_slice %dma_start3A_120[%dma_start3A_112, %dma_start3A_121] : memref<81x128xi32, #tpu.memory_space<hbm>> -> memref<1x128xi32, #tpu.memory_space<hbm>>
    %dma_start3A_123 = tpu.memref_squeeze %dma_start3A_122 : memref<1x128xi32, #tpu.memory_space<hbm>> -> memref<128xi32, #tpu.memory_space<hbm>>
    %dma_start3A_124 = arith.constant 0 : i32
    %dma_start3A_125 = tpu.memref_slice %arg9[%dma_start3A_113, %dma_start3A_124] : memref<3x128xi32, #tpu.memory_space<vmem>> -> memref<1x128xi32, #tpu.memory_space<vmem>>
    %dma_start3A_126 = tpu.memref_squeeze %dma_start3A_125 : memref<1x128xi32, #tpu.memory_space<vmem>> -> memref<128xi32, #tpu.memory_space<vmem>>
    %dma_start3A_127 = arith.constant 0 : i32
    %dma_start3A_128 = arith.constant 0 : i32
    %dma_start3A_129 = tpu.memref_slice %arg3[%add3A, %dma_start3A_127, %dma_start3A_128] : memref<32x81x128xi32, #tpu.memory_space<hbm>> -> memref<1x81x128xi32, #tpu.memory_space<hbm>>
    %dma_start3A_130 = tpu.memref_squeeze %dma_start3A_129 : memref<1x81x128xi32, #tpu.memory_space<hbm>> -> memref<81x128xi32, #tpu.memory_space<hbm>>
    %dma_start3A_131 = arith.constant 0 : i32
    %dma_start3A_132 = tpu.memref_slice %dma_start3A_130[%dma_start3A_112, %dma_start3A_131] : memref<81x128xi32, #tpu.memory_space<hbm>> -> memref<1x128xi32, #tpu.memory_space<hbm>>
    %dma_start3A_133 = tpu.memref_squeeze %dma_start3A_132 : memref<1x128xi32, #tpu.memory_space<hbm>> -> memref<128xi32, #tpu.memory_space<hbm>>
    tpu.enqueue_dma source(%dma_start3A_133 : memref<128xi32, #tpu.memory_space<hbm>>) target(%dma_start3A_126 : memref<128xi32, #tpu.memory_space<vmem>>) target_semaphore(%arg16 : memref<!tpu.dma_semaphore, #tpu.memory_space<semaphore_mem>>)
    %barrier3A = arith.constant 0 : index
    tpu.barrier barrier_id(%barrier3A)
    %dma_wait3A = arith.constant 0 : i32
    %dma_wait3A_134 = arith.constant 0 : i32
    %dma_wait3A_135 = arith.constant 0 : i32
    %dma_wait3A_136 = tpu.memref_slice %arg9[%dma_wait3A_134, %dma_wait3A_135] : memref<3x128xi32, #tpu.memory_space<vmem>> -> memref<1x128xi32, #tpu.memory_space<vmem>>
    %dma_wait3A_137 = tpu.memref_squeeze %dma_wait3A_136 : memref<1x128xi32, #tpu.memory_space<vmem>> -> memref<128xi32, #tpu.memory_space<vmem>>
    %dma_wait3A_138 = arith.constant 0 : i32
    %dma_wait3A_139 = arith.constant 0 : i32
    %dma_wait3A_140 = tpu.memref_slice %arg3[%add3A, %dma_wait3A_138, %dma_wait3A_139] : memref<32x81x128xi32, #tpu.memory_space<hbm>> -> memref<1x81x128xi32, #tpu.memory_space<hbm>>
    %dma_wait3A_141 = tpu.memref_squeeze %dma_wait3A_140 : memref<1x81x128xi32, #tpu.memory_space<hbm>> -> memref<81x128xi32, #tpu.memory_space<hbm>>
    %dma_wait3A_142 = arith.constant 0 : i32
    %dma_wait3A_143 = tpu.memref_slice %dma_wait3A_141[%dma_wait3A, %dma_wait3A_142] : memref<81x128xi32, #tpu.memory_space<hbm>> -> memref<1x128xi32, #tpu.memory_space<hbm>>
    %dma_wait3A_144 = tpu.memref_squeeze %dma_wait3A_143 : memref<1x128xi32, #tpu.memory_space<hbm>> -> memref<128xi32, #tpu.memory_space<hbm>>
    %dma_wait3A_145 = arith.constant 0 : i32
    %dma_wait3A_146 = tpu.memref_slice %arg9[%dma_wait3A_134, %dma_wait3A_145] : memref<3x128xi32, #tpu.memory_space<vmem>> -> memref<1x128xi32, #tpu.memory_space<vmem>>
    %dma_wait3A_147 = tpu.memref_squeeze %dma_wait3A_146 : memref<1x128xi32, #tpu.memory_space<vmem>> -> memref<128xi32, #tpu.memory_space<vmem>>
    %dma_wait3A_148 = arith.constant 0 : i32
    %dma_wait3A_149 = arith.constant 0 : i32
    %dma_wait3A_150 = tpu.memref_slice %arg3[%add3A, %dma_wait3A_148, %dma_wait3A_149] : memref<32x81x128xi32, #tpu.memory_space<hbm>> -> memref<1x81x128xi32, #tpu.memory_space<hbm>>
    %dma_wait3A_151 = tpu.memref_squeeze %dma_wait3A_150 : memref<1x81x128xi32, #tpu.memory_space<hbm>> -> memref<81x128xi32, #tpu.memory_space<hbm>>
    %dma_wait3A_152 = arith.constant 0 : i32
    %dma_wait3A_153 = tpu.memref_slice %dma_wait3A_151[%dma_wait3A, %dma_wait3A_152] : memref<81x128xi32, #tpu.memory_space<hbm>> -> memref<1x128xi32, #tpu.memory_space<hbm>>
    %dma_wait3A_154 = tpu.memref_squeeze %dma_wait3A_153 : memref<1x128xi32, #tpu.memory_space<hbm>> -> memref<128xi32, #tpu.memory_space<hbm>>
    tpu.wait_dma2 semaphore(%arg14 : memref<!tpu.dma_semaphore, #tpu.memory_space<semaphore_mem>>) src(%dma_wait3A_154 : memref<128xi32, #tpu.memory_space<hbm>>) dst(%dma_wait3A_147 : memref<128xi32, #tpu.memory_space<vmem>>)
    %dma_start3A_155 = arith.constant 0 : i32
    %dma_start3A_156 = arith.constant 0 : i32
    %dma_start3A_157 = arith.constant 0 : i32
    %dma_start3A_158 = arith.constant 0 : i32
    %dma_start3A_159 = tpu.memref_slice %arg10[%dma_start3A_156, %dma_start3A_157, %dma_start3A_158] : memref<3x128x128xf32, #tpu.memory_space<vmem>> -> memref<1x128x128xf32, #tpu.memory_space<vmem>>
    %dma_start3A_160 = tpu.memref_squeeze %dma_start3A_159 : memref<1x128x128xf32, #tpu.memory_space<vmem>> -> memref<128x128xf32, #tpu.memory_space<vmem>>
    %dma_start3A_161 = arith.constant 0 : i32
    %dma_start3A_162 = tpu.memref_slice %arg9[%dma_start3A_155, %dma_start3A_161] : memref<3x128xi32, #tpu.memory_space<vmem>> -> memref<1x128xi32, #tpu.memory_space<vmem>>
    %dma_start3A_163 = tpu.memref_squeeze %dma_start3A_162 : memref<1x128xi32, #tpu.memory_space<vmem>> -> memref<128xi32, #tpu.memory_space<vmem>>
    %dma_start3A_164 = arith.constant 0 : i32
    %dma_start3A_165 = arith.constant 0 : i32
    %dma_start3A_166 = tpu.memref_slice %arg4[%dma_start3A_164, %dma_start3A_165] : memref<10112x128xf32, #tpu.memory_space<hbm>> -> memref<10112x128xf32, #tpu.memory_space<hbm>>
    tpu.enqueue_indirect_dma source(%dma_start3A_166 : memref<10112x128xf32, #tpu.memory_space<hbm>>) target(%dma_start3A_160 : memref<128x128xf32, #tpu.memory_space<vmem>>) offsets(%dma_start3A_163 : memref<128xi32, #tpu.memory_space<vmem>>) semaphore(%arg11 : memref<!tpu.dma_semaphore, #tpu.memory_space<semaphore_mem>>)
    %dma_wait3A_167 = arith.constant 1 : i32
    %dma_wait3A_168 = arith.constant 1 : i32
    %dma_wait3A_169 = arith.constant 0 : i32
    %dma_wait3A_170 = tpu.memref_slice %arg9[%dma_wait3A_168, %dma_wait3A_169] : memref<3x128xi32, #tpu.memory_space<vmem>> -> memref<1x128xi32, #tpu.memory_space<vmem>>
    %dma_wait3A_171 = tpu.memref_squeeze %dma_wait3A_170 : memref<1x128xi32, #tpu.memory_space<vmem>> -> memref<128xi32, #tpu.memory_space<vmem>>
    %dma_wait3A_172 = arith.constant 0 : i32
    %dma_wait3A_173 = arith.constant 0 : i32
    %dma_wait3A_174 = tpu.memref_slice %arg3[%add3A, %dma_wait3A_172, %dma_wait3A_173] : memref<32x81x128xi32, #tpu.memory_space<hbm>> -> memref<1x81x128xi32, #tpu.memory_space<hbm>>
    %dma_wait3A_175 = tpu.memref_squeeze %dma_wait3A_174 : memref<1x81x128xi32, #tpu.memory_space<hbm>> -> memref<81x128xi32, #tpu.memory_space<hbm>>
    %dma_wait3A_176 = arith.constant 0 : i32
    %dma_wait3A_177 = tpu.memref_slice %dma_wait3A_175[%dma_wait3A_167, %dma_wait3A_176] : memref<81x128xi32, #tpu.memory_space<hbm>> -> memref<1x128xi32, #tpu.memory_space<hbm>>
    %dma_wait3A_178 = tpu.memref_squeeze %dma_wait3A_177 : memref<1x128xi32, #tpu.memory_space<hbm>> -> memref<128xi32, #tpu.memory_space<hbm>>
    %dma_wait3A_179 = arith.constant 0 : i32
    %dma_wait3A_180 = tpu.memref_slice %arg9[%dma_wait3A_168, %dma_wait3A_179] : memref<3x128xi32, #tpu.memory_space<vmem>> -> memref<1x128xi32, #tpu.memory_space<vmem>>
    %dma_wait3A_181 = tpu.memref_squeeze %dma_wait3A_180 : memref<1x128xi32, #tpu.memory_space<vmem>> -> memref<128xi32, #tpu.memory_space<vmem>>
    %dma_wait3A_182 = arith.constant 0 : i32
    %dma_wait3A_183 = arith.constant 0 : i32
    %dma_wait3A_184 = tpu.memref_slice %arg3[%add3A, %dma_wait3A_182, %dma_wait3A_183] : memref<32x81x128xi32, #tpu.memory_space<hbm>> -> memref<1x81x128xi32, #tpu.memory_space<hbm>>
    %dma_wait3A_185 = tpu.memref_squeeze %dma_wait3A_184 : memref<1x81x128xi32, #tpu.memory_space<hbm>> -> memref<81x128xi32, #tpu.memory_space<hbm>>
    %dma_wait3A_186 = arith.constant 0 : i32
    %dma_wait3A_187 = tpu.memref_slice %dma_wait3A_185[%dma_wait3A_167, %dma_wait3A_186] : memref<81x128xi32, #tpu.memory_space<hbm>> -> memref<1x128xi32, #tpu.memory_space<hbm>>
    %dma_wait3A_188 = tpu.memref_squeeze %dma_wait3A_187 : memref<1x128xi32, #tpu.memory_space<hbm>> -> memref<128xi32, #tpu.memory_space<hbm>>
    tpu.wait_dma2 semaphore(%arg15 : memref<!tpu.dma_semaphore, #tpu.memory_space<semaphore_mem>>) src(%dma_wait3A_188 : memref<128xi32, #tpu.memory_space<hbm>>) dst(%dma_wait3A_181 : memref<128xi32, #tpu.memory_space<vmem>>)
    %dma_start3A_189 = arith.constant 1 : i32
    %dma_start3A_190 = arith.constant 1 : i32
    %dma_start3A_191 = arith.constant 0 : i32
    %dma_start3A_192 = arith.constant 0 : i32
    %dma_start3A_193 = tpu.memref_slice %arg10[%dma_start3A_190, %dma_start3A_191, %dma_start3A_192] : memref<3x128x128xf32, #tpu.memory_space<vmem>> -> memref<1x128x128xf32, #tpu.memory_space<vmem>>
    %dma_start3A_194 = tpu.memref_squeeze %dma_start3A_193 : memref<1x128x128xf32, #tpu.memory_space<vmem>> -> memref<128x128xf32, #tpu.memory_space<vmem>>
    %dma_start3A_195 = arith.constant 0 : i32
    %dma_start3A_196 = tpu.memref_slice %arg9[%dma_start3A_189, %dma_start3A_195] : memref<3x128xi32, #tpu.memory_space<vmem>> -> memref<1x128xi32, #tpu.memory_space<vmem>>
    %dma_start3A_197 = tpu.memref_squeeze %dma_start3A_196 : memref<1x128xi32, #tpu.memory_space<vmem>> -> memref<128xi32, #tpu.memory_space<vmem>>
    %dma_start3A_198 = arith.constant 0 : i32
    %dma_start3A_199 = arith.constant 0 : i32
    %dma_start3A_200 = tpu.memref_slice %arg4[%dma_start3A_198, %dma_start3A_199] : memref<10112x128xf32, #tpu.memory_space<hbm>> -> memref<10112x128xf32, #tpu.memory_space<hbm>>
    tpu.enqueue_indirect_dma source(%dma_start3A_200 : memref<10112x128xf32, #tpu.memory_space<hbm>>) target(%dma_start3A_194 : memref<128x128xf32, #tpu.memory_space<vmem>>) offsets(%dma_start3A_197 : memref<128xi32, #tpu.memory_space<vmem>>) semaphore(%arg12 : memref<!tpu.dma_semaphore, #tpu.memory_space<semaphore_mem>>)
    %scan3A = arith.constant 0 : i32
    %scan3A_201 = arith.constant 0 : i32
    %scan3A_202 = arith.constant 27 : i32
    %scan3A_203 = arith.addi %scan3A_201, %scan3A_202 : i32
    %scan3A_204 = arith.constant 1 : i32
    scf.for %scan3A_207 = %scan3A_201 to %scan3A_203 step %scan3A_204  : i32 {
      %mul3A_208 = arith.constant 3 : i32
      %mul3A_209 = arith.muli %mul3A_208, %scan3A_207 : i32
      %add3A_210 = arith.constant 0 : i32
      %add3A_211 = arith.addi %mul3A_209, %add3A_210 : i32
      %dma_wait3A_212 = arith.constant 0 : i32
      %dma_wait3A_213 = arith.constant 0 : i32
      %dma_wait3A_214 = arith.constant 0 : i32
      %dma_wait3A_215 = arith.constant 0 : i32
      %dma_wait3A_216 = tpu.memref_slice %arg10[%dma_wait3A_213, %dma_wait3A_214, %dma_wait3A_215] : memref<3x128x128xf32, #tpu.memory_space<vmem>> -> memref<1x128x128xf32, #tpu.memory_space<vmem>>
      %dma_wait3A_217 = tpu.memref_squeeze %dma_wait3A_216 : memref<1x128x128xf32, #tpu.memory_space<vmem>> -> memref<128x128xf32, #tpu.memory_space<vmem>>
      %dma_wait3A_218 = arith.constant 0 : i32
      %dma_wait3A_219 = tpu.memref_slice %arg9[%dma_wait3A_212, %dma_wait3A_218] : memref<3x128xi32, #tpu.memory_space<vmem>> -> memref<1x128xi32, #tpu.memory_space<vmem>>
      %dma_wait3A_220 = tpu.memref_squeeze %dma_wait3A_219 : memref<1x128xi32, #tpu.memory_space<vmem>> -> memref<128xi32, #tpu.memory_space<vmem>>
      %dma_wait3A_221 = arith.constant 0 : i32
      %dma_wait3A_222 = arith.constant 0 : i32
      %dma_wait3A_223 = tpu.memref_slice %arg4[%dma_wait3A_221, %dma_wait3A_222] : memref<10112x128xf32, #tpu.memory_space<hbm>> -> memref<10112x128xf32, #tpu.memory_space<hbm>>
      tpu.wait_indirect_dma semaphore(%arg11 : memref<!tpu.dma_semaphore, #tpu.memory_space<semaphore_mem>>) src(%dma_wait3A_223 : memref<10112x128xf32, #tpu.memory_space<hbm>>) dst(%dma_wait3A_217 : memref<128x128xf32, #tpu.memory_space<vmem>>)
      %add3A_224 = arith.constant 2 : i32
      %add3A_225 = arith.addi %add3A_211, %add3A_224 : i32
      %lt3A = arith.constant 81 : i32
      %lt3A_226 = arith.cmpi slt, %add3A_225, %lt3A : i32
      %convert_element_type3A = arith.extui %lt3A_226 : i1 to i32
      %cond3A = arith.constant 0 : i32
      %cond3A_227 = arith.cmpi ne, %convert_element_type3A, %cond3A : i32
      scf.if %cond3A_227 {
        %add3A_359 = arith.constant 2 : i32
        %add3A_360 = arith.addi %add3A_211, %add3A_359 : i32
        %dma_wait3A_361 = arith.constant 2 : i32
        %dma_wait3A_362 = arith.constant 0 : i32
        %dma_wait3A_363 = tpu.memref_slice %arg9[%dma_wait3A_361, %dma_wait3A_362] : memref<3x128xi32, #tpu.memory_space<vmem>> -> memref<1x128xi32, #tpu.memory_space<vmem>>
        %dma_wait3A_364 = tpu.memref_squeeze %dma_wait3A_363 : memref<1x128xi32, #tpu.memory_space<vmem>> -> memref<128xi32, #tpu.memory_space<vmem>>
        %dma_wait3A_365 = arith.constant 0 : i32
        %dma_wait3A_366 = arith.constant 0 : i32
        %dma_wait3A_367 = tpu.memref_slice %arg3[%add3A, %dma_wait3A_365, %dma_wait3A_366] : memref<32x81x128xi32, #tpu.memory_space<hbm>> -> memref<1x81x128xi32, #tpu.memory_space<hbm>>
        %dma_wait3A_368 = tpu.memref_squeeze %dma_wait3A_367 : memref<1x81x128xi32, #tpu.memory_space<hbm>> -> memref<81x128xi32, #tpu.memory_space<hbm>>
        %dma_wait3A_369 = arith.constant 0 : i32
        %dma_wait3A_370 = tpu.memref_slice %dma_wait3A_368[%add3A_360, %dma_wait3A_369] : memref<81x128xi32, #tpu.memory_space<hbm>> -> memref<1x128xi32, #tpu.memory_space<hbm>>
        %dma_wait3A_371 = tpu.memref_squeeze %dma_wait3A_370 : memref<1x128xi32, #tpu.memory_space<hbm>> -> memref<128xi32, #tpu.memory_space<hbm>>
        %dma_wait3A_372 = arith.constant 0 : i32
        %dma_wait3A_373 = tpu.memref_slice %arg9[%dma_wait3A_361, %dma_wait3A_372] : memref<3x128xi32, #tpu.memory_space<vmem>> -> memref<1x128xi32, #tpu.memory_space<vmem>>
        %dma_wait3A_374 = tpu.memref_squeeze %dma_wait3A_373 : memref<1x128xi32, #tpu.memory_space<vmem>> -> memref<128xi32, #tpu.memory_space<vmem>>
        %dma_wait3A_375 = arith.constant 0 : i32
        %dma_wait3A_376 = arith.constant 0 : i32
        %dma_wait3A_377 = tpu.memref_slice %arg3[%add3A, %dma_wait3A_375, %dma_wait3A_376] : memref<32x81x128xi32, #tpu.memory_space<hbm>> -> memref<1x81x128xi32, #tpu.memory_space<hbm>>
        %dma_wait3A_378 = tpu.memref_squeeze %dma_wait3A_377 : memref<1x81x128xi32, #tpu.memory_space<hbm>> -> memref<81x128xi32, #tpu.memory_space<hbm>>
        %dma_wait3A_379 = arith.constant 0 : i32
        %dma_wait3A_380 = tpu.memref_slice %dma_wait3A_378[%add3A_360, %dma_wait3A_379] : memref<81x128xi32, #tpu.memory_space<hbm>> -> memref<1x128xi32, #tpu.memory_space<hbm>>
        %dma_wait3A_381 = tpu.memref_squeeze %dma_wait3A_380 : memref<1x128xi32, #tpu.memory_space<hbm>> -> memref<128xi32, #tpu.memory_space<hbm>>
        tpu.wait_dma2 semaphore(%arg16 : memref<!tpu.dma_semaphore, #tpu.memory_space<semaphore_mem>>) src(%dma_wait3A_381 : memref<128xi32, #tpu.memory_space<hbm>>) dst(%dma_wait3A_374 : memref<128xi32, #tpu.memory_space<vmem>>)
        %dma_start3A_382 = arith.constant 2 : i32
        %dma_start3A_383 = arith.constant 2 : i32
        %dma_start3A_384 = arith.constant 0 : i32
        %dma_start3A_385 = arith.constant 0 : i32
        %dma_start3A_386 = tpu.memref_slice %arg10[%dma_start3A_383, %dma_start3A_384, %dma_start3A_385] : memref<3x128x128xf32, #tpu.memory_space<vmem>> -> memref<1x128x128xf32, #tpu.memory_space<vmem>>
        %dma_start3A_387 = tpu.memref_squeeze %dma_start3A_386 : memref<1x128x128xf32, #tpu.memory_space<vmem>> -> memref<128x128xf32, #tpu.memory_space<vmem>>
        %dma_start3A_388 = arith.constant 0 : i32
        %dma_start3A_389 = tpu.memref_slice %arg9[%dma_start3A_382, %dma_start3A_388] : memref<3x128xi32, #tpu.memory_space<vmem>> -> memref<1x128xi32, #tpu.memory_space<vmem>>
        %dma_start3A_390 = tpu.memref_squeeze %dma_start3A_389 : memref<1x128xi32, #tpu.memory_space<vmem>> -> memref<128xi32, #tpu.memory_space<vmem>>
        %dma_start3A_391 = arith.constant 0 : i32
        %dma_start3A_392 = arith.constant 0 : i32
        %dma_start3A_393 = tpu.memref_slice %arg4[%dma_start3A_391, %dma_start3A_392] : memref<10112x128xf32, #tpu.memory_space<hbm>> -> memref<10112x128xf32, #tpu.memory_space<hbm>>
        tpu.enqueue_indirect_dma source(%dma_start3A_393 : memref<10112x128xf32, #tpu.memory_space<hbm>>) target(%dma_start3A_387 : memref<128x128xf32, #tpu.memory_space<vmem>>) offsets(%dma_start3A_390 : memref<128xi32, #tpu.memory_space<vmem>>) semaphore(%arg13 : memref<!tpu.dma_semaphore, #tpu.memory_space<semaphore_mem>>)
      } else {
      }
      %dma_wait3A_228 = arith.constant 0 : i32
      %dma_wait3A_229 = arith.constant 0 : i32
      %dma_wait3A_230 = tpu.memref_slice %arg8[%dma_wait3A_228, %dma_wait3A_229] : memref<3x128xi32, #tpu.memory_space<vmem>> -> memref<1x128xi32, #tpu.memory_space<vmem>>
      %dma_wait3A_231 = tpu.memref_squeeze %dma_wait3A_230 : memref<1x128xi32, #tpu.memory_space<vmem>> -> memref<128xi32, #tpu.memory_space<vmem>>
      %dma_wait3A_232 = arith.constant 0 : i32
      %dma_wait3A_233 = arith.constant 0 : i32
      %dma_wait3A_234 = tpu.memref_slice %arg2[%add3A, %dma_wait3A_232, %dma_wait3A_233] : memref<32x81x128xi32, #tpu.memory_space<hbm>> -> memref<1x81x128xi32, #tpu.memory_space<hbm>>
      %dma_wait3A_235 = tpu.memref_squeeze %dma_wait3A_234 : memref<1x81x128xi32, #tpu.memory_space<hbm>> -> memref<81x128xi32, #tpu.memory_space<hbm>>
      %dma_wait3A_236 = arith.constant 0 : i32
      %dma_wait3A_237 = tpu.memref_slice %dma_wait3A_235[%add3A_211, %dma_wait3A_236] : memref<81x128xi32, #tpu.memory_space<hbm>> -> memref<1x128xi32, #tpu.memory_space<hbm>>
      %dma_wait3A_238 = tpu.memref_squeeze %dma_wait3A_237 : memref<1x128xi32, #tpu.memory_space<hbm>> -> memref<128xi32, #tpu.memory_space<hbm>>
      %dma_wait3A_239 = arith.constant 0 : i32
      %dma_wait3A_240 = tpu.memref_slice %arg8[%dma_wait3A_228, %dma_wait3A_239] : memref<3x128xi32, #tpu.memory_space<vmem>> -> memref<1x128xi32, #tpu.memory_space<vmem>>
      %dma_wait3A_241 = tpu.memref_squeeze %dma_wait3A_240 : memref<1x128xi32, #tpu.memory_space<vmem>> -> memref<128xi32, #tpu.memory_space<vmem>>
      %dma_wait3A_242 = arith.constant 0 : i32
      %dma_wait3A_243 = arith.constant 0 : i32
      %dma_wait3A_244 = tpu.memref_slice %arg2[%add3A, %dma_wait3A_242, %dma_wait3A_243] : memref<32x81x128xi32, #tpu.memory_space<hbm>> -> memref<1x81x128xi32, #tpu.memory_space<hbm>>
      %dma_wait3A_245 = tpu.memref_squeeze %dma_wait3A_244 : memref<1x81x128xi32, #tpu.memory_space<hbm>> -> memref<81x128xi32, #tpu.memory_space<hbm>>
      %dma_wait3A_246 = arith.constant 0 : i32
      %dma_wait3A_247 = tpu.memref_slice %dma_wait3A_245[%add3A_211, %dma_wait3A_246] : memref<81x128xi32, #tpu.memory_space<hbm>> -> memref<1x128xi32, #tpu.memory_space<hbm>>
      %dma_wait3A_248 = tpu.memref_squeeze %dma_wait3A_247 : memref<1x128xi32, #tpu.memory_space<hbm>> -> memref<128xi32, #tpu.memory_space<hbm>>
      tpu.wait_dma2 semaphore(%arg17 : memref<!tpu.dma_semaphore, #tpu.memory_space<semaphore_mem>>) src(%dma_wait3A_248 : memref<128xi32, #tpu.memory_space<hbm>>) dst(%dma_wait3A_241 : memref<128xi32, #tpu.memory_space<vmem>>)
      %run_scoped3A = arith.constant 0 : i32
      %run_scoped3A_249 = arith.constant 0 : i32
      "tpu.region"() ({
        %run_scoped3A_359 = tpu.sem_alloc : memref<!tpu.dma_semaphore, #tpu.memory_space<semaphore_mem>>
        %dma_start3A_360 = arith.constant 0 : i32
        %dma_start3A_361 = arith.constant 0 : i32
        %dma_start3A_362 = tpu.memref_slice %arg10[%run_scoped3A, %dma_start3A_360, %dma_start3A_361] : memref<3x128x128xf32, #tpu.memory_space<vmem>> -> memref<1x128x128xf32, #tpu.memory_space<vmem>>
        %dma_start3A_363 = tpu.memref_squeeze %dma_start3A_362 : memref<1x128x128xf32, #tpu.memory_space<vmem>> -> memref<128x128xf32, #tpu.memory_space<vmem>>
        %dma_start3A_364 = arith.constant 0 : i32
        %dma_start3A_365 = tpu.memref_slice %arg8[%run_scoped3A_249, %dma_start3A_364] : memref<3x128xi32, #tpu.memory_space<vmem>> -> memref<1x128xi32, #tpu.memory_space<vmem>>
        %dma_start3A_366 = tpu.memref_squeeze %dma_start3A_365 : memref<1x128xi32, #tpu.memory_space<vmem>> -> memref<128xi32, #tpu.memory_space<vmem>>
        %dma_start3A_367 = arith.constant 0 : i32
        %dma_start3A_368 = arith.constant 0 : i32
        %dma_start3A_369 = tpu.memref_slice %arg7[%dma_start3A_367, %dma_start3A_368] : memref<10112x128xf32, #tpu.memory_space<vmem_shared>> -> memref<10112x128xf32, #tpu.memory_space<vmem_shared>>
        tpu.enqueue_indirect_dma source(%dma_start3A_363 : memref<128x128xf32, #tpu.memory_space<vmem>>) target(%dma_start3A_369 : memref<10112x128xf32, #tpu.memory_space<vmem_shared>>) offsets(%dma_start3A_366 : memref<128xi32, #tpu.memory_space<vmem>>) semaphore(%run_scoped3A_359 : memref<!tpu.dma_semaphore, #tpu.memory_space<semaphore_mem>>) {add = true}
        %dma_wait3A_370 = arith.constant 0 : i32
        %dma_wait3A_371 = arith.constant 0 : i32
        %dma_wait3A_372 = tpu.memref_slice %arg10[%run_scoped3A, %dma_wait3A_370, %dma_wait3A_371] : memref<3x128x128xf32, #tpu.memory_space<vmem>> -> memref<1x128x128xf32, #tpu.memory_space<vmem>>
        %dma_wait3A_373 = tpu.memref_squeeze %dma_wait3A_372 : memref<1x128x128xf32, #tpu.memory_space<vmem>> -> memref<128x128xf32, #tpu.memory_space<vmem>>
        %dma_wait3A_374 = arith.constant 0 : i32
        %dma_wait3A_375 = tpu.memref_slice %arg8[%run_scoped3A_249, %dma_wait3A_374] : memref<3x128xi32, #tpu.memory_space<vmem>> -> memref<1x128xi32, #tpu.memory_space<vmem>>
        %dma_wait3A_376 = tpu.memref_squeeze %dma_wait3A_375 : memref<1x128xi32, #tpu.memory_space<vmem>> -> memref<128xi32, #tpu.memory_space<vmem>>
        %dma_wait3A_377 = arith.constant 0 : i32
        %dma_wait3A_378 = arith.constant 0 : i32
        %dma_wait3A_379 = tpu.memref_slice %arg7[%dma_wait3A_377, %dma_wait3A_378] : memref<10112x128xf32, #tpu.memory_space<vmem_shared>> -> memref<10112x128xf32, #tpu.memory_space<vmem_shared>>
        tpu.wait_indirect_dma semaphore(%run_scoped3A_359 : memref<!tpu.dma_semaphore, #tpu.memory_space<semaphore_mem>>) src(%dma_wait3A_373 : memref<128x128xf32, #tpu.memory_space<vmem>>) dst(%dma_wait3A_379 : memref<10112x128xf32, #tpu.memory_space<vmem_shared>>)
        tpu.yield
      }) : () -> ()
      %add3A_250 = arith.constant 3 : i32
      %add3A_251 = arith.addi %add3A_211, %add3A_250 : i32
      %lt3A_252 = arith.constant 81 : i32
      %lt3A_253 = arith.cmpi slt, %add3A_251, %lt3A_252 : i32
      %convert_element_type3A_254 = arith.extui %lt3A_253 : i1 to i32
      %cond3A_255 = arith.constant 0 : i32
      %cond3A_256 = arith.cmpi ne, %convert_element_type3A_254, %cond3A_255 : i32
      scf.if %cond3A_256 {
        %add3A_359 = arith.constant 3 : i32
        %add3A_360 = arith.addi %add3A_211, %add3A_359 : i32
        %dma_start3A_361 = arith.constant 0 : i32
        %dma_start3A_362 = arith.constant 0 : i32
        %dma_start3A_363 = tpu.memref_slice %arg8[%dma_start3A_361, %dma_start3A_362] : memref<3x128xi32, #tpu.memory_space<vmem>> -> memref<1x128xi32, #tpu.memory_space<vmem>>
        %dma_start3A_364 = tpu.memref_squeeze %dma_start3A_363 : memref<1x128xi32, #tpu.memory_space<vmem>> -> memref<128xi32, #tpu.memory_space<vmem>>
        %dma_start3A_365 = arith.constant 0 : i32
        %dma_start3A_366 = arith.constant 0 : i32
        %dma_start3A_367 = tpu.memref_slice %arg2[%add3A, %dma_start3A_365, %dma_start3A_366] : memref<32x81x128xi32, #tpu.memory_space<hbm>> -> memref<1x81x128xi32, #tpu.memory_space<hbm>>
        %dma_start3A_368 = tpu.memref_squeeze %dma_start3A_367 : memref<1x81x128xi32, #tpu.memory_space<hbm>> -> memref<81x128xi32, #tpu.memory_space<hbm>>
        %dma_start3A_369 = arith.constant 0 : i32
        %dma_start3A_370 = tpu.memref_slice %dma_start3A_368[%add3A_360, %dma_start3A_369] : memref<81x128xi32, #tpu.memory_space<hbm>> -> memref<1x128xi32, #tpu.memory_space<hbm>>
        %dma_start3A_371 = tpu.memref_squeeze %dma_start3A_370 : memref<1x128xi32, #tpu.memory_space<hbm>> -> memref<128xi32, #tpu.memory_space<hbm>>
        %dma_start3A_372 = arith.constant 0 : i32
        %dma_start3A_373 = tpu.memref_slice %arg8[%dma_start3A_361, %dma_start3A_372] : memref<3x128xi32, #tpu.memory_space<vmem>> -> memref<1x128xi32, #tpu.memory_space<vmem>>
        %dma_start3A_374 = tpu.memref_squeeze %dma_start3A_373 : memref<1x128xi32, #tpu.memory_space<vmem>> -> memref<128xi32, #tpu.memory_space<vmem>>
        %dma_start3A_375 = arith.constant 0 : i32
        %dma_start3A_376 = arith.constant 0 : i32
        %dma_start3A_377 = tpu.memref_slice %arg2[%add3A, %dma_start3A_375, %dma_start3A_376] : memref<32x81x128xi32, #tpu.memory_space<hbm>> -> memref<1x81x128xi32, #tpu.memory_space<hbm>>
        %dma_start3A_378 = tpu.memref_squeeze %dma_start3A_377 : memref<1x81x128xi32, #tpu.memory_space<hbm>> -> memref<81x128xi32, #tpu.memory_space<hbm>>
        %dma_start3A_379 = arith.constant 0 : i32
        %dma_start3A_380 = tpu.memref_slice %dma_start3A_378[%add3A_360, %dma_start3A_379] : memref<81x128xi32, #tpu.memory_space<hbm>> -> memref<1x128xi32, #tpu.memory_space<hbm>>
        %dma_start3A_381 = tpu.memref_squeeze %dma_start3A_380 : memref<1x128xi32, #tpu.memory_space<hbm>> -> memref<128xi32, #tpu.memory_space<hbm>>
        tpu.enqueue_dma source(%dma_start3A_381 : memref<128xi32, #tpu.memory_space<hbm>>) target(%dma_start3A_374 : memref<128xi32, #tpu.memory_space<vmem>>) target_semaphore(%arg17 : memref<!tpu.dma_semaphore, #tpu.memory_space<semaphore_mem>>)
        %add3A_382 = arith.constant 3 : i32
        %add3A_383 = arith.addi %add3A_211, %add3A_382 : i32
        %dma_start3A_384 = arith.constant 0 : i32
        %dma_start3A_385 = arith.constant 0 : i32
        %dma_start3A_386 = tpu.memref_slice %arg9[%dma_start3A_384, %dma_start3A_385] : memref<3x128xi32, #tpu.memory_space<vmem>> -> memref<1x128xi32, #tpu.memory_space<vmem>>
        %dma_start3A_387 = tpu.memref_squeeze %dma_start3A_386 : memref<1x128xi32, #tpu.memory_space<vmem>> -> memref<128xi32, #tpu.memory_space<vmem>>
        %dma_start3A_388 = arith.constant 0 : i32
        %dma_start3A_389 = arith.constant 0 : i32
        %dma_start3A_390 = tpu.memref_slice %arg3[%add3A, %dma_start3A_388, %dma_start3A_389] : memref<32x81x128xi32, #tpu.memory_space<hbm>> -> memref<1x81x128xi32, #tpu.memory_space<hbm>>
        %dma_start3A_391 = tpu.memref_squeeze %dma_start3A_390 : memref<1x81x128xi32, #tpu.memory_space<hbm>> -> memref<81x128xi32, #tpu.memory_space<hbm>>
        %dma_start3A_392 = arith.constant 0 : i32
        %dma_start3A_393 = tpu.memref_slice %dma_start3A_391[%add3A_383, %dma_start3A_392] : memref<81x128xi32, #tpu.memory_space<hbm>> -> memref<1x128xi32, #tpu.memory_space<hbm>>
        %dma_start3A_394 = tpu.memref_squeeze %dma_start3A_393 : memref<1x128xi32, #tpu.memory_space<hbm>> -> memref<128xi32, #tpu.memory_space<hbm>>
        %dma_start3A_395 = arith.constant 0 : i32
        %dma_start3A_396 = tpu.memref_slice %arg9[%dma_start3A_384, %dma_start3A_395] : memref<3x128xi32, #tpu.memory_space<vmem>> -> memref<1x128xi32, #tpu.memory_space<vmem>>
        %dma_start3A_397 = tpu.memref_squeeze %dma_start3A_396 : memref<1x128xi32, #tpu.memory_space<vmem>> -> memref<128xi32, #tpu.memory_space<vmem>>
        %dma_start3A_398 = arith.constant 0 : i32
        %dma_start3A_399 = arith.constant 0 : i32
        %dma_start3A_400 = tpu.memref_slice %arg3[%add3A, %dma_start3A_398, %dma_start3A_399] : memref<32x81x128xi32, #tpu.memory_space<hbm>> -> memref<1x81x128xi32, #tpu.memory_space<hbm>>
        %dma_start3A_401 = tpu.memref_squeeze %dma_start3A_400 : memref<1x81x128xi32, #tpu.memory_space<hbm>> -> memref<81x128xi32, #tpu.memory_space<hbm>>
        %dma_start3A_402 = arith.constant 0 : i32
        %dma_start3A_403 = tpu.memref_slice %dma_start3A_401[%add3A_383, %dma_start3A_402] : memref<81x128xi32, #tpu.memory_space<hbm>> -> memref<1x128xi32, #tpu.memory_space<hbm>>
        %dma_start3A_404 = tpu.memref_squeeze %dma_start3A_403 : memref<1x128xi32, #tpu.memory_space<hbm>> -> memref<128xi32, #tpu.memory_space<hbm>>
        tpu.enqueue_dma source(%dma_start3A_404 : memref<128xi32, #tpu.memory_space<hbm>>) target(%dma_start3A_397 : memref<128xi32, #tpu.memory_space<vmem>>) target_semaphore(%arg14 : memref<!tpu.dma_semaphore, #tpu.memory_space<semaphore_mem>>)
      } else {
      }
      %add3A_257 = arith.constant 1 : i32
      %add3A_258 = arith.addi %mul3A_209, %add3A_257 : i32
      %dma_wait3A_259 = arith.constant 1 : i32
      %dma_wait3A_260 = arith.constant 1 : i32
      %dma_wait3A_261 = arith.constant 0 : i32
      %dma_wait3A_262 = arith.constant 0 : i32
      %dma_wait3A_263 = tpu.memref_slice %arg10[%dma_wait3A_260, %dma_wait3A_261, %dma_wait3A_262] : memref<3x128x128xf32, #tpu.memory_space<vmem>> -> memref<1x128x128xf32, #tpu.memory_space<vmem>>
      %dma_wait3A_264 = tpu.memref_squeeze %dma_wait3A_263 : memref<1x128x128xf32, #tpu.memory_space<vmem>> -> memref<128x128xf32, #tpu.memory_space<vmem>>
      %dma_wait3A_265 = arith.constant 0 : i32
      %dma_wait3A_266 = tpu.memref_slice %arg9[%dma_wait3A_259, %dma_wait3A_265] : memref<3x128xi32, #tpu.memory_space<vmem>> -> memref<1x128xi32, #tpu.memory_space<vmem>>
      %dma_wait3A_267 = tpu.memref_squeeze %dma_wait3A_266 : memref<1x128xi32, #tpu.memory_space<vmem>> -> memref<128xi32, #tpu.memory_space<vmem>>
      %dma_wait3A_268 = arith.constant 0 : i32
      %dma_wait3A_269 = arith.constant 0 : i32
      %dma_wait3A_270 = tpu.memref_slice %arg4[%dma_wait3A_268, %dma_wait3A_269] : memref<10112x128xf32, #tpu.memory_space<hbm>> -> memref<10112x128xf32, #tpu.memory_space<hbm>>
      tpu.wait_indirect_dma semaphore(%arg12 : memref<!tpu.dma_semaphore, #tpu.memory_space<semaphore_mem>>) src(%dma_wait3A_270 : memref<10112x128xf32, #tpu.memory_space<hbm>>) dst(%dma_wait3A_264 : memref<128x128xf32, #tpu.memory_space<vmem>>)
      %add3A_271 = arith.constant 2 : i32
      %add3A_272 = arith.addi %add3A_258, %add3A_271 : i32
      %lt3A_273 = arith.constant 81 : i32
      %lt3A_274 = arith.cmpi slt, %add3A_272, %lt3A_273 : i32
      %convert_element_type3A_275 = arith.extui %lt3A_274 : i1 to i32
      %cond3A_276 = arith.constant 0 : i32
      %cond3A_277 = arith.cmpi ne, %convert_element_type3A_275, %cond3A_276 : i32
      scf.if %cond3A_277 {
        %add3A_359 = arith.constant 2 : i32
        %add3A_360 = arith.addi %add3A_258, %add3A_359 : i32
        %dma_wait3A_361 = arith.constant 0 : i32
        %dma_wait3A_362 = arith.constant 0 : i32
        %dma_wait3A_363 = tpu.memref_slice %arg9[%dma_wait3A_361, %dma_wait3A_362] : memref<3x128xi32, #tpu.memory_space<vmem>> -> memref<1x128xi32, #tpu.memory_space<vmem>>
        %dma_wait3A_364 = tpu.memref_squeeze %dma_wait3A_363 : memref<1x128xi32, #tpu.memory_space<vmem>> -> memref<128xi32, #tpu.memory_space<vmem>>
        %dma_wait3A_365 = arith.constant 0 : i32
        %dma_wait3A_366 = arith.constant 0 : i32
        %dma_wait3A_367 = tpu.memref_slice %arg3[%add3A, %dma_wait3A_365, %dma_wait3A_366] : memref<32x81x128xi32, #tpu.memory_space<hbm>> -> memref<1x81x128xi32, #tpu.memory_space<hbm>>
        %dma_wait3A_368 = tpu.memref_squeeze %dma_wait3A_367 : memref<1x81x128xi32, #tpu.memory_space<hbm>> -> memref<81x128xi32, #tpu.memory_space<hbm>>
        %dma_wait3A_369 = arith.constant 0 : i32
        %dma_wait3A_370 = tpu.memref_slice %dma_wait3A_368[%add3A_360, %dma_wait3A_369] : memref<81x128xi32, #tpu.memory_space<hbm>> -> memref<1x128xi32, #tpu.memory_space<hbm>>
        %dma_wait3A_371 = tpu.memref_squeeze %dma_wait3A_370 : memref<1x128xi32, #tpu.memory_space<hbm>> -> memref<128xi32, #tpu.memory_space<hbm>>
        %dma_wait3A_372 = arith.constant 0 : i32
        %dma_wait3A_373 = tpu.memref_slice %arg9[%dma_wait3A_361, %dma_wait3A_372] : memref<3x128xi32, #tpu.memory_space<vmem>> -> memref<1x128xi32, #tpu.memory_space<vmem>>
        %dma_wait3A_374 = tpu.memref_squeeze %dma_wait3A_373 : memref<1x128xi32, #tpu.memory_space<vmem>> -> memref<128xi32, #tpu.memory_space<vmem>>
        %dma_wait3A_375 = arith.constant 0 : i32
        %dma_wait3A_376 = arith.constant 0 : i32
        %dma_wait3A_377 = tpu.memref_slice %arg3[%add3A, %dma_wait3A_375, %dma_wait3A_376] : memref<32x81x128xi32, #tpu.memory_space<hbm>> -> memref<1x81x128xi32, #tpu.memory_space<hbm>>
        %dma_wait3A_378 = tpu.memref_squeeze %dma_wait3A_377 : memref<1x81x128xi32, #tpu.memory_space<hbm>> -> memref<81x128xi32, #tpu.memory_space<hbm>>
        %dma_wait3A_379 = arith.constant 0 : i32
        %dma_wait3A_380 = tpu.memref_slice %dma_wait3A_378[%add3A_360, %dma_wait3A_379] : memref<81x128xi32, #tpu.memory_space<hbm>> -> memref<1x128xi32, #tpu.memory_space<hbm>>
        %dma_wait3A_381 = tpu.memref_squeeze %dma_wait3A_380 : memref<1x128xi32, #tpu.memory_space<hbm>> -> memref<128xi32, #tpu.memory_space<hbm>>
        tpu.wait_dma2 semaphore(%arg14 : memref<!tpu.dma_semaphore, #tpu.memory_space<semaphore_mem>>) src(%dma_wait3A_381 : memref<128xi32, #tpu.memory_space<hbm>>) dst(%dma_wait3A_374 : memref<128xi32, #tpu.memory_space<vmem>>)
        %dma_start3A_382 = arith.constant 0 : i32
        %dma_start3A_383 = arith.constant 0 : i32
        %dma_start3A_384 = arith.constant 0 : i32
        %dma_start3A_385 = arith.constant 0 : i32
        %dma_start3A_386 = tpu.memref_slice %arg10[%dma_start3A_383, %dma_start3A_384, %dma_start3A_385] : memref<3x128x128xf32, #tpu.memory_space<vmem>> -> memref<1x128x128xf32, #tpu.memory_space<vmem>>
        %dma_start3A_387 = tpu.memref_squeeze %dma_start3A_386 : memref<1x128x128xf32, #tpu.memory_space<vmem>> -> memref<128x128xf32, #tpu.memory_space<vmem>>
        %dma_start3A_388 = arith.constant 0 : i32
        %dma_start3A_389 = tpu.memref_slice %arg9[%dma_start3A_382, %dma_start3A_388] : memref<3x128xi32, #tpu.memory_space<vmem>> -> memref<1x128xi32, #tpu.memory_space<vmem>>
        %dma_start3A_390 = tpu.memref_squeeze %dma_start3A_389 : memref<1x128xi32, #tpu.memory_space<vmem>> -> memref<128xi32, #tpu.memory_space<vmem>>
        %dma_start3A_391 = arith.constant 0 : i32
        %dma_start3A_392 = arith.constant 0 : i32
        %dma_start3A_393 = tpu.memref_slice %arg4[%dma_start3A_391, %dma_start3A_392] : memref<10112x128xf32, #tpu.memory_space<hbm>> -> memref<10112x128xf32, #tpu.memory_space<hbm>>
        tpu.enqueue_indirect_dma source(%dma_start3A_393 : memref<10112x128xf32, #tpu.memory_space<hbm>>) target(%dma_start3A_387 : memref<128x128xf32, #tpu.memory_space<vmem>>) offsets(%dma_start3A_390 : memref<128xi32, #tpu.memory_space<vmem>>) semaphore(%arg11 : memref<!tpu.dma_semaphore, #tpu.memory_space<semaphore_mem>>)
      } else {
      }
      %dma_wait3A_278 = arith.constant 1 : i32
      %dma_wait3A_279 = arith.constant 0 : i32
      %dma_wait3A_280 = tpu.memref_slice %arg8[%dma_wait3A_278, %dma_wait3A_279] : memref<3x128xi32, #tpu.memory_space<vmem>> -> memref<1x128xi32, #tpu.memory_space<vmem>>
      %dma_wait3A_281 = tpu.memref_squeeze %dma_wait3A_280 : memref<1x128xi32, #tpu.memory_space<vmem>> -> memref<128xi32, #tpu.memory_space<vmem>>
      %dma_wait3A_282 = arith.constant 0 : i32
      %dma_wait3A_283 = arith.constant 0 : i32
      %dma_wait3A_284 = tpu.memref_slice %arg2[%add3A, %dma_wait3A_282, %dma_wait3A_283] : memref<32x81x128xi32, #tpu.memory_space<hbm>> -> memref<1x81x128xi32, #tpu.memory_space<hbm>>
      %dma_wait3A_285 = tpu.memref_squeeze %dma_wait3A_284 : memref<1x81x128xi32, #tpu.memory_space<hbm>> -> memref<81x128xi32, #tpu.memory_space<hbm>>
      %dma_wait3A_286 = arith.constant 0 : i32
      %dma_wait3A_287 = tpu.memref_slice %dma_wait3A_285[%add3A_258, %dma_wait3A_286] : memref<81x128xi32, #tpu.memory_space<hbm>> -> memref<1x128xi32, #tpu.memory_space<hbm>>
      %dma_wait3A_288 = tpu.memref_squeeze %dma_wait3A_287 : memref<1x128xi32, #tpu.memory_space<hbm>> -> memref<128xi32, #tpu.memory_space<hbm>>
      %dma_wait3A_289 = arith.constant 0 : i32
      %dma_wait3A_290 = tpu.memref_slice %arg8[%dma_wait3A_278, %dma_wait3A_289] : memref<3x128xi32, #tpu.memory_space<vmem>> -> memref<1x128xi32, #tpu.memory_space<vmem>>
      %dma_wait3A_291 = tpu.memref_squeeze %dma_wait3A_290 : memref<1x128xi32, #tpu.memory_space<vmem>> -> memref<128xi32, #tpu.memory_space<vmem>>
      %dma_wait3A_292 = arith.constant 0 : i32
      %dma_wait3A_293 = arith.constant 0 : i32
      %dma_wait3A_294 = tpu.memref_slice %arg2[%add3A, %dma_wait3A_292, %dma_wait3A_293] : memref<32x81x128xi32, #tpu.memory_space<hbm>> -> memref<1x81x128xi32, #tpu.memory_space<hbm>>
      %dma_wait3A_295 = tpu.memref_squeeze %dma_wait3A_294 : memref<1x81x128xi32, #tpu.memory_space<hbm>> -> memref<81x128xi32, #tpu.memory_space<hbm>>
      %dma_wait3A_296 = arith.constant 0 : i32
      %dma_wait3A_297 = tpu.memref_slice %dma_wait3A_295[%add3A_258, %dma_wait3A_296] : memref<81x128xi32, #tpu.memory_space<hbm>> -> memref<1x128xi32, #tpu.memory_space<hbm>>
      %dma_wait3A_298 = tpu.memref_squeeze %dma_wait3A_297 : memref<1x128xi32, #tpu.memory_space<hbm>> -> memref<128xi32, #tpu.memory_space<hbm>>
      tpu.wait_dma2 semaphore(%arg18 : memref<!tpu.dma_semaphore, #tpu.memory_space<semaphore_mem>>) src(%dma_wait3A_298 : memref<128xi32, #tpu.memory_space<hbm>>) dst(%dma_wait3A_291 : memref<128xi32, #tpu.memory_space<vmem>>)
      %run_scoped3A_299 = arith.constant 1 : i32
      %run_scoped3A_300 = arith.constant 1 : i32
      "tpu.region"() ({
        %run_scoped3A_359 = tpu.sem_alloc : memref<!tpu.dma_semaphore, #tpu.memory_space<semaphore_mem>>
        %dma_start3A_360 = arith.constant 0 : i32
        %dma_start3A_361 = arith.constant 0 : i32
        %dma_start3A_362 = tpu.memref_slice %arg10[%run_scoped3A_299, %dma_start3A_360, %dma_start3A_361] : memref<3x128x128xf32, #tpu.memory_space<vmem>> -> memref<1x128x128xf32, #tpu.memory_space<vmem>>
        %dma_start3A_363 = tpu.memref_squeeze %dma_start3A_362 : memref<1x128x128xf32, #tpu.memory_space<vmem>> -> memref<128x128xf32, #tpu.memory_space<vmem>>
        %dma_start3A_364 = arith.constant 0 : i32
        %dma_start3A_365 = tpu.memref_slice %arg8[%run_scoped3A_300, %dma_start3A_364] : memref<3x128xi32, #tpu.memory_space<vmem>> -> memref<1x128xi32, #tpu.memory_space<vmem>>
        %dma_start3A_366 = tpu.memref_squeeze %dma_start3A_365 : memref<1x128xi32, #tpu.memory_space<vmem>> -> memref<128xi32, #tpu.memory_space<vmem>>
        %dma_start3A_367 = arith.constant 0 : i32
        %dma_start3A_368 = arith.constant 0 : i32
        %dma_start3A_369 = tpu.memref_slice %arg7[%dma_start3A_367, %dma_start3A_368] : memref<10112x128xf32, #tpu.memory_space<vmem_shared>> -> memref<10112x128xf32, #tpu.memory_space<vmem_shared>>
        tpu.enqueue_indirect_dma source(%dma_start3A_363 : memref<128x128xf32, #tpu.memory_space<vmem>>) target(%dma_start3A_369 : memref<10112x128xf32, #tpu.memory_space<vmem_shared>>) offsets(%dma_start3A_366 : memref<128xi32, #tpu.memory_space<vmem>>) semaphore(%run_scoped3A_359 : memref<!tpu.dma_semaphore, #tpu.memory_space<semaphore_mem>>) {add = true}
        %dma_wait3A_370 = arith.constant 0 : i32
        %dma_wait3A_371 = arith.constant 0 : i32
        %dma_wait3A_372 = tpu.memref_slice %arg10[%run_scoped3A_299, %dma_wait3A_370, %dma_wait3A_371] : memref<3x128x128xf32, #tpu.memory_space<vmem>> -> memref<1x128x128xf32, #tpu.memory_space<vmem>>
        %dma_wait3A_373 = tpu.memref_squeeze %dma_wait3A_372 : memref<1x128x128xf32, #tpu.memory_space<vmem>> -> memref<128x128xf32, #tpu.memory_space<vmem>>
        %dma_wait3A_374 = arith.constant 0 : i32
        %dma_wait3A_375 = tpu.memref_slice %arg8[%run_scoped3A_300, %dma_wait3A_374] : memref<3x128xi32, #tpu.memory_space<vmem>> -> memref<1x128xi32, #tpu.memory_space<vmem>>
        %dma_wait3A_376 = tpu.memref_squeeze %dma_wait3A_375 : memref<1x128xi32, #tpu.memory_space<vmem>> -> memref<128xi32, #tpu.memory_space<vmem>>
        %dma_wait3A_377 = arith.constant 0 : i32
        %dma_wait3A_378 = arith.constant 0 : i32
        %dma_wait3A_379 = tpu.memref_slice %arg7[%dma_wait3A_377, %dma_wait3A_378] : memref<10112x128xf32, #tpu.memory_space<vmem_shared>> -> memref<10112x128xf32, #tpu.memory_space<vmem_shared>>
        tpu.wait_indirect_dma semaphore(%run_scoped3A_359 : memref<!tpu.dma_semaphore, #tpu.memory_space<semaphore_mem>>) src(%dma_wait3A_373 : memref<128x128xf32, #tpu.memory_space<vmem>>) dst(%dma_wait3A_379 : memref<10112x128xf32, #tpu.memory_space<vmem_shared>>)
        tpu.yield
      }) : () -> ()
      %add3A_301 = arith.constant 3 : i32
      %add3A_302 = arith.addi %add3A_258, %add3A_301 : i32
      %lt3A_303 = arith.constant 81 : i32
      %lt3A_304 = arith.cmpi slt, %add3A_302, %lt3A_303 : i32
      %convert_element_type3A_305 = arith.extui %lt3A_304 : i1 to i32
      %cond3A_306 = arith.constant 0 : i32
      %cond3A_307 = arith.cmpi ne, %convert_element_type3A_305, %cond3A_306 : i32
      scf.if %cond3A_307 {
        %add3A_359 = arith.constant 3 : i32
        %add3A_360 = arith.addi %add3A_258, %add3A_359 : i32
        %dma_start3A_361 = arith.constant 1 : i32
        %dma_start3A_362 = arith.constant 0 : i32
        %dma_start3A_363 = tpu.memref_slice %arg8[%dma_start3A_361, %dma_start3A_362] : memref<3x128xi32, #tpu.memory_space<vmem>> -> memref<1x128xi32, #tpu.memory_space<vmem>>
        %dma_start3A_364 = tpu.memref_squeeze %dma_start3A_363 : memref<1x128xi32, #tpu.memory_space<vmem>> -> memref<128xi32, #tpu.memory_space<vmem>>
        %dma_start3A_365 = arith.constant 0 : i32
        %dma_start3A_366 = arith.constant 0 : i32
        %dma_start3A_367 = tpu.memref_slice %arg2[%add3A, %dma_start3A_365, %dma_start3A_366] : memref<32x81x128xi32, #tpu.memory_space<hbm>> -> memref<1x81x128xi32, #tpu.memory_space<hbm>>
        %dma_start3A_368 = tpu.memref_squeeze %dma_start3A_367 : memref<1x81x128xi32, #tpu.memory_space<hbm>> -> memref<81x128xi32, #tpu.memory_space<hbm>>
        %dma_start3A_369 = arith.constant 0 : i32
        %dma_start3A_370 = tpu.memref_slice %dma_start3A_368[%add3A_360, %dma_start3A_369] : memref<81x128xi32, #tpu.memory_space<hbm>> -> memref<1x128xi32, #tpu.memory_space<hbm>>
        %dma_start3A_371 = tpu.memref_squeeze %dma_start3A_370 : memref<1x128xi32, #tpu.memory_space<hbm>> -> memref<128xi32, #tpu.memory_space<hbm>>
        %dma_start3A_372 = arith.constant 0 : i32
        %dma_start3A_373 = tpu.memref_slice %arg8[%dma_start3A_361, %dma_start3A_372] : memref<3x128xi32, #tpu.memory_space<vmem>> -> memref<1x128xi32, #tpu.memory_space<vmem>>
        %dma_start3A_374 = tpu.memref_squeeze %dma_start3A_373 : memref<1x128xi32, #tpu.memory_space<vmem>> -> memref<128xi32, #tpu.memory_space<vmem>>
        %dma_start3A_375 = arith.constant 0 : i32
        %dma_start3A_376 = arith.constant 0 : i32
        %dma_start3A_377 = tpu.memref_slice %arg2[%add3A, %dma_start3A_375, %dma_start3A_376] : memref<32x81x128xi32, #tpu.memory_space<hbm>> -> memref<1x81x128xi32, #tpu.memory_space<hbm>>
        %dma_start3A_378 = tpu.memref_squeeze %dma_start3A_377 : memref<1x81x128xi32, #tpu.memory_space<hbm>> -> memref<81x128xi32, #tpu.memory_space<hbm>>
        %dma_start3A_379 = arith.constant 0 : i32
        %dma_start3A_380 = tpu.memref_slice %dma_start3A_378[%add3A_360, %dma_start3A_379] : memref<81x128xi32, #tpu.memory_space<hbm>> -> memref<1x128xi32, #tpu.memory_space<hbm>>
        %dma_start3A_381 = tpu.memref_squeeze %dma_start3A_380 : memref<1x128xi32, #tpu.memory_space<hbm>> -> memref<128xi32, #tpu.memory_space<hbm>>
        tpu.enqueue_dma source(%dma_start3A_381 : memref<128xi32, #tpu.memory_space<hbm>>) target(%dma_start3A_374 : memref<128xi32, #tpu.memory_space<vmem>>) target_semaphore(%arg18 : memref<!tpu.dma_semaphore, #tpu.memory_space<semaphore_mem>>)
        %add3A_382 = arith.constant 3 : i32
        %add3A_383 = arith.addi %add3A_258, %add3A_382 : i32
        %dma_start3A_384 = arith.constant 1 : i32
        %dma_start3A_385 = arith.constant 0 : i32
        %dma_start3A_386 = tpu.memref_slice %arg9[%dma_start3A_384, %dma_start3A_385] : memref<3x128xi32, #tpu.memory_space<vmem>> -> memref<1x128xi32, #tpu.memory_space<vmem>>
        %dma_start3A_387 = tpu.memref_squeeze %dma_start3A_386 : memref<1x128xi32, #tpu.memory_space<vmem>> -> memref<128xi32, #tpu.memory_space<vmem>>
        %dma_start3A_388 = arith.constant 0 : i32
        %dma_start3A_389 = arith.constant 0 : i32
        %dma_start3A_390 = tpu.memref_slice %arg3[%add3A, %dma_start3A_388, %dma_start3A_389] : memref<32x81x128xi32, #tpu.memory_space<hbm>> -> memref<1x81x128xi32, #tpu.memory_space<hbm>>
        %dma_start3A_391 = tpu.memref_squeeze %dma_start3A_390 : memref<1x81x128xi32, #tpu.memory_space<hbm>> -> memref<81x128xi32, #tpu.memory_space<hbm>>
        %dma_start3A_392 = arith.constant 0 : i32
        %dma_start3A_393 = tpu.memref_slice %dma_start3A_391[%add3A_383, %dma_start3A_392] : memref<81x128xi32, #tpu.memory_space<hbm>> -> memref<1x128xi32, #tpu.memory_space<hbm>>
        %dma_start3A_394 = tpu.memref_squeeze %dma_start3A_393 : memref<1x128xi32, #tpu.memory_space<hbm>> -> memref<128xi32, #tpu.memory_space<hbm>>
        %dma_start3A_395 = arith.constant 0 : i32
        %dma_start3A_396 = tpu.memref_slice %arg9[%dma_start3A_384, %dma_start3A_395] : memref<3x128xi32, #tpu.memory_space<vmem>> -> memref<1x128xi32, #tpu.memory_space<vmem>>
        %dma_start3A_397 = tpu.memref_squeeze %dma_start3A_396 : memref<1x128xi32, #tpu.memory_space<vmem>> -> memref<128xi32, #tpu.memory_space<vmem>>
        %dma_start3A_398 = arith.constant 0 : i32
        %dma_start3A_399 = arith.constant 0 : i32
        %dma_start3A_400 = tpu.memref_slice %arg3[%add3A, %dma_start3A_398, %dma_start3A_399] : memref<32x81x128xi32, #tpu.memory_space<hbm>> -> memref<1x81x128xi32, #tpu.memory_space<hbm>>
        %dma_start3A_401 = tpu.memref_squeeze %dma_start3A_400 : memref<1x81x128xi32, #tpu.memory_space<hbm>> -> memref<81x128xi32, #tpu.memory_space<hbm>>
        %dma_start3A_402 = arith.constant 0 : i32
        %dma_start3A_403 = tpu.memref_slice %dma_start3A_401[%add3A_383, %dma_start3A_402] : memref<81x128xi32, #tpu.memory_space<hbm>> -> memref<1x128xi32, #tpu.memory_space<hbm>>
        %dma_start3A_404 = tpu.memref_squeeze %dma_start3A_403 : memref<1x128xi32, #tpu.memory_space<hbm>> -> memref<128xi32, #tpu.memory_space<hbm>>
        tpu.enqueue_dma source(%dma_start3A_404 : memref<128xi32, #tpu.memory_space<hbm>>) target(%dma_start3A_397 : memref<128xi32, #tpu.memory_space<vmem>>) target_semaphore(%arg15 : memref<!tpu.dma_semaphore, #tpu.memory_space<semaphore_mem>>)
      } else {
      }
      %add3A_308 = arith.constant 2 : i32
      %add3A_309 = arith.addi %mul3A_209, %add3A_308 : i32
      %dma_wait3A_310 = arith.constant 2 : i32
      %dma_wait3A_311 = arith.constant 2 : i32
      %dma_wait3A_312 = arith.constant 0 : i32
      %dma_wait3A_313 = arith.constant 0 : i32
      %dma_wait3A_314 = tpu.memref_slice %arg10[%dma_wait3A_311, %dma_wait3A_312, %dma_wait3A_313] : memref<3x128x128xf32, #tpu.memory_space<vmem>> -> memref<1x128x128xf32, #tpu.memory_space<vmem>>
      %dma_wait3A_315 = tpu.memref_squeeze %dma_wait3A_314 : memref<1x128x128xf32, #tpu.memory_space<vmem>> -> memref<128x128xf32, #tpu.memory_space<vmem>>
      %dma_wait3A_316 = arith.constant 0 : i32
      %dma_wait3A_317 = tpu.memref_slice %arg9[%dma_wait3A_310, %dma_wait3A_316] : memref<3x128xi32, #tpu.memory_space<vmem>> -> memref<1x128xi32, #tpu.memory_space<vmem>>
      %dma_wait3A_318 = tpu.memref_squeeze %dma_wait3A_317 : memref<1x128xi32, #tpu.memory_space<vmem>> -> memref<128xi32, #tpu.memory_space<vmem>>
      %dma_wait3A_319 = arith.constant 0 : i32
      %dma_wait3A_320 = arith.constant 0 : i32
      %dma_wait3A_321 = tpu.memref_slice %arg4[%dma_wait3A_319, %dma_wait3A_320] : memref<10112x128xf32, #tpu.memory_space<hbm>> -> memref<10112x128xf32, #tpu.memory_space<hbm>>
      tpu.wait_indirect_dma semaphore(%arg13 : memref<!tpu.dma_semaphore, #tpu.memory_space<semaphore_mem>>) src(%dma_wait3A_321 : memref<10112x128xf32, #tpu.memory_space<hbm>>) dst(%dma_wait3A_315 : memref<128x128xf32, #tpu.memory_space<vmem>>)
      %add3A_322 = arith.constant 2 : i32
      %add3A_323 = arith.addi %add3A_309, %add3A_322 : i32
      %lt3A_324 = arith.constant 81 : i32
      %lt3A_325 = arith.cmpi slt, %add3A_323, %lt3A_324 : i32
      %convert_element_type3A_326 = arith.extui %lt3A_325 : i1 to i32
      %cond3A_327 = arith.constant 0 : i32
      %cond3A_328 = arith.cmpi ne, %convert_element_type3A_326, %cond3A_327 : i32
      scf.if %cond3A_328 {
        %add3A_359 = arith.constant 2 : i32
        %add3A_360 = arith.addi %add3A_309, %add3A_359 : i32
        %dma_wait3A_361 = arith.constant 1 : i32
        %dma_wait3A_362 = arith.constant 0 : i32
        %dma_wait3A_363 = tpu.memref_slice %arg9[%dma_wait3A_361, %dma_wait3A_362] : memref<3x128xi32, #tpu.memory_space<vmem>> -> memref<1x128xi32, #tpu.memory_space<vmem>>
        %dma_wait3A_364 = tpu.memref_squeeze %dma_wait3A_363 : memref<1x128xi32, #tpu.memory_space<vmem>> -> memref<128xi32, #tpu.memory_space<vmem>>
        %dma_wait3A_365 = arith.constant 0 : i32
        %dma_wait3A_366 = arith.constant 0 : i32
        %dma_wait3A_367 = tpu.memref_slice %arg3[%add3A, %dma_wait3A_365, %dma_wait3A_366] : memref<32x81x128xi32, #tpu.memory_space<hbm>> -> memref<1x81x128xi32, #tpu.memory_space<hbm>>
        %dma_wait3A_368 = tpu.memref_squeeze %dma_wait3A_367 : memref<1x81x128xi32, #tpu.memory_space<hbm>> -> memref<81x128xi32, #tpu.memory_space<hbm>>
        %dma_wait3A_369 = arith.constant 0 : i32
        %dma_wait3A_370 = tpu.memref_slice %dma_wait3A_368[%add3A_360, %dma_wait3A_369] : memref<81x128xi32, #tpu.memory_space<hbm>> -> memref<1x128xi32, #tpu.memory_space<hbm>>
        %dma_wait3A_371 = tpu.memref_squeeze %dma_wait3A_370 : memref<1x128xi32, #tpu.memory_space<hbm>> -> memref<128xi32, #tpu.memory_space<hbm>>
        %dma_wait3A_372 = arith.constant 0 : i32
        %dma_wait3A_373 = tpu.memref_slice %arg9[%dma_wait3A_361, %dma_wait3A_372] : memref<3x128xi32, #tpu.memory_space<vmem>> -> memref<1x128xi32, #tpu.memory_space<vmem>>
        %dma_wait3A_374 = tpu.memref_squeeze %dma_wait3A_373 : memref<1x128xi32, #tpu.memory_space<vmem>> -> memref<128xi32, #tpu.memory_space<vmem>>
        %dma_wait3A_375 = arith.constant 0 : i32
        %dma_wait3A_376 = arith.constant 0 : i32
        %dma_wait3A_377 = tpu.memref_slice %arg3[%add3A, %dma_wait3A_375, %dma_wait3A_376] : memref<32x81x128xi32, #tpu.memory_space<hbm>> -> memref<1x81x128xi32, #tpu.memory_space<hbm>>
        %dma_wait3A_378 = tpu.memref_squeeze %dma_wait3A_377 : memref<1x81x128xi32, #tpu.memory_space<hbm>> -> memref<81x128xi32, #tpu.memory_space<hbm>>
        %dma_wait3A_379 = arith.constant 0 : i32
        %dma_wait3A_380 = tpu.memref_slice %dma_wait3A_378[%add3A_360, %dma_wait3A_379] : memref<81x128xi32, #tpu.memory_space<hbm>> -> memref<1x128xi32, #tpu.memory_space<hbm>>
        %dma_wait3A_381 = tpu.memref_squeeze %dma_wait3A_380 : memref<1x128xi32, #tpu.memory_space<hbm>> -> memref<128xi32, #tpu.memory_space<hbm>>
        tpu.wait_dma2 semaphore(%arg15 : memref<!tpu.dma_semaphore, #tpu.memory_space<semaphore_mem>>) src(%dma_wait3A_381 : memref<128xi32, #tpu.memory_space<hbm>>) dst(%dma_wait3A_374 : memref<128xi32, #tpu.memory_space<vmem>>)
        %dma_start3A_382 = arith.constant 1 : i32
        %dma_start3A_383 = arith.constant 1 : i32
        %dma_start3A_384 = arith.constant 0 : i32
        %dma_start3A_385 = arith.constant 0 : i32
        %dma_start3A_386 = tpu.memref_slice %arg10[%dma_start3A_383, %dma_start3A_384, %dma_start3A_385] : memref<3x128x128xf32, #tpu.memory_space<vmem>> -> memref<1x128x128xf32, #tpu.memory_space<vmem>>
        %dma_start3A_387 = tpu.memref_squeeze %dma_start3A_386 : memref<1x128x128xf32, #tpu.memory_space<vmem>> -> memref<128x128xf32, #tpu.memory_space<vmem>>
        %dma_start3A_388 = arith.constant 0 : i32
        %dma_start3A_389 = tpu.memref_slice %arg9[%dma_start3A_382, %dma_start3A_388] : memref<3x128xi32, #tpu.memory_space<vmem>> -> memref<1x128xi32, #tpu.memory_space<vmem>>
        %dma_start3A_390 = tpu.memref_squeeze %dma_start3A_389 : memref<1x128xi32, #tpu.memory_space<vmem>> -> memref<128xi32, #tpu.memory_space<vmem>>
        %dma_start3A_391 = arith.constant 0 : i32
        %dma_start3A_392 = arith.constant 0 : i32
        %dma_start3A_393 = tpu.memref_slice %arg4[%dma_start3A_391, %dma_start3A_392] : memref<10112x128xf32, #tpu.memory_space<hbm>> -> memref<10112x128xf32, #tpu.memory_space<hbm>>
        tpu.enqueue_indirect_dma source(%dma_start3A_393 : memref<10112x128xf32, #tpu.memory_space<hbm>>) target(%dma_start3A_387 : memref<128x128xf32, #tpu.memory_space<vmem>>) offsets(%dma_start3A_390 : memref<128xi32, #tpu.memory_space<vmem>>) semaphore(%arg12 : memref<!tpu.dma_semaphore, #tpu.memory_space<semaphore_mem>>)
      } else {
      }
      %dma_wait3A_329 = arith.constant 2 : i32
      %dma_wait3A_330 = arith.constant 0 : i32
      %dma_wait3A_331 = tpu.memref_slice %arg8[%dma_wait3A_329, %dma_wait3A_330] : memref<3x128xi32, #tpu.memory_space<vmem>> -> memref<1x128xi32, #tpu.memory_space<vmem>>
      %dma_wait3A_332 = tpu.memref_squeeze %dma_wait3A_331 : memref<1x128xi32, #tpu.memory_space<vmem>> -> memref<128xi32, #tpu.memory_space<vmem>>
      %dma_wait3A_333 = arith.constant 0 : i32
      %dma_wait3A_334 = arith.constant 0 : i32
      %dma_wait3A_335 = tpu.memref_slice %arg2[%add3A, %dma_wait3A_333, %dma_wait3A_334] : memref<32x81x128xi32, #tpu.memory_space<hbm>> -> memref<1x81x128xi32, #tpu.memory_space<hbm>>
      %dma_wait3A_336 = tpu.memref_squeeze %dma_wait3A_335 : memref<1x81x128xi32, #tpu.memory_space<hbm>> -> memref<81x128xi32, #tpu.memory_space<hbm>>
      %dma_wait3A_337 = arith.constant 0 : i32
      %dma_wait3A_338 = tpu.memref_slice %dma_wait3A_336[%add3A_309, %dma_wait3A_337] : memref<81x128xi32, #tpu.memory_space<hbm>> -> memref<1x128xi32, #tpu.memory_space<hbm>>
      %dma_wait3A_339 = tpu.memref_squeeze %dma_wait3A_338 : memref<1x128xi32, #tpu.memory_space<hbm>> -> memref<128xi32, #tpu.memory_space<hbm>>
      %dma_wait3A_340 = arith.constant 0 : i32
      %dma_wait3A_341 = tpu.memref_slice %arg8[%dma_wait3A_329, %dma_wait3A_340] : memref<3x128xi32, #tpu.memory_space<vmem>> -> memref<1x128xi32, #tpu.memory_space<vmem>>
      %dma_wait3A_342 = tpu.memref_squeeze %dma_wait3A_341 : memref<1x128xi32, #tpu.memory_space<vmem>> -> memref<128xi32, #tpu.memory_space<vmem>>
      %dma_wait3A_343 = arith.constant 0 : i32
      %dma_wait3A_344 = arith.constant 0 : i32
      %dma_wait3A_345 = tpu.memref_slice %arg2[%add3A, %dma_wait3A_343, %dma_wait3A_344] : memref<32x81x128xi32, #tpu.memory_space<hbm>> -> memref<1x81x128xi32, #tpu.memory_space<hbm>>
      %dma_wait3A_346 = tpu.memref_squeeze %dma_wait3A_345 : memref<1x81x128xi32, #tpu.memory_space<hbm>> -> memref<81x128xi32, #tpu.memory_space<hbm>>
      %dma_wait3A_347 = arith.constant 0 : i32
      %dma_wait3A_348 = tpu.memref_slice %dma_wait3A_346[%add3A_309, %dma_wait3A_347] : memref<81x128xi32, #tpu.memory_space<hbm>> -> memref<1x128xi32, #tpu.memory_space<hbm>>
      %dma_wait3A_349 = tpu.memref_squeeze %dma_wait3A_348 : memref<1x128xi32, #tpu.memory_space<hbm>> -> memref<128xi32, #tpu.memory_space<hbm>>
      tpu.wait_dma2 semaphore(%arg19 : memref<!tpu.dma_semaphore, #tpu.memory_space<semaphore_mem>>) src(%dma_wait3A_349 : memref<128xi32, #tpu.memory_space<hbm>>) dst(%dma_wait3A_342 : memref<128xi32, #tpu.memory_space<vmem>>)
      %run_scoped3A_350 = arith.constant 2 : i32
      %run_scoped3A_351 = arith.constant 2 : i32
      "tpu.region"() ({
        %run_scoped3A_359 = tpu.sem_alloc : memref<!tpu.dma_semaphore, #tpu.memory_space<semaphore_mem>>
        %dma_start3A_360 = arith.constant 0 : i32
        %dma_start3A_361 = arith.constant 0 : i32
        %dma_start3A_362 = tpu.memref_slice %arg10[%run_scoped3A_350, %dma_start3A_360, %dma_start3A_361] : memref<3x128x128xf32, #tpu.memory_space<vmem>> -> memref<1x128x128xf32, #tpu.memory_space<vmem>>
        %dma_start3A_363 = tpu.memref_squeeze %dma_start3A_362 : memref<1x128x128xf32, #tpu.memory_space<vmem>> -> memref<128x128xf32, #tpu.memory_space<vmem>>
        %dma_start3A_364 = arith.constant 0 : i32
        %dma_start3A_365 = tpu.memref_slice %arg8[%run_scoped3A_351, %dma_start3A_364] : memref<3x128xi32, #tpu.memory_space<vmem>> -> memref<1x128xi32, #tpu.memory_space<vmem>>
        %dma_start3A_366 = tpu.memref_squeeze %dma_start3A_365 : memref<1x128xi32, #tpu.memory_space<vmem>> -> memref<128xi32, #tpu.memory_space<vmem>>
        %dma_start3A_367 = arith.constant 0 : i32
        %dma_start3A_368 = arith.constant 0 : i32
        %dma_start3A_369 = tpu.memref_slice %arg7[%dma_start3A_367, %dma_start3A_368] : memref<10112x128xf32, #tpu.memory_space<vmem_shared>> -> memref<10112x128xf32, #tpu.memory_space<vmem_shared>>
        tpu.enqueue_indirect_dma source(%dma_start3A_363 : memref<128x128xf32, #tpu.memory_space<vmem>>) target(%dma_start3A_369 : memref<10112x128xf32, #tpu.memory_space<vmem_shared>>) offsets(%dma_start3A_366 : memref<128xi32, #tpu.memory_space<vmem>>) semaphore(%run_scoped3A_359 : memref<!tpu.dma_semaphore, #tpu.memory_space<semaphore_mem>>) {add = true}
        %dma_wait3A_370 = arith.constant 0 : i32
        %dma_wait3A_371 = arith.constant 0 : i32
        %dma_wait3A_372 = tpu.memref_slice %arg10[%run_scoped3A_350, %dma_wait3A_370, %dma_wait3A_371] : memref<3x128x128xf32, #tpu.memory_space<vmem>> -> memref<1x128x128xf32, #tpu.memory_space<vmem>>
        %dma_wait3A_373 = tpu.memref_squeeze %dma_wait3A_372 : memref<1x128x128xf32, #tpu.memory_space<vmem>> -> memref<128x128xf32, #tpu.memory_space<vmem>>
        %dma_wait3A_374 = arith.constant 0 : i32
        %dma_wait3A_375 = tpu.memref_slice %arg8[%run_scoped3A_351, %dma_wait3A_374] : memref<3x128xi32, #tpu.memory_space<vmem>> -> memref<1x128xi32, #tpu.memory_space<vmem>>
        %dma_wait3A_376 = tpu.memref_squeeze %dma_wait3A_375 : memref<1x128xi32, #tpu.memory_space<vmem>> -> memref<128xi32, #tpu.memory_space<vmem>>
        %dma_wait3A_377 = arith.constant 0 : i32
        %dma_wait3A_378 = arith.constant 0 : i32
        %dma_wait3A_379 = tpu.memref_slice %arg7[%dma_wait3A_377, %dma_wait3A_378] : memref<10112x128xf32, #tpu.memory_space<vmem_shared>> -> memref<10112x128xf32, #tpu.memory_space<vmem_shared>>
        tpu.wait_indirect_dma semaphore(%run_scoped3A_359 : memref<!tpu.dma_semaphore, #tpu.memory_space<semaphore_mem>>) src(%dma_wait3A_373 : memref<128x128xf32, #tpu.memory_space<vmem>>) dst(%dma_wait3A_379 : memref<10112x128xf32, #tpu.memory_space<vmem_shared>>)
        tpu.yield
      }) : () -> ()
      %add3A_352 = arith.constant 3 : i32
      %add3A_353 = arith.addi %add3A_309, %add3A_352 : i32
      %lt3A_354 = arith.constant 81 : i32
      %lt3A_355 = arith.cmpi slt, %add3A_353, %lt3A_354 : i32
      %convert_element_type3A_356 = arith.extui %lt3A_355 : i1 to i32
      %cond3A_357 = arith.constant 0 : i32
      %cond3A_358 = arith.cmpi ne, %convert_element_type3A_356, %cond3A_357 : i32
      scf.if %cond3A_358 {
        %add3A_359 = arith.constant 3 : i32
        %add3A_360 = arith.addi %add3A_309, %add3A_359 : i32
        %dma_start3A_361 = arith.constant 2 : i32
        %dma_start3A_362 = arith.constant 0 : i32
        %dma_start3A_363 = tpu.memref_slice %arg8[%dma_start3A_361, %dma_start3A_362] : memref<3x128xi32, #tpu.memory_space<vmem>> -> memref<1x128xi32, #tpu.memory_space<vmem>>
        %dma_start3A_364 = tpu.memref_squeeze %dma_start3A_363 : memref<1x128xi32, #tpu.memory_space<vmem>> -> memref<128xi32, #tpu.memory_space<vmem>>
        %dma_start3A_365 = arith.constant 0 : i32
        %dma_start3A_366 = arith.constant 0 : i32
        %dma_start3A_367 = tpu.memref_slice %arg2[%add3A, %dma_start3A_365, %dma_start3A_366] : memref<32x81x128xi32, #tpu.memory_space<hbm>> -> memref<1x81x128xi32, #tpu.memory_space<hbm>>
        %dma_start3A_368 = tpu.memref_squeeze %dma_start3A_367 : memref<1x81x128xi32, #tpu.memory_space<hbm>> -> memref<81x128xi32, #tpu.memory_space<hbm>>
        %dma_start3A_369 = arith.constant 0 : i32
        %dma_start3A_370 = tpu.memref_slice %dma_start3A_368[%add3A_360, %dma_start3A_369] : memref<81x128xi32, #tpu.memory_space<hbm>> -> memref<1x128xi32, #tpu.memory_space<hbm>>
        %dma_start3A_371 = tpu.memref_squeeze %dma_start3A_370 : memref<1x128xi32, #tpu.memory_space<hbm>> -> memref<128xi32, #tpu.memory_space<hbm>>
        %dma_start3A_372 = arith.constant 0 : i32
        %dma_start3A_373 = tpu.memref_slice %arg8[%dma_start3A_361, %dma_start3A_372] : memref<3x128xi32, #tpu.memory_space<vmem>> -> memref<1x128xi32, #tpu.memory_space<vmem>>
        %dma_start3A_374 = tpu.memref_squeeze %dma_start3A_373 : memref<1x128xi32, #tpu.memory_space<vmem>> -> memref<128xi32, #tpu.memory_space<vmem>>
        %dma_start3A_375 = arith.constant 0 : i32
        %dma_start3A_376 = arith.constant 0 : i32
        %dma_start3A_377 = tpu.memref_slice %arg2[%add3A, %dma_start3A_375, %dma_start3A_376] : memref<32x81x128xi32, #tpu.memory_space<hbm>> -> memref<1x81x128xi32, #tpu.memory_space<hbm>>
        %dma_start3A_378 = tpu.memref_squeeze %dma_start3A_377 : memref<1x81x128xi32, #tpu.memory_space<hbm>> -> memref<81x128xi32, #tpu.memory_space<hbm>>
        %dma_start3A_379 = arith.constant 0 : i32
        %dma_start3A_380 = tpu.memref_slice %dma_start3A_378[%add3A_360, %dma_start3A_379] : memref<81x128xi32, #tpu.memory_space<hbm>> -> memref<1x128xi32, #tpu.memory_space<hbm>>
        %dma_start3A_381 = tpu.memref_squeeze %dma_start3A_380 : memref<1x128xi32, #tpu.memory_space<hbm>> -> memref<128xi32, #tpu.memory_space<hbm>>
        tpu.enqueue_dma source(%dma_start3A_381 : memref<128xi32, #tpu.memory_space<hbm>>) target(%dma_start3A_374 : memref<128xi32, #tpu.memory_space<vmem>>) target_semaphore(%arg19 : memref<!tpu.dma_semaphore, #tpu.memory_space<semaphore_mem>>)
        %add3A_382 = arith.constant 3 : i32
        %add3A_383 = arith.addi %add3A_309, %add3A_382 : i32
        %dma_start3A_384 = arith.constant 2 : i32
        %dma_start3A_385 = arith.constant 0 : i32
        %dma_start3A_386 = tpu.memref_slice %arg9[%dma_start3A_384, %dma_start3A_385] : memref<3x128xi32, #tpu.memory_space<vmem>> -> memref<1x128xi32, #tpu.memory_space<vmem>>
        %dma_start3A_387 = tpu.memref_squeeze %dma_start3A_386 : memref<1x128xi32, #tpu.memory_space<vmem>> -> memref<128xi32, #tpu.memory_space<vmem>>
        %dma_start3A_388 = arith.constant 0 : i32
        %dma_start3A_389 = arith.constant 0 : i32
        %dma_start3A_390 = tpu.memref_slice %arg3[%add3A, %dma_start3A_388, %dma_start3A_389] : memref<32x81x128xi32, #tpu.memory_space<hbm>> -> memref<1x81x128xi32, #tpu.memory_space<hbm>>
        %dma_start3A_391 = tpu.memref_squeeze %dma_start3A_390 : memref<1x81x128xi32, #tpu.memory_space<hbm>> -> memref<81x128xi32, #tpu.memory_space<hbm>>
        %dma_start3A_392 = arith.constant 0 : i32
        %dma_start3A_393 = tpu.memref_slice %dma_start3A_391[%add3A_383, %dma_start3A_392] : memref<81x128xi32, #tpu.memory_space<hbm>> -> memref<1x128xi32, #tpu.memory_space<hbm>>
        %dma_start3A_394 = tpu.memref_squeeze %dma_start3A_393 : memref<1x128xi32, #tpu.memory_space<hbm>> -> memref<128xi32, #tpu.memory_space<hbm>>
        %dma_start3A_395 = arith.constant 0 : i32
        %dma_start3A_396 = tpu.memref_slice %arg9[%dma_start3A_384, %dma_start3A_395] : memref<3x128xi32, #tpu.memory_space<vmem>> -> memref<1x128xi32, #tpu.memory_space<vmem>>
        %dma_start3A_397 = tpu.memref_squeeze %dma_start3A_396 : memref<1x128xi32, #tpu.memory_space<vmem>> -> memref<128xi32, #tpu.memory_space<vmem>>
        %dma_start3A_398 = arith.constant 0 : i32
        %dma_start3A_399 = arith.constant 0 : i32
        %dma_start3A_400 = tpu.memref_slice %arg3[%add3A, %dma_start3A_398, %dma_start3A_399] : memref<32x81x128xi32, #tpu.memory_space<hbm>> -> memref<1x81x128xi32, #tpu.memory_space<hbm>>
        %dma_start3A_401 = tpu.memref_squeeze %dma_start3A_400 : memref<1x81x128xi32, #tpu.memory_space<hbm>> -> memref<81x128xi32, #tpu.memory_space<hbm>>
        %dma_start3A_402 = arith.constant 0 : i32
        %dma_start3A_403 = tpu.memref_slice %dma_start3A_401[%add3A_383, %dma_start3A_402] : memref<81x128xi32, #tpu.memory_space<hbm>> -> memref<1x128xi32, #tpu.memory_space<hbm>>
        %dma_start3A_404 = tpu.memref_squeeze %dma_start3A_403 : memref<1x128xi32, #tpu.memory_space<hbm>> -> memref<128xi32, #tpu.memory_space<hbm>>
        tpu.enqueue_dma source(%dma_start3A_404 : memref<128xi32, #tpu.memory_space<hbm>>) target(%dma_start3A_397 : memref<128xi32, #tpu.memory_space<vmem>>) target_semaphore(%arg16 : memref<!tpu.dma_semaphore, #tpu.memory_space<semaphore_mem>>)
      } else {
      }
    }
    %scan3A_205 = arith.constant 27 : i32
    %barrier3A_206 = arith.constant 0 : index
    tpu.barrier barrier_id(%barrier3A_206)
    "tpu.region"() ({
      %run_scoped3A = tpu.sem_alloc : memref<!tpu.dma_semaphore, #tpu.memory_space<semaphore_mem>>
      %dma_start3A_207 = arith.constant 0 : i32
      %dma_start3A_208 = arith.constant 0 : i32
      %dma_start3A_209 = tpu.memref_slice %arg6[%arg0, %dma_start3A_207, %dma_start3A_208] : memref<2x10112x128xf32, #tpu.memory_space<hbm>> -> memref<1x10112x128xf32, #tpu.memory_space<hbm>>
      %dma_start3A_210 = tpu.memref_squeeze %dma_start3A_209 : memref<1x10112x128xf32, #tpu.memory_space<hbm>> -> memref<10112x128xf32, #tpu.memory_space<hbm>>
      %dma_start3A_211 = arith.constant 0 : i32
      %dma_start3A_212 = tpu.memref_slice %dma_start3A_210[%mul3A_2, %dma_start3A_211] : memref<10112x128xf32, #tpu.memory_space<hbm>> -> memref<632x128xf32, #tpu.memory_space<hbm>>
      %dma_start3A_213 = arith.constant 0 : i32
      %dma_start3A_214 = tpu.memref_slice %arg7[%mul3A_2, %dma_start3A_213] : memref<10112x128xf32, #tpu.memory_space<vmem_shared>> -> memref<632x128xf32, #tpu.memory_space<vmem_shared>>
      tpu.enqueue_dma source(%dma_start3A_214 : memref<632x128xf32, #tpu.memory_space<vmem_shared>>) target(%dma_start3A_212 : memref<632x128xf32, #tpu.memory_space<hbm>>) target_semaphore(%run_scoped3A : memref<!tpu.dma_semaphore, #tpu.memory_space<semaphore_mem>>)
      %dma_wait3A_215 = arith.constant 0 : i32
      %dma_wait3A_216 = arith.constant 0 : i32
      %dma_wait3A_217 = tpu.memref_slice %arg6[%arg0, %dma_wait3A_215, %dma_wait3A_216] : memref<2x10112x128xf32, #tpu.memory_space<hbm>> -> memref<1x10112x128xf32, #tpu.memory_space<hbm>>
      %dma_wait3A_218 = tpu.memref_squeeze %dma_wait3A_217 : memref<1x10112x128xf32, #tpu.memory_space<hbm>> -> memref<10112x128xf32, #tpu.memory_space<hbm>>
      %dma_wait3A_219 = arith.constant 0 : i32
      %dma_wait3A_220 = tpu.memref_slice %dma_wait3A_218[%mul3A_2, %dma_wait3A_219] : memref<10112x128xf32, #tpu.memory_space<hbm>> -> memref<632x128xf32, #tpu.memory_space<hbm>>
      %dma_wait3A_221 = arith.constant 0 : i32
      %dma_wait3A_222 = tpu.memref_slice %arg7[%mul3A_2, %dma_wait3A_221] : memref<10112x128xf32, #tpu.memory_space<vmem_shared>> -> memref<632x128xf32, #tpu.memory_space<vmem_shared>>
      tpu.wait_dma2 semaphore(%run_scoped3A : memref<!tpu.dma_semaphore, #tpu.memory_space<semaphore_mem>>) src(%dma_wait3A_222 : memref<632x128xf32, #tpu.memory_space<vmem_shared>>) dst(%dma_wait3A_220 : memref<632x128xf32, #tpu.memory_space<hbm>>)
      tpu.yield
    }) : () -> ()
    return
  }
}

module attributes {stable_mosaic.version = 14 : i64} {
  func.func @_edges_body(%arg0: memref<2x2500x128xi32, #tpu.memory_space<vmem>>, %arg1: memref<2592x128xi32, #tpu.memory_space<vmem>>, %arg2: memref<2592x128xi32, #tpu.memory_space<vmem>>) attributes {dimension_semantics = [], scalar_prefetch = 0 : i64, scratch_operands = 0 : i64, tpu.core_type = #tpu.core_type<tc>} {
    %get3A = arith.constant 0 : index
    %get3A_0 = arith.constant 0 : index
    %get3A_1 = arith.constant 0 : index
    %get3A_2 = vector.load %arg0[%get3A, %get3A_0, %get3A_1] : memref<2x2500x128xi32, #tpu.memory_space<vmem>>, vector<1x2500x128xi32>
    %get3A_3 = vector.shape_cast %get3A_2 : vector<1x2500x128xi32> to vector<2500x128xi32>
    %get3A_4 = arith.constant 1 : index
    %get3A_5 = arith.constant 0 : index
    %get3A_6 = arith.constant 0 : index
    %get3A_7 = vector.load %arg0[%get3A_4, %get3A_5, %get3A_6] : memref<2x2500x128xi32, #tpu.memory_space<vmem>>, vector<1x2500x128xi32>
    %get3A_8 = vector.shape_cast %get3A_7 : vector<1x2500x128xi32> to vector<2500x128xi32>
    %swap3A = arith.constant 0 : index
    %swap3A_9 = arith.constant 0 : index
    %swap3A_10 = vector.load %arg1[%swap3A, %swap3A_9] : memref<2592x128xi32, #tpu.memory_space<vmem>>, vector<2500x128xi32>
    tpu.vector_store %arg1[%swap3A, %swap3A_9], %get3A_3 {strides = array<i32>} : memref<2592x128xi32, #tpu.memory_space<vmem>>, vector<2500x128xi32>,
    %eq3A = arith.cmpi eq, %get3A_3, %get3A_8 : vector<2500x128xi32>
    %jit3A = arith.constant 10000 : i32
    %broadcast_in_dim3A = vector.broadcast %jit3A : i32 to vector<2500x128xi32>
    %select_n3A = arith.select %eq3A, %broadcast_in_dim3A, %get3A_8 : vector<2500x128xi1>, vector<2500x128xi32>
    %swap3A_11 = arith.constant 0 : index
    %swap3A_12 = arith.constant 0 : index
    %swap3A_13 = vector.load %arg2[%swap3A_11, %swap3A_12] : memref<2592x128xi32, #tpu.memory_space<vmem>>, vector<2500x128xi32>
    tpu.vector_store %arg2[%swap3A_11, %swap3A_12], %select_n3A {strides = array<i32>} : memref<2592x128xi32, #tpu.memory_space<vmem>>, vector<2500x128xi32>,
    %iota3A = tpu.iota {dimensions = array<i32: 0>} : vector<92x128xi32>
    %iota3A_14 = tpu.iota {dimensions = array<i32: 1>} : vector<92x128xi32>
    %mul3A = arith.constant 128 : i32
    %mul3A_15 = vector.broadcast %mul3A : i32 to vector<92x128xi32>
    %mul3A_16 = arith.muli %iota3A, %mul3A_15 : vector<92x128xi32>
    %add3A = arith.addi %mul3A_16, %iota3A_14 : vector<92x128xi32>
    %rem3A = arith.constant 111 : i32
    %rem3A_17 = vector.broadcast %rem3A : i32 to vector<92x128xi32>
    %rem3A_18 = arith.remsi %add3A, %rem3A_17 : vector<92x128xi32>
    %add3A_19 = arith.constant 10001 : i32
    %add3A_20 = vector.broadcast %add3A_19 : i32 to vector<92x128xi32>
    %add3A_21 = arith.addi %add3A_20, %rem3A_18 : vector<92x128xi32>
    %swap3A_22 = arith.constant 2500 : index
    %swap3A_23 = arith.constant 0 : index
    %swap3A_24 = vector.load %arg1[%swap3A_22, %swap3A_23] : memref<2592x128xi32, #tpu.memory_space<vmem>>, vector<92x128xi32>
    tpu.vector_store %arg1[%swap3A_22, %swap3A_23], %add3A_21 {strides = array<i32>} : memref<2592x128xi32, #tpu.memory_space<vmem>>, vector<92x128xi32>,
    %swap3A_25 = arith.constant 2500 : index
    %swap3A_26 = arith.constant 0 : index
    %swap3A_27 = vector.load %arg2[%swap3A_25, %swap3A_26] : memref<2592x128xi32, #tpu.memory_space<vmem>>, vector<92x128xi32>
    tpu.vector_store %arg2[%swap3A_25, %swap3A_26], %add3A_21 {strides = array<i32>} : memref<2592x128xi32, #tpu.memory_space<vmem>>, vector<92x128xi32>,
    return
  }
}

module attributes {stable_mosaic.version = 14 : i64} {
  func.func @_m1_body(%arg0: memref<10112x128xf32, #tpu.memory_space<vmem>>, %arg1: memref<128x128xf32, #tpu.memory_space<vmem>>, %arg2: memref<1x128xf32, #tpu.memory_space<vmem>>, %arg3: memref<2x10112x16xf32, #tpu.memory_space<vmem>>, %arg4: memref<10112x128xf32, #tpu.memory_space<vmem>>) attributes {dimension_semantics = [], scalar_prefetch = 0 : i64, scratch_operands = 0 : i64, tpu.core_type = #tpu.core_type<tc>} {
    %get3A = arith.constant 0 : index
    %get3A_0 = arith.constant 0 : index
    %get3A_1 = arith.constant 0 : index
    %get3A_2 = vector.load %arg3[%get3A, %get3A_0, %get3A_1] : memref<2x10112x16xf32, #tpu.memory_space<vmem>>, vector<1x10112x16xf32>
    %get3A_3 = vector.shape_cast %get3A_2 : vector<1x10112x16xf32> to vector<10112x16xf32>
    %slice3A = vector.extract_strided_slice %get3A_3 {offsets = [0, 0], sizes = [10112, 1], strides = [1, 1]} : vector<10112x16xf32> to vector<10112x1xf32>
    %get3A_4 = arith.constant 1 : index
    %get3A_5 = arith.constant 0 : index
    %get3A_6 = arith.constant 0 : index
    %get3A_7 = vector.load %arg3[%get3A_4, %get3A_5, %get3A_6] : memref<2x10112x16xf32, #tpu.memory_space<vmem>>, vector<1x10112x16xf32>
    %get3A_8 = vector.shape_cast %get3A_7 : vector<1x10112x16xf32> to vector<10112x16xf32>
    %slice3A_9 = vector.extract_strided_slice %get3A_8 {offsets = [0, 0], sizes = [10112, 1], strides = [1, 1]} : vector<10112x16xf32> to vector<10112x1xf32>
    %add3A = arith.addf %slice3A, %slice3A_9 : vector<10112x1xf32>
    %add3A_10 = arith.constant 1.000000e+00 : f32
    %add3A_11 = vector.broadcast %add3A_10 : f32 to vector<10112x1xf32>
    %add3A_12 = arith.addf %add3A, %add3A_11 : vector<10112x1xf32>
    %rsqrt3A = math.rsqrt %add3A_12 : vector<10112x1xf32>
    %get3A_13 = arith.constant 0 : index
    %get3A_14 = arith.constant 0 : index
    %get3A_15 = vector.load %arg0[%get3A_13, %get3A_14] : memref<10112x128xf32, #tpu.memory_space<vmem>>, vector<10112x128xf32>
    %get3A_16 = arith.constant 0 : index
    %get3A_17 = arith.constant 0 : index
    %get3A_18 = vector.load %arg1[%get3A_16, %get3A_17] : memref<128x128xf32, #tpu.memory_space<vmem>>, vector<128x128xf32>
    %dot_general3A = arith.constant dense<0.000000e+00> : vector<10112x128xf32>
    %dot_general3A_19 = tpu.matmul %get3A_15, %get3A_18, %dot_general3A {dimension_numbers = #tpu.dot_dimension_numbers<[1], [0], [0], [1], [0, 0, 1, 1], [], []>, transpose_lhs_hint = false} : vector<10112x128xf32>, vector<128x128xf32>, vector<10112x128xf32> -> vector<10112x128xf32>
    %iota3A = tpu.iota {dimensions = array<i32: 0>} : vector<10112x1xi32>
    %lt3A = arith.constant 10000 : i32
    %lt3A_20 = vector.broadcast %lt3A : i32 to vector<10112x1xi32>
    %lt3A_21 = arith.cmpi slt, %iota3A, %lt3A_20 : vector<10112x1xi32>
    %get3A_22 = arith.constant 0 : index
    %get3A_23 = arith.constant 0 : index
    %get3A_24 = vector.load %arg2[%get3A_22, %get3A_23] : memref<1x128xf32, #tpu.memory_space<vmem>>, vector<1x128xf32>
    %add3A_25 = vector.broadcast %get3A_24 : vector<1x128xf32> to vector<10112x128xf32>
    %add3A_26 = arith.addf %dot_general3A_19, %add3A_25 : vector<10112x128xf32>
    %mul3A = vector.broadcast %rsqrt3A : vector<10112x1xf32> to vector<10112x128xf32>
    %mul3A_27 = arith.mulf %mul3A, %add3A_26 : vector<10112x128xf32>
    %jit3A = arith.constant 0.000000e+00 : f32
    %broadcast_in_dim3A = vector.shape_cast %lt3A_21 : vector<10112x1xi1> to vector<10112x1xi1>
    %broadcast_in_dim3A_28 = vector.broadcast %broadcast_in_dim3A : vector<10112x1xi1> to vector<10112x128xi1>
    %broadcast_in_dim3A_29 = vector.broadcast %jit3A : f32 to vector<10112x128xf32>
    %select_n3A = arith.select %broadcast_in_dim3A_28, %mul3A_27, %broadcast_in_dim3A_29 : vector<10112x128xi1>, vector<10112x128xf32>
    %swap3A = arith.constant 0 : index
    %swap3A_30 = arith.constant 0 : index
    %swap3A_31 = vector.load %arg4[%swap3A, %swap3A_30] : memref<10112x128xf32, #tpu.memory_space<vmem>>, vector<10112x128xf32>
    tpu.vector_store %arg4[%swap3A, %swap3A_30], %select_n3A {strides = array<i32>} : memref<10112x128xf32, #tpu.memory_space<vmem>>, vector<10112x128xf32>,
    return
  }
}

module attributes {stable_mosaic.version = 14 : i64} {
  func.func @_l2_body(%arg0: memref<2x10112x128xf32, #tpu.memory_space<vmem>>, %arg1: memref<10112x128xf32, #tpu.memory_space<vmem>>, %arg2: memref<2x10112x16xf32, #tpu.memory_space<vmem>>, %arg3: memref<1x128xf32, #tpu.memory_space<vmem>>, %arg4: memref<1x128xf32, #tpu.memory_space<vmem>>, %arg5: memref<128x128xf32, #tpu.memory_space<vmem>>, %arg6: memref<1x128xf32, #tpu.memory_space<vmem>>, %arg7: memref<10112x128xf32, #tpu.memory_space<vmem>>) attributes {dimension_semantics = [], scalar_prefetch = 0 : i64, scratch_operands = 0 : i64, tpu.core_type = #tpu.core_type<tc>} {
    %get3A = arith.constant 0 : index
    %get3A_0 = arith.constant 0 : index
    %get3A_1 = arith.constant 0 : index
    %get3A_2 = vector.load %arg2[%get3A, %get3A_0, %get3A_1] : memref<2x10112x16xf32, #tpu.memory_space<vmem>>, vector<1x10112x16xf32>
    %get3A_3 = vector.shape_cast %get3A_2 : vector<1x10112x16xf32> to vector<10112x16xf32>
    %slice3A = vector.extract_strided_slice %get3A_3 {offsets = [0, 0], sizes = [10112, 1], strides = [1, 1]} : vector<10112x16xf32> to vector<10112x1xf32>
    %get3A_4 = arith.constant 1 : index
    %get3A_5 = arith.constant 0 : index
    %get3A_6 = arith.constant 0 : index
    %get3A_7 = vector.load %arg2[%get3A_4, %get3A_5, %get3A_6] : memref<2x10112x16xf32, #tpu.memory_space<vmem>>, vector<1x10112x16xf32>
    %get3A_8 = vector.shape_cast %get3A_7 : vector<1x10112x16xf32> to vector<10112x16xf32>
    %slice3A_9 = vector.extract_strided_slice %get3A_8 {offsets = [0, 0], sizes = [10112, 1], strides = [1, 1]} : vector<10112x16xf32> to vector<10112x1xf32>
    %add3A = arith.addf %slice3A, %slice3A_9 : vector<10112x1xf32>
    %add3A_10 = arith.constant 1.000000e+00 : f32
    %add3A_11 = vector.broadcast %add3A_10 : f32 to vector<10112x1xf32>
    %add3A_12 = arith.addf %add3A, %add3A_11 : vector<10112x1xf32>
    %rsqrt3A = math.rsqrt %add3A_12 : vector<10112x1xf32>
    %get3A_13 = arith.constant 0 : index
    %get3A_14 = arith.constant 0 : index
    %get3A_15 = arith.constant 0 : index
    %get3A_16 = vector.load %arg0[%get3A_13, %get3A_14, %get3A_15] : memref<2x10112x128xf32, #tpu.memory_space<vmem>>, vector<1x10112x128xf32>
    %get3A_17 = vector.shape_cast %get3A_16 : vector<1x10112x128xf32> to vector<10112x128xf32>
    %get3A_18 = arith.constant 1 : index
    %get3A_19 = arith.constant 0 : index
    %get3A_20 = arith.constant 0 : index
    %get3A_21 = vector.load %arg0[%get3A_18, %get3A_19, %get3A_20] : memref<2x10112x128xf32, #tpu.memory_space<vmem>>, vector<1x10112x128xf32>
    %get3A_22 = vector.shape_cast %get3A_21 : vector<1x10112x128xf32> to vector<10112x128xf32>
    %add3A_23 = arith.addf %get3A_17, %get3A_22 : vector<10112x128xf32>
    %get3A_24 = arith.constant 0 : index
    %get3A_25 = arith.constant 0 : index
    %get3A_26 = vector.load %arg1[%get3A_24, %get3A_25] : memref<10112x128xf32, #tpu.memory_space<vmem>>, vector<10112x128xf32>
    %add3A_27 = arith.addf %add3A_23, %get3A_26 : vector<10112x128xf32>
    %mul3A = vector.broadcast %rsqrt3A : vector<10112x1xf32> to vector<10112x128xf32>
    %mul3A_28 = arith.mulf %mul3A, %add3A_27 : vector<10112x128xf32>
    %iota3A = tpu.iota {dimensions = array<i32: 0>} : vector<10112x1xi32>
    %lt3A = arith.constant 10000 : i32
    %lt3A_29 = vector.broadcast %lt3A : i32 to vector<10112x1xi32>
    %lt3A_30 = arith.cmpi slt, %iota3A, %lt3A_29 : vector<10112x1xi32>
    %convert_element_type3A = arith.extui %lt3A_30 : vector<10112x1xi1> to vector<10112x1xi32>
    %convert_element_type3A_31 = arith.sitofp %convert_element_type3A : vector<10112x1xi32> to vector<10112x1xf32>
    %reduce_sum3A = arith.constant dense<0.000000e+00> : vector<128xf32>
    %reduce_sum3A_32 = vector.multi_reduction <add>, %mul3A_28, %reduce_sum3A [0] : vector<10112x128xf32> to vector<128xf32>
    %broadcast_in_dim3A = vector.shape_cast %reduce_sum3A_32 : vector<128xf32> to vector<1x128xf32>
    %div3A = arith.constant 1.000000e+04 : f32
    %div3A_33 = vector.broadcast %div3A : f32 to vector<1x128xf32>
    %div3A_34 = arith.divf %broadcast_in_dim3A, %div3A_33 : vector<1x128xf32>
    %sub3A = vector.broadcast %div3A_34 : vector<1x128xf32> to vector<10112x128xf32>
    %sub3A_35 = arith.subf %mul3A_28, %sub3A : vector<10112x128xf32>
    %mul3A_36 = vector.broadcast %convert_element_type3A_31 : vector<10112x1xf32> to vector<10112x128xf32>
    %mul3A_37 = arith.mulf %sub3A_35, %mul3A_36 : vector<10112x128xf32>
    %mul3A_38 = arith.mulf %mul3A_37, %mul3A_37 : vector<10112x128xf32>
    %reduce_sum3A_39 = arith.constant dense<0.000000e+00> : vector<128xf32>
    %reduce_sum3A_40 = vector.multi_reduction <add>, %mul3A_38, %reduce_sum3A_39 [0] : vector<10112x128xf32> to vector<128xf32>
    %broadcast_in_dim3A_41 = vector.shape_cast %reduce_sum3A_40 : vector<128xf32> to vector<1x128xf32>
    %div3A_42 = arith.constant 1.000000e+04 : f32
    %div3A_43 = vector.broadcast %div3A_42 : f32 to vector<1x128xf32>
    %div3A_44 = arith.divf %broadcast_in_dim3A_41, %div3A_43 : vector<1x128xf32>
    %get3A_45 = arith.constant 0 : index
    %get3A_46 = arith.constant 0 : index
    %get3A_47 = vector.load %arg3[%get3A_45, %get3A_46] : memref<1x128xf32, #tpu.memory_space<vmem>>, vector<1x128xf32>
    %sub3A_48 = vector.broadcast %div3A_34 : vector<1x128xf32> to vector<10112x128xf32>
    %sub3A_49 = arith.subf %mul3A_28, %sub3A_48 : vector<10112x128xf32>
    %mul3A_50 = vector.broadcast %get3A_47 : vector<1x128xf32> to vector<10112x128xf32>
    %mul3A_51 = arith.mulf %mul3A_50, %sub3A_49 : vector<10112x128xf32>
    %add3A_52 = arith.constant 9.99999974E-6 : f32
    %add3A_53 = vector.broadcast %add3A_52 : f32 to vector<1x128xf32>
    %add3A_54 = arith.addf %div3A_44, %add3A_53 : vector<1x128xf32>
    %rsqrt3A_55 = math.rsqrt %add3A_54 : vector<1x128xf32>
    %mul3A_56 = vector.broadcast %rsqrt3A_55 : vector<1x128xf32> to vector<10112x128xf32>
    %mul3A_57 = arith.mulf %mul3A_51, %mul3A_56 : vector<10112x128xf32>
    %get3A_58 = arith.constant 0 : index
    %get3A_59 = arith.constant 0 : index
    %get3A_60 = vector.load %arg4[%get3A_58, %get3A_59] : memref<1x128xf32, #tpu.memory_space<vmem>>, vector<1x128xf32>
    %add3A_61 = vector.broadcast %get3A_60 : vector<1x128xf32> to vector<10112x128xf32>
    %add3A_62 = arith.addf %mul3A_57, %add3A_61 : vector<10112x128xf32>
    %max3A = arith.constant 0.000000e+00 : f32
    %max3A_63 = vector.broadcast %max3A : f32 to vector<10112x128xf32>
    %max3A_64 = arith.maximumf %add3A_62, %max3A_63 : vector<10112x128xf32>
    %get3A_65 = arith.constant 0 : index
    %get3A_66 = arith.constant 0 : index
    %get3A_67 = vector.load %arg5[%get3A_65, %get3A_66] : memref<128x128xf32, #tpu.memory_space<vmem>>, vector<128x128xf32>
    %dot_general3A = arith.constant dense<0.000000e+00> : vector<10112x128xf32>
    %dot_general3A_68 = tpu.matmul %max3A_64, %get3A_67, %dot_general3A {dimension_numbers = #tpu.dot_dimension_numbers<[1], [0], [0], [1], [0, 0, 1, 1], [], []>, transpose_lhs_hint = false} : vector<10112x128xf32>, vector<128x128xf32>, vector<10112x128xf32> -> vector<10112x128xf32>
    %get3A_69 = arith.constant 0 : index
    %get3A_70 = arith.constant 0 : index
    %get3A_71 = vector.load %arg6[%get3A_69, %get3A_70] : memref<1x128xf32, #tpu.memory_space<vmem>>, vector<1x128xf32>
    %add3A_72 = vector.broadcast %get3A_71 : vector<1x128xf32> to vector<10112x128xf32>
    %add3A_73 = arith.addf %dot_general3A_68, %add3A_72 : vector<10112x128xf32>
    %lt3A_74 = arith.constant 10000 : i32
    %lt3A_75 = vector.broadcast %lt3A_74 : i32 to vector<10112x1xi32>
    %lt3A_76 = arith.cmpi slt, %iota3A, %lt3A_75 : vector<10112x1xi32>
    %mul3A_77 = vector.broadcast %rsqrt3A : vector<10112x1xf32> to vector<10112x128xf32>
    %mul3A_78 = arith.mulf %mul3A_77, %add3A_73 : vector<10112x128xf32>
    %jit3A = arith.constant 0.000000e+00 : f32
    %broadcast_in_dim3A_79 = vector.shape_cast %lt3A_76 : vector<10112x1xi1> to vector<10112x1xi1>
    %broadcast_in_dim3A_80 = vector.broadcast %broadcast_in_dim3A_79 : vector<10112x1xi1> to vector<10112x128xi1>
    %broadcast_in_dim3A_81 = vector.broadcast %jit3A : f32 to vector<10112x128xf32>
    %select_n3A = arith.select %broadcast_in_dim3A_80, %mul3A_78, %broadcast_in_dim3A_81 : vector<10112x128xi1>, vector<10112x128xf32>
    %swap3A = arith.constant 0 : index
    %swap3A_82 = arith.constant 0 : index
    %swap3A_83 = vector.load %arg7[%swap3A, %swap3A_82] : memref<10112x128xf32, #tpu.memory_space<vmem>>, vector<10112x128xf32>
    tpu.vector_store %arg7[%swap3A, %swap3A_82], %select_n3A {strides = array<i32>} : memref<10112x128xf32, #tpu.memory_space<vmem>>, vector<10112x128xf32>,
    return
  }
}

module attributes {stable_mosaic.version = 14 : i64} {
  func.func @_out_body(%arg0: memref<2x10112x128xf32, #tpu.memory_space<vmem>>, %arg1: memref<10112x128xf32, #tpu.memory_space<vmem>>, %arg2: memref<2x10112x16xf32, #tpu.memory_space<vmem>>, %arg3: memref<10000x128xf32, #tpu.memory_space<vmem>>) attributes {dimension_semantics = [], scalar_prefetch = 0 : i64, scratch_operands = 0 : i64, tpu.core_type = #tpu.core_type<tc>} {
    %get3A = arith.constant 0 : index
    %get3A_0 = arith.constant 0 : index
    %get3A_1 = arith.constant 0 : index
    %get3A_2 = vector.load %arg2[%get3A, %get3A_0, %get3A_1] : memref<2x10112x16xf32, #tpu.memory_space<vmem>>, vector<1x10112x16xf32>
    %get3A_3 = vector.shape_cast %get3A_2 : vector<1x10112x16xf32> to vector<10112x16xf32>
    %slice3A = vector.extract_strided_slice %get3A_3 {offsets = [0, 0], sizes = [10112, 1], strides = [1, 1]} : vector<10112x16xf32> to vector<10112x1xf32>
    %get3A_4 = arith.constant 1 : index
    %get3A_5 = arith.constant 0 : index
    %get3A_6 = arith.constant 0 : index
    %get3A_7 = vector.load %arg2[%get3A_4, %get3A_5, %get3A_6] : memref<2x10112x16xf32, #tpu.memory_space<vmem>>, vector<1x10112x16xf32>
    %get3A_8 = vector.shape_cast %get3A_7 : vector<1x10112x16xf32> to vector<10112x16xf32>
    %slice3A_9 = vector.extract_strided_slice %get3A_8 {offsets = [0, 0], sizes = [10112, 1], strides = [1, 1]} : vector<10112x16xf32> to vector<10112x1xf32>
    %add3A = arith.addf %slice3A, %slice3A_9 : vector<10112x1xf32>
    %add3A_10 = arith.constant 1.000000e+00 : f32
    %add3A_11 = vector.broadcast %add3A_10 : f32 to vector<10112x1xf32>
    %add3A_12 = arith.addf %add3A, %add3A_11 : vector<10112x1xf32>
    %rsqrt3A = math.rsqrt %add3A_12 : vector<10112x1xf32>
    %get3A_13 = arith.constant 0 : index
    %get3A_14 = arith.constant 0 : index
    %get3A_15 = arith.constant 0 : index
    %get3A_16 = vector.load %arg0[%get3A_13, %get3A_14, %get3A_15] : memref<2x10112x128xf32, #tpu.memory_space<vmem>>, vector<1x10112x128xf32>
    %get3A_17 = vector.shape_cast %get3A_16 : vector<1x10112x128xf32> to vector<10112x128xf32>
    %get3A_18 = arith.constant 1 : index
    %get3A_19 = arith.constant 0 : index
    %get3A_20 = arith.constant 0 : index
    %get3A_21 = vector.load %arg0[%get3A_18, %get3A_19, %get3A_20] : memref<2x10112x128xf32, #tpu.memory_space<vmem>>, vector<1x10112x128xf32>
    %get3A_22 = vector.shape_cast %get3A_21 : vector<1x10112x128xf32> to vector<10112x128xf32>
    %add3A_23 = arith.addf %get3A_17, %get3A_22 : vector<10112x128xf32>
    %get3A_24 = arith.constant 0 : index
    %get3A_25 = arith.constant 0 : index
    %get3A_26 = vector.load %arg1[%get3A_24, %get3A_25] : memref<10112x128xf32, #tpu.memory_space<vmem>>, vector<10112x128xf32>
    %add3A_27 = arith.addf %add3A_23, %get3A_26 : vector<10112x128xf32>
    %mul3A = vector.broadcast %rsqrt3A : vector<10112x1xf32> to vector<10112x128xf32>
    %mul3A_28 = arith.mulf %mul3A, %add3A_27 : vector<10112x128xf32>
    %slice3A_29 = vector.extract_strided_slice %mul3A_28 {offsets = [0, 0], sizes = [10000, 128], strides = [1, 1]} : vector<10112x128xf32> to vector<10000x128xf32>
    %swap3A = arith.constant 0 : index
    %swap3A_30 = arith.constant 0 : index
    %swap3A_31 = vector.load %arg3[%swap3A, %swap3A_30] : memref<10000x128xf32, #tpu.memory_space<vmem>>, vector<10000x128xf32>
    tpu.vector_store %arg3[%swap3A, %swap3A_30], %slice3A_29 {strides = array<i32>} : memref<10000x128xf32, #tpu.memory_space<vmem>>, vector<10000x128xf32>,
    return
  }
}

</mosaic_0001>

<sc_bundles>
// kernel: kernel.12.cloned.1.call-start
scs
__scs_entry_jumppad:
0x0: {  	(pc) =	sbr.rel $0x88, $3  }
0x1: {  	(tag) =	ssettag $0x0;
	lr =	simm.s32 $0x1  }
0x2: {  	[smem:$0x3F99] =	sst lr;
	_ =	strace $0xD0000000  }
0x3: {  	_ = 	snop  }
0x4: {  	_ = 	snop  }
0x5: {  	_ = 	snop  }
0x6: {  	_ = 	snop  }
0x7: {  	_ = 	snop  }
__scs_overlays_trampoline_lowered:
0x8: {  	[smem:$0x3FA8] =	sst s0  }
0x9: {  	[smem:$0x3FA9] =	sst s1  }
0xa: {  	[smem:$0x3FAA] =	sst s2  }
0xb: {  	[smem:$0x3FAB] =	sst s3  }
0xc: {  	[smem:$0x3FAC] =	sst s4  }
0xd: {  	[smem:$0x3FAD] =	sst s5  }
0xe: {  	[smem:$0x3FAE] =	sst s6  }
0xf: {  	[smem:$0x3FAF] =	sst s7  }
0x10: {  	[smem:$0x3FB0] =	sst s8  }
0x11: {  	[smem:$0x3FB1] =	sst s9;
	s0 =	simm.s32 @!p0 $0x0  }
0x12: {  	s1 =	sld [smem:$0x3F97];
	s0 =	simm.s32 @p0 $0x1  }
0x13: {  	[smem:$0x3FB2] =	sst s0;
	s0 =	simm.s32 @!p1 $0x0  }
0x14: {  	s2 =	sld [smem:$0x3F96];
	s0 =	simm.s32 @p1 $0x1  }
0x15: {  	[smem:$0x3FB3] =	sst s0;
	s0 =	simm.s32 @!p2 $0x0  }
0x16: {  	s3 =	sld [smem:$0x3FDB];
	s0 =	simm.s32 @p2 $0x1  }
0x17: {  	s4 =	simm.s32 $0x1BF5;
	[smem:$0x3FB5] =	sst s0  }
0x18: {  	s0 =	sld [smem:$0x3F98];
	_ =	swait.ge [sflag:s4], $0x0  }
0x19: {  	s7 =	sld [smem:$0x3F99]  }
0x1a: {  	s8 =	sadd.s32 $0xFFFFE003, lr  }
0x1b: {  	s9 =	sadd.s32 $0xFFFFFEF7, lr;
	s5 =	simm.s32 $0xFFFFFFFF;
	p2 =	slt.u32 s8, $0xFFFFF086  }
0x1c: {  	p1 =	slt.u32 s9, $0xF7A;
	s5 =	simm.s32 @!p2 $0x0  }
0x1d: {  	s5 =	simm.s32 @p1 $0x1;
	p0 =	seq.s32 s7, s2  }
0x1e: {  	s7 =	smul.u32 @!p0 $0xF7A, s2;
	p2 =	seq.s32 @!p0 s5, $0x0  }
0x1f: {  	s9 =	smul.u32 $0xF7A, s1;
	s8 =	simm.s32 @!p0 $0x1BF5;
	p2 =	por !p2, p0  }
0x20: {  	[sflag:s8] =	ssyncset.s32 @!p0 $0xFFFFF086;
	s6 =	sadd.s32 @!p0 s3, s7;
	s7 =	simm.s32 @!p0 $0x108  }
0x21: {  	s3 =	sadd.s32 s3, s9;
	s6 =	sadd.s32 @!p0 $0x88, s6;
	s7 =	simm.s32 @p2 $0x1082  }
0x22: {  	[simem:s7], [sflag:s8] =	dma.local @!p0 [hbm:s6], $0xF7A  }
0x23: {  	s9 =	sor.u32 $0xD0000000, s2;
	s6 =	simm.s32 $0x108;
	_ =	swait.ge @!p0 [sflag:s8], $0x0  }
0x24: {  	s3 =	sadd.s32 $0x88, s3;
	s6 =	simm.s32 @!p1 $0x1082;
	[sflag:s4] =	ssyncset.s32 $0xFFFFF086  }
0x25: {  	[simem:s6], [sflag:s4] =	dma.local [hbm:s3], $0xF7A  }
0x26: {  	[smem:$0x3F99] =	sst s1;
	(tag) =	ssettag s2;
	_ =	strace s9  }
0x27: {  	s1 =	sld [smem:$0x3FA9]  }
0x28: {  	s2 =	sld [smem:$0x3FAA]  }
0x29: {  	s4 =	sld [smem:$0x3FAC]  }
0x2a: {  	p0 =	seq.s32 s5, $0x0;
	s5 =	sld [smem:$0x3FAD]  }
0x2b: {  	s6 =	sld [smem:$0x3FAE]  }
0x2c: {  	s7 =	sld [smem:$0x3FAF]  }
0x2d: {  	s3 =	simm.s32 $0x108;
	s8 =	sld [smem:$0x3FB0]  }
0x2e: {  	s3 =	simm.s32 @!p0 $0x1082;
	s9 =	sld [smem:$0x3FB1]  }
0x2f: {  	lr =	sadd.s32 s0, s3;
	s0 =	sld [smem:$0x3FA8]  }
0x30: {  	s3 =	sld [smem:$0x3FAB]  }
0x31: {  	[smem:$0x3FB4] =	sst s10  }
0x32: {  	s10 =	sld [smem:$0x3FB2];
	_ =	sdelay $0x3  }
0x33: {  	p0 =	seq.s32 s10, $0x1;
	s10 =	sld [smem:$0x3FB4];
	_ =	sdelay $0x3  }
0x34: {  	[smem:$0x3FB4] =	sst s10  }
0x35: {  	s10 =	sld [smem:$0x3FB3];
	_ =	sdelay $0x3  }
0x36: {  	p1 =	seq.s32 s10, $0x1;
	s10 =	sld [smem:$0x3FB4];
	_ =	sdelay $0x3  }
0x37: {  	[smem:$0x3FB4] =	sst s10  }
0x38: {  	s10 =	sld [smem:$0x3FB5]  }
0x39: {  	_ = 	snop;
	(pc) =	sbr.ind lr, $3  }
0x3a: {  	_ = 	snop  }
0x3b: {  	_ = 	snop  }
0x3c: {  	p2 =	seq.s32 s10, $0x1;
	s10 =	sld [smem:$0x3FB4]  }
0x3d: {  	_ =	shalt  }
0x3e: {  	_ =	shalt  }
0x3f: {  	_ =	shalt  }
0x40: {  	_ =	shalt  }
0x41: {  	_ =	shalt  }
0x42: {  	_ =	shalt  }
0x43: {  	_ =	shalt  }
0x44: {  	_ =	shalt  }
0x45: {  	_ =	shalt  }
0x46: {  	_ =	shalt  }
0x47: {  	_ =	shalt  }
0x48: {  	_ =	shalt  }
0x49: {  	_ =	shalt  }
0x4a: {  	_ =	shalt  }
0x4b: {  	_ =	shalt  }
0x4c: {  	_ =	shalt  }
0x4d: {  	_ =	shalt  }
0x4e: {  	_ =	shalt  }
0x4f: {  	_ =	shalt  }
0x50: {  	_ =	shalt  }
0x51: {  	_ =	shalt  }
0x52: {  	_ =	shalt  }
0x53: {  	_ =	shalt  }
0x54: {  	_ =	shalt  }
0x55: {  	_ =	shalt  }
0x56: {  	_ =	shalt  }
0x57: {  	_ =	shalt  }
0x58: {  	_ =	shalt  }
0x59: {  	_ =	shalt  }
0x5a: {  	_ =	shalt  }
0x5b: {  	_ =	shalt  }
0x5c: {  	_ =	shalt  }
0x5d: {  	_ =	shalt  }
0x5e: {  	_ =	shalt  }
0x5f: {  	_ =	shalt  }
0x60: {  	_ =	shalt  }
0x61: {  	_ =	shalt  }
0x62: {  	_ =	shalt  }
0x63: {  	_ =	shalt  }
0x64: {  	_ =	shalt  }
0x65: {  	_ =	shalt  }
0x66: {  	_ =	shalt  }
0x67: {  	_ =	shalt  }
0x68: {  	_ =	shalt  }
0x69: {  	_ =	shalt  }
0x6a: {  	_ =	shalt  }
0x6b: {  	_ =	shalt  }
0x6c: {  	_ =	shalt  }
0x6d: {  	_ =	shalt  }
0x6e: {  	_ =	shalt  }
0x6f: {  	_ =	shalt  }
0x70: {  	_ =	shalt  }
0x71: {  	_ =	shalt  }
0x72: {  	_ =	shalt  }
0x73: {  	_ =	shalt  }
0x74: {  	_ =	shalt  }
0x75: {  	_ =	shalt  }
0x76: {  	_ =	shalt  }
0x77: {  	_ =	shalt  }
0x78: {  	_ =	shalt  }
0x79: {  	_ =	shalt  }
0x7a: {  	_ =	shalt  }
0x7b: {  	_ =	shalt  }
0x7c: {  	_ =	shalt  }
0x7d: {  	_ =	shalt  }
0x7e: {  	_ =	shalt  }
0x7f: {  	_ =	shalt  }
0x80: {  	_ =	shalt  }
0x81: {  	_ =	shalt  }
0x82: {  	_ =	shalt  }
0x83: {  	_ =	shalt  }
0x84: {  	_ =	shalt  }
0x85: {  	_ =	shalt  }
0x86: {  	_ =	shalt  }
0x87: {  	_ =	shalt  }
.Lfunc_end0:
.L_simem_size_0:
called_computation.1_lowered:
.L_overlay_start_0:
0x88: {  	s2 =	sld [smem:$0x3FD9]  }
0x89: {  	s3 =	sld [smem:$0x3FFE];
	_ =	sdelay $0x1  }
0x8a: {  	s1 =	srdreg.scid  }
0x8b: {  	s0 =	sand.u32 $0x1, s1  }
0x8c: {  	s17 =	sshll.u32 s0, $0xA;
	s2 =	sadd.s32 s3, s2  }
0x8d: {  	s2 =	sadd.s32 s2, s17  }
0x8e: {  	[smem:$0x3FC0] =	sst s2  }
0x8f: {  	_ = 	snop  }
0x90: {  	s2 =	sld [smem:$0x3FD0];
	(tm) =	ssettm $0x1  }
0x91: {  	s18 =	sld [smem:$0x3FFB];
	_ =	sdelay $0x3  }
0x92: {  	_ =	strace s18  }
0x93: {  	s3 =	sld [smem:$0x3FFC];
	_ =	sdelay $0x3  }
0x94: {  	_ =	strace s3  }
0x95: {  	s3 =	sld [smem:$0x3FFD];
	_ =	sdelay $0x3  }
0x96: {  	_ =	strace s3  }
0x97: {  	_ =	strace $0x8FFFFFFF  }
0x98: {  	s19 =	sld [smem:$0x3FDB];
	_ =	sdelay $0x1  }
0x99: {  	s4 =	simm.s32 $_scs_section_size  }
0x9a: {  	s5 =	simm.s32 $_size__tile_overlayer_lowered;
	s6 =	simm.s32 $_tile_overlayer_lowered  }
0x9b: {  	s22 =	simm.s32 $0x1BFF;
	s21 =	sshll.u32 s6, $0x1;
	s3 =	sadd.s32 s4, s19  }
0x9c: {  	s7 =	simm.s32 $0x0;
	s20 =	sshll.u32 s5, $0x1;
	s5 =	sadd.s32 s21, s3  }
0x9d: {  	[timem:s7], [sflag:s22] =	dma.local [hbm:s5], s20  }
0x9e: {  	_ =	swait.ge [sflag:s22], s20  }
0x9f: {  	s4 =	ssub.s32 $0x0, s20;
	[sflag:s22] =	ssyncset.done $0x0  }
0xa0: {  	[sflag:s22] =	ssyncadd.s32 s4;
	_ =	sdelay $0x1  }
0xa1: {  	s23 =	simm.s32 $0x1B8B  }
0xa2: {  	_ =	swait.ge [sflag:s23], $0x1  }
0xa3: {  	[sflag:s23] =	ssyncset.done $0x0  }
0xa4: {  	s25 =	simm.s32 $0x1B8E;
	s24 =	sld [smem:$0x3FFE];
	[sflag:s23] =	ssyncadd.s32 $0xFFFFFFFF  }
0xa5: {  	s26 =	simm.s32 $execute0_lowered;
	[smem:$0x3FD2] =	sst s25  }
0xa6: {  	s5 =	sshll.u32 s26, $0x1;
	_ =	strace $0x80000049;
	[dreg:$0x1] =	wrdreg $0xFFFFFFFF  }
0xa7: {  	s28 =	simm.s32 $_size_execute0_lowered;
	s3 =	sadd.s32 s3, s5;
	[dreg:$0x0] =	wrdreg $0x0  }
0xa8: {  	s5 =	sshll.u32 s28, $0x1;
	[dreg:$0x2] =	wrdreg s3  }
0xa9: {  	[dreg:$0x3] =	wrdreg s5  }
0xaa: {  	[dreg:$0x4] =	wrdreg $0xC0  }
0xab: {  	_ =	task [dreg:s7], $0x5FFFF  }
0xac: {  	[dreg:$0x1] =	wrdreg $0xFFFFFFFF  }
0xad: {  	[dreg:$0x0] =	wrdreg $0x60  }
0xae: {  	[dreg:$0x2] =	wrdreg s2  }
0xaf: {  	[dreg:$0x3] =	wrdreg s24  }
0xb0: {  	[dreg:$0x4] =	wrdreg $0x0  }
0xb1: {  	[dreg:$0x5] =	wrdreg $0x9  }
0xb2: {  	_ =	task.clear_ibuf [dreg:s7], $0x6FFFF;
	_ =	strace $0x90000049  }
0xb3: {  	s29 =	simm.s32 $0x9;
	_ =	strace $0x8000004B  }
0xb4: {  	_ =	swait.ge [sflag:s29], $0x1  }
0xb5: {  	[sflag:s29] =	ssyncadd.s32 $0xFFFFFFFF  }
0xb6: {  	_ =	strace $0x9000004B  }
0xb7: {  	_ =	sfence  }
0xb8: {  	s30 =	sld [smem:$0x0];
	_ =	sdelay $0x2  }
0xb9: {  	s31 =	sshll.u32 s1, $0xD;
	s1 =	sshrl.u32 s1, $0x2  }
0xba: {  	s3 =	sand.u32 $0x4000, s31;
	s1 =	sadd.s32 s1, s30  }
0xbb: {  	s0 =	sor.u32 s3, s0;
	s1 =	sshll.u32 s1, $0x11  }
0xbc: {  	s0 =	sor.u32 s1, s0  }
0xbd: {  	s0 =	sadd.s32 $0x8F2B, s0  }
0xbe: {  	[sflag:s0] =	ssyncadd.remote.s32 $0x1  }
0xbf: {  	_ =	sfence.sel $0xFFFF  }
0xc0: {  	[dreg:$0x0] =	wrdreg $0xFFFFFFFF;
	(pc) =	sbr.abs _section_cstart, $3  }
0xc1: {  	[dreg:$0x1] =	wrdreg $0xFFFFFFFF  }
0xc2: {  	_ =	task.clear_ibuf [dreg:s7], $0x2FFFF;
	_ =	strace $0x9FFFFFFF  }
0xc3: {  	(tm) =	ssettm $0x7FFFFFFF  }
tec
execute0_lowered:
.L_overlay_start_1:
0x0: {  	(tag) =	ssettag $0x1  }
0x1: {  	s0 =	rddreg [dreg:$0x0]  }
0x2: {  	s1 =	srdreg.scid;
	s5 =	rddreg [dreg:$0x1]  }
0x3: {  	s13 =	stileid.u32;
	s2 =	rddreg [dreg:$0x2]  }
0x4: {  	s15 =	simm.s32 $0x13C80;
	s19 =	simm.s32 $0x13D00;
	s28 =	simm.s32 $0x18000  }
0x5: {  	s29 =	simm.s32 $0x1;
	s30 =	simm.s32 $0x6;
	s31 =	simm.s32 $0x1C000  }
0x6: {  	s1 =	sand.u32 $0x1, s1;
	s3 =	sshll.u32 s13, $0x1;
	s9 =	smul.u32 $0x2780, s13  }
0x7: {  	s10 =	smul.u32 $0x4F000, s13;
	s23 =	sshll.u32 s13, $0x6;
	s4 =	sor.u32 s1, s3  }
0x8: {  	s3 =	simm.s32 $0x0;
	s6 =	smul.u32 $0x27800, s1;
	s1 =	ssub.s32 $0x2, s1  }
0x9: {  	s7 =	smul.u32 $0x580, s4;
	[smem:$0x7FF] =	sst s3;
	s4 =	sadd.s32 $0x76600, s5  }
0xa: {  	s11 =	sadd.s32 s9, s5;
	s12 =	sshrl.u32 s1, $0x1;
	s21 =	sshrl.u32 s10, $0x2  }
0xb: {  	_ =	strace $0x8000004A;
	s1 =	ssub.s32 s1, s12;
	s10 =	sadd.s32 s21, s2  }
0xc: {  	s22 =	sadd.s32 $0x9DE00, s11;
	s11 =	simm.s32 $0xA;
	s12 =	simm.s32 $0x13C00  }
0xd: {  	s21 =	simm.s32 $0x13F00;
	s8 =	sadd.s32 s7, s5;
	s5 =	sadd.s32 s6, s5  }
0xe: {  	[dreg:$0x4] =	wrdreg s22;
	s6 =	sor.u32 $0x1C0A, s23;
	s7 =	sadd.s32 s0, s7  }
0xf: {  	s1 =	smax.u32 s1, $0x1;
	s10 =	sshrl.u32 s10, $0x3;
	s22 =	simm.s32 $0x4  }
0x10: {  	s23 =	simm.s32 $0x80;
	s0 =	simm.s32 $0x8;
	s8 =	sadd.s32 $0x1C600, s8  }
.Ltmp0:
0x11: {  	s24 =	sadd.s32 $0xC5600, s5;
	[dreg:$0x5] =	wrdreg s1;
	(pc) =	sbr.rel .LBB2_1-.Ltmp0, $4  }
0x12: {  	s25 =	sadd.s32 $0x10, s7;
	s18 =	sadd.s32 $0x20, s7;
	s1 =	simm.s32 $0x7  }
0x13: {  	s5 =	simm.s32 $0x9;
	[dreg:$0x6] =	wrdreg s25;
	s26 =	sadd.s32 $0x10, s8  }
0x14: {  	s20 =	sadd.s32 $0x20, s8;
	s24 =	sadd.s32 s9, s24;
	s25 =	simm.s32 $0x14000  }
0x15: {  	s9 =	simm.s32 $0x0;
	[dreg:$0x7] =	wrdreg s26;
	s26 =	simm.s32 $0x5  }
.LBB2_4:
0x16: {  	[bflag:$0x0] =	sbarrier.arrive $0xFFFF  }
0x17: {  	[hbm:s24], [sflag:s6] =	dma.local [spmem:s10], $0x2780  }
0x18: {  	_ =	swait.ge [sflag:s11], $0x2780  }
0x19: {  	s9 =	sadd.s32 $0x1, s9;
	s13 =	rddreg [dreg:$0x5]  }
0x1a: {  	p0 =	sne.s32 s9, s13  }
.Ltmp1:
0x1b: {  	_ = 	snop;
	(pc) =	sbr.rel @!p0 .LBB2_5-.Ltmp1, $3  }
0x1c: {  	_ =	sdelay $0x1  }
0x1d: {  	[sflag:s11] =	ssyncset.done $0x0  }
0x1e: {  	[sflag:s11] =	ssyncadd.s32 $0xFFFFD880  }
.LBB2_1:
0x1f: {  	s13 =	rddreg [dreg:$0x4]  }
0x20: {  	[spmem:s10], [sflag:s6] =	dma.local [hbm:s13], $0x2780  }
0x21: {  	_ =	swait.ge [sflag:s11], $0x2780  }
0x22: {  	[sflag:s11] =	ssyncset.done $0x0  }
0x23: {  	[sflag:s11] =	ssyncadd.s32 $0xFFFFD880  }
0x24: {  	[tilespmem:s12], [sflag:$0x7] =	stream.linear.gather [hbm4b:s7+s3], $0x80, $0x38;
	v63 =	vld [tilespmem:$0x0]  }
0x25: {  	s13 =	simm.s32 $0x13E00  }
0x26: {  	[tilespmem:s13], [sflag:$0x4] =	stream.linear.gather [hbm4b:s8+s3], $0x80, $0x38;
	v63 =	vld [tilespmem:$0x0]  }
0x27: {  	s14 =	rddreg [dreg:$0x6]  }
0x28: {  	[tilespmem:s15], [sflag:$0x8] =	stream.linear.gather [hbm4b:s14+s3], $0x80, $0x38;
	v63 =	vld [tilespmem:$0x0]  }
0x29: {  	s16 =	simm.s32 $0x13E80;
	s17 =	rddreg [dreg:$0x7]  }
0x2a: {  	[tilespmem:s16], [sflag:$0x5] =	stream.linear.gather [hbm4b:s17+s3], $0x80, $0x38;
	v63 =	vld [tilespmem:$0x0]  }
0x2b: {  	_ = 	snop  }
0x2c: {  	[tilespmem:s19], [sflag:$0x9] =	stream.linear.gather [hbm4b:s18+s3], $0x80, $0x38;
	v63 =	vld [tilespmem:$0x0]  }
0x2d: {  	_ = 	snop  }
0x2e: {  	[tilespmem:s21], [sflag:$0x6] =	stream.linear.gather [hbm4b:s20+s3], $0x80, $0x38;
	v63 =	vld [tilespmem:$0x0]  }
0x2f: {  	[bflag:$0x0] =	sbarrier.arrive $0xFFFF  }
0x30: {  	_ =	swait.ge [sflag:s22], $0x80  }
0x31: {  	[sflag:s22] =	ssyncset.done $0x0  }
0x32: {  	[sflag:s22] =	ssyncadd.s32 $0xFFFFFF80  }
0x33: {  	[tilespmem:s25], [sflag:$0x1] =	stream.indirect.gather [hbm4b:s4+s23], $0x80, s13, s23, $0xb8;
	v63 =	vld [tilespmem:$0x0]  }
0x34: {  	_ =	swait.ge [sflag:s26], $0x80  }
0x35: {  	[sflag:s26] =	ssyncset.done $0x0  }
0x36: {  	s13 =	simm.s32 $0x0;
	[sflag:s26] =	ssyncadd.s32 $0xFFFFFF80  }
0x37: {  	[tilespmem:s28], [sflag:$0x2] =	stream.indirect.gather [hbm4b:s4+s23], $0x80, s16, s23, $0xb8;
	v63 =	vld [tilespmem:$0x0]  }
.LBB2_2:
0x38: {  	_ =	swait.ge [sflag:s29], $0x4000  }
0x39: {  	[sflag:s29] =	ssyncset.done $0x0  }
0x3a: {  	[sflag:s29] =	ssyncadd.s32 $0xFFFFC000  }
0x3b: {  	_ =	swait.ge [sflag:s30], $0x80  }
0x3c: {  	[sflag:s30] =	ssyncset.done $0x0  }
0x3d: {  	[sflag:s30] =	ssyncadd.s32 $0xFFFFFF80  }
0x3e: {  	[tilespmem:s31], [sflag:$0x3] =	stream.indirect.gather [hbm4b:s4+s23], $0x80, s21, s23, $0xb8;
	v63 =	vld [tilespmem:$0x0]  }
0x3f: {  	_ =	swait.ge [sflag:s1], $0x80  }
0x40: {  	[sflag:s1] =	ssyncset.done $0x0  }
0x41: {  	[sflag:s1] =	ssyncadd.s32 $0xFFFFFF80  }
0x42: {  	[spmem:s2] =	stream.indirect.scatter.add.f32 [tilespmem:s25], [sflag:$0xA], $0x80, s12, s23, $0xb8;
	v63 =	vld [tilespmem:$0x0]  }
0x43: {  	_ =	swait.ge [sflag:s11], $0x4000  }
0x44: {  	p0 =	seq.s32 s13, $0x4E0;
	[sflag:s11] =	ssyncset.done $0x0  }
0x45: {  	s14 =	simm.s32 @p0 $0x2;
	[sflag:s11] =	ssyncadd.s32 $0xFFFFC000  }
0x46: {  	_ =	swait.ge @p0 [sflag:s14], $0x4000  }
0x47: {  	[sflag:s14] =	ssyncset.done @p0 $0x0  }
0x48: {  	[sflag:s14] =	ssyncadd.s32 @p0 $0xFFFFC000;
	s14 =	sadd.s32 @!p0 s13, s7  }
0x49: {  	s17 =	simm.s32 @!p0 $0x0;
	s16 =	simm.s32 @!p0 $0x13C00;
	s14 =	sadd.s32 @!p0 $0x30, s14  }
0x4a: {  	[tilespmem:s16], [sflag:$0x7] =	stream.linear.gather @!p0 [hbm4b:s14+s17], $0x80, $0x38;
	v63 =	vld [tilespmem:$0x0]  }
0x4b: {  	s14 =	sadd.s32 @!p0 s13, s8  }
0x4c: {  	s16 =	simm.s32 @!p0 $0x13E00;
	s14 =	sadd.s32 @!p0 $0x30, s14  }
0x4d: {  	[tilespmem:s16], [sflag:$0x4] =	stream.linear.gather @!p0 [hbm4b:s14+s17], $0x80, $0x38;
	v63 =	vld [tilespmem:$0x0]  }
0x4e: {  	s14 =	simm.s32 @!p0 $0x2  }
0x4f: {  	_ =	swait.ge @!p0 [sflag:s14], $0x4000  }
0x50: {  	[sflag:s14] =	ssyncset.done @!p0 $0x0  }
0x51: {  	[sflag:s14] =	ssyncadd.s32 @!p0 $0xFFFFC000;
	s14 =	simm.s32 @!p0 $0x4  }
0x52: {  	_ =	swait.ge @!p0 [sflag:s14], $0x80  }
0x53: {  	[sflag:s14] =	ssyncset.done @!p0 $0x0  }
0x54: {  	s17 =	simm.s32 @!p0 $0x14000;
	[sflag:s14] =	ssyncadd.s32 @!p0 $0xFFFFFF80;
	s14 =	simm.s32 @!p0 $0x80  }
0x55: {  	[tilespmem:s17], [sflag:$0x1] =	stream.indirect.gather @!p0 [hbm4b:s4+s14], $0x80, s16, s14, $0xb8;
	v63 =	vld [tilespmem:$0x0]  }
0x56: {  	_ =	swait.ge [sflag:s0], $0x80  }
0x57: {  	[sflag:s0] =	ssyncset.done $0x0  }
0x58: {  	[sflag:s0] =	ssyncadd.s32 $0xFFFFFF80  }
0x59: {  	[spmem:s2] =	stream.indirect.scatter.add.f32 [tilespmem:s28], [sflag:$0xA], $0x80, s15, s23, $0xb8;
	v63 =	vld [tilespmem:$0x0]  }
0x5a: {  	p1 =	sne.s32 s13, $0x4E0;
	_ =	swait.ge [sflag:s11], $0x4000  }
0x5b: {  	s14 =	sadd.s32 @p1 s13, s7;
	s16 =	simm.s32 @p1 $0x0;
	[sflag:s11] =	ssyncset.done $0x0  }
0x5c: {  	s17 =	simm.s32 @p1 $0x13C80;
	s14 =	sadd.s32 @p1 $0x40, s14;
	[sflag:s11] =	ssyncadd.s32 $0xFFFFC000  }
0x5d: {  	[tilespmem:s17], [sflag:$0x8] =	stream.linear.gather @p1 [hbm4b:s14+s16], $0x80, $0x38;
	v63 =	vld [tilespmem:$0x0]  }
0x5e: {  	s14 =	sadd.s32 @p1 s13, s8  }
0x5f: {  	s17 =	simm.s32 @p1 $0x13E80;
	s14 =	sadd.s32 @p1 $0x40, s14  }
0x60: {  	[tilespmem:s17], [sflag:$0x5] =	stream.linear.gather @p1 [hbm4b:s14+s16], $0x80, $0x38;
	v63 =	vld [tilespmem:$0x0]  }
0x61: {  	s14 =	simm.s32 @p1 $0x3  }
0x62: {  	_ =	swait.ge @p1 [sflag:s14], $0x4000  }
0x63: {  	[sflag:s14] =	ssyncset.done @p1 $0x0  }
0x64: {  	[sflag:s14] =	ssyncadd.s32 @p1 $0xFFFFC000;
	s14 =	simm.s32 @p1 $0x5  }
0x65: {  	_ =	swait.ge @p1 [sflag:s14], $0x80  }
0x66: {  	[sflag:s14] =	ssyncset.done @p1 $0x0  }
0x67: {  	s16 =	simm.s32 @p1 $0x18000;
	[sflag:s14] =	ssyncadd.s32 @p1 $0xFFFFFF80;
	s14 =	simm.s32 @p1 $0x80  }
0x68: {  	[tilespmem:s16], [sflag:$0x2] =	stream.indirect.gather @p1 [hbm4b:s4+s14], $0x80, s17, s14, $0xb8;
	v63 =	vld [tilespmem:$0x0]  }
0x69: {  	s14 =	simm.s32 @!p1 $0x3  }
0x6a: {  	_ =	swait.ge @!p1 [sflag:s14], $0x4000  }
0x6b: {  	[sflag:s14] =	ssyncset.done @!p1 $0x0  }
0x6c: {  	[sflag:s14] =	ssyncadd.s32 @!p1 $0xFFFFC000  }
0x6d: {  	_ =	swait.ge [sflag:s5], $0x80  }
0x6e: {  	[sflag:s5] =	ssyncset.done $0x0  }
.Ltmp2:
0x6f: {  	[sflag:s5] =	ssyncadd.s32 $0xFFFFFF80;
	(pc) =	sbr.rel @p0 .LBB2_4-.Ltmp2, $4  }
0x70: {  	[spmem:s2] =	stream.indirect.scatter.add.f32 [tilespmem:s31], [sflag:$0xA], $0x80, s19, s23, $0xb8;
	v63 =	vld [tilespmem:$0x0]  }
0x71: {  	_ =	swait.ge [sflag:s11], $0x4000  }
0x72: {  	[sflag:s11] =	ssyncset.done $0x0  }
0x73: {  	[sflag:s11] =	ssyncadd.s32 $0xFFFFC000  }
.Ltmp3:
0x74: {  	s14 =	sadd.s32 s13, s7;
	(pc) =	sbr.rel .LBB2_2-.Ltmp3, $4  }
0x75: {  	s17 =	sadd.s32 s13, s8;
	s14 =	sadd.s32 $0x50, s14  }
0x76: {  	[tilespmem:s19], [sflag:$0x9] =	stream.linear.gather [hbm4b:s14+s3], $0x80, $0x38;
	v63 =	vld [tilespmem:$0x0]  }
0x77: {  	s13 =	sadd.s32 $0x30, s13;
	s14 =	sadd.s32 $0x50, s17  }
0x78: {  	[tilespmem:s21], [sflag:$0x6] =	stream.linear.gather [hbm4b:s14+s3], $0x80, $0x38;
	v63 =	vld [tilespmem:$0x0]  }
.LBB2_5:
0x79: {  	_ =	sfence.sel $0x180000  }
0x7a: {  	[bflag:$0x0] =	sbarrier.arrive $0xFFFF  }
0x7b: {  	_ =	strace $0x9000004A  }
0x7c: {  	s0 =	stileid.u32;
	[bflag:$0x2] =	sbarrier.arrive $0xFFFF  }
0x7d: {  	p0 =	sne.s32 s0, $0x0;
	s0 =	rddreg [dreg:$0x3]  }
0x7e: {  	s0 =	sadd.s32 @!p0 $0x100000, s0  }
0x7f: {  	[sflag:s0] =	ssyncadd.tile.s32 @!p0 $0x1;
	_ =	shalt  }
.Lfunc_end2:
_tile_overlayer_lowered:
.L_overlay_start_2:
0x80: {  	(tag) =	ssettag $0x2  }
0x81: {  	s0 =	rddreg [dreg:$0x0];
	s2 =	stileid.u32  }
0x82: {  	s1 =	rddreg [dreg:$0x1];
	p0 =	sne.s32 s2, $0x0  }
0x83: {  	s3 =	rddreg [dreg:$0x2];
	[bflag:$0x3] =	sbarrier.arrive $0xFFFF;
	s2 =	simm.s32 @!p0 $0x1C0A  }
0x84: {  	[timem:s3], [sflag:s2] =	dma.local @!p0 [hbm:s0], s1  }
0x85: {  	s0 =	simm.s32 @!p0 $0xA  }
0x86: {  	_ =	swait.ge @!p0 [sflag:s0], s1  }
0x87: {  	s1 =	ssub.s32 @!p0 $0x0, s1;
	[sflag:s0] =	ssyncset.done @!p0 $0x0  }
0x88: {  	[sflag:s0] =	ssyncadd.s32 @!p0 s1  }
0x89: {  	[bflag:$0x3] =	sbarrier.arrive $0xFFFF  }
0x8a: {  	_ =	shalt  }

// kernel: kernel.15.cloned.1.call-start
scs
__scs_entry_jumppad:
0x0: {  	(pc) =	sbr.rel $0x88, $3  }
0x1: {  	(tag) =	ssettag $0x0;
	lr =	simm.s32 $0x1  }
0x2: {  	[smem:$0x3F99] =	sst lr;
	_ =	strace $0xD0000000  }
0x3: {  	_ = 	snop  }
0x4: {  	_ = 	snop  }
0x5: {  	_ = 	snop  }
0x6: {  	_ = 	snop  }
0x7: {  	_ = 	snop  }
__scs_overlays_trampoline_lowered:
0x8: {  	[smem:$0x3FA8] =	sst s0  }
0x9: {  	[smem:$0x3FA9] =	sst s1  }
0xa: {  	[smem:$0x3FAA] =	sst s2  }
0xb: {  	[smem:$0x3FAB] =	sst s3  }
0xc: {  	[smem:$0x3FAC] =	sst s4  }
0xd: {  	[smem:$0x3FAD] =	sst s5  }
0xe: {  	[smem:$0x3FAE] =	sst s6  }
0xf: {  	[smem:$0x3FAF] =	sst s7  }
0x10: {  	[smem:$0x3FB0] =	sst s8  }
0x11: {  	[smem:$0x3FB1] =	sst s9;
	s0 =	simm.s32 @!p0 $0x0  }
0x12: {  	s1 =	sld [smem:$0x3F97];
	s0 =	simm.s32 @p0 $0x1  }
0x13: {  	[smem:$0x3FB2] =	sst s0;
	s0 =	simm.s32 @!p1 $0x0  }
0x14: {  	s2 =	sld [smem:$0x3F96];
	s0 =	simm.s32 @p1 $0x1  }
0x15: {  	[smem:$0x3FB3] =	sst s0;
	s0 =	simm.s32 @!p2 $0x0  }
0x16: {  	s3 =	sld [smem:$0x3FDB];
	s0 =	simm.s32 @p2 $0x1  }
0x17: {  	s4 =	simm.s32 $0x1BF5;
	[smem:$0x3FB5] =	sst s0  }
0x18: {  	s0 =	sld [smem:$0x3F98];
	_ =	swait.ge [sflag:s4], $0x0  }
0x19: {  	s7 =	sld [smem:$0x3F99]  }
0x1a: {  	s8 =	sadd.s32 $0xFFFFE003, lr  }
0x1b: {  	s9 =	sadd.s32 $0xFFFFFEF7, lr;
	s5 =	simm.s32 $0xFFFFFFFF;
	p2 =	slt.u32 s8, $0xFFFFF086  }
0x1c: {  	p1 =	slt.u32 s9, $0xF7A;
	s5 =	simm.s32 @!p2 $0x0  }
0x1d: {  	s5 =	simm.s32 @p1 $0x1;
	p0 =	seq.s32 s7, s2  }
0x1e: {  	s7 =	smul.u32 @!p0 $0xF7A, s2;
	p2 =	seq.s32 @!p0 s5, $0x0  }
0x1f: {  	s9 =	smul.u32 $0xF7A, s1;
	s8 =	simm.s32 @!p0 $0x1BF5;
	p2 =	por !p2, p0  }
0x20: {  	[sflag:s8] =	ssyncset.s32 @!p0 $0xFFFFF086;
	s6 =	sadd.s32 @!p0 s3, s7;
	s7 =	simm.s32 @!p0 $0x108  }
0x21: {  	s3 =	sadd.s32 s3, s9;
	s6 =	sadd.s32 @!p0 $0x88, s6;
	s7 =	simm.s32 @p2 $0x1082  }
0x22: {  	[simem:s7], [sflag:s8] =	dma.local @!p0 [hbm:s6], $0xF7A  }
0x23: {  	s9 =	sor.u32 $0xD0000000, s2;
	s6 =	simm.s32 $0x108;
	_ =	swait.ge @!p0 [sflag:s8], $0x0  }
0x24: {  	s3 =	sadd.s32 $0x88, s3;
	s6 =	simm.s32 @!p1 $0x1082;
	[sflag:s4] =	ssyncset.s32 $0xFFFFF086  }
0x25: {  	[simem:s6], [sflag:s4] =	dma.local [hbm:s3], $0xF7A  }
0x26: {  	[smem:$0x3F99] =	sst s1;
	(tag) =	ssettag s2;
	_ =	strace s9  }
0x27: {  	s1 =	sld [smem:$0x3FA9]  }
0x28: {  	s2 =	sld [smem:$0x3FAA]  }
0x29: {  	s4 =	sld [smem:$0x3FAC]  }
0x2a: {  	p0 =	seq.s32 s5, $0x0;
	s5 =	sld [smem:$0x3FAD]  }
0x2b: {  	s6 =	sld [smem:$0x3FAE]  }
0x2c: {  	s7 =	sld [smem:$0x3FAF]  }
0x2d: {  	s3 =	simm.s32 $0x108;
	s8 =	sld [smem:$0x3FB0]  }
0x2e: {  	s3 =	simm.s32 @!p0 $0x1082;
	s9 =	sld [smem:$0x3FB1]  }
0x2f: {  	lr =	sadd.s32 s0, s3;
	s0 =	sld [smem:$0x3FA8]  }
0x30: {  	s3 =	sld [smem:$0x3FAB]  }
0x31: {  	[smem:$0x3FB4] =	sst s10  }
0x32: {  	s10 =	sld [smem:$0x3FB2];
	_ =	sdelay $0x3  }
0x33: {  	p0 =	seq.s32 s10, $0x1;
	s10 =	sld [smem:$0x3FB4];
	_ =	sdelay $0x3  }
0x34: {  	[smem:$0x3FB4] =	sst s10  }
0x35: {  	s10 =	sld [smem:$0x3FB3];
	_ =	sdelay $0x3  }
0x36: {  	p1 =	seq.s32 s10, $0x1;
	s10 =	sld [smem:$0x3FB4];
	_ =	sdelay $0x3  }
0x37: {  	[smem:$0x3FB4] =	sst s10  }
0x38: {  	s10 =	sld [smem:$0x3FB5]  }
0x39: {  	_ = 	snop;
	(pc) =	sbr.ind lr, $3  }
0x3a: {  	_ = 	snop  }
0x3b: {  	_ = 	snop  }
0x3c: {  	p2 =	seq.s32 s10, $0x1;
	s10 =	sld [smem:$0x3FB4]  }
0x3d: {  	_ =	shalt  }
0x3e: {  	_ =	shalt  }
0x3f: {  	_ =	shalt  }
0x40: {  	_ =	shalt  }
0x41: {  	_ =	shalt  }
0x42: {  	_ =	shalt  }
0x43: {  	_ =	shalt  }
0x44: {  	_ =	shalt  }
0x45: {  	_ =	shalt  }
0x46: {  	_ =	shalt  }
0x47: {  	_ =	shalt  }
0x48: {  	_ =	shalt  }
0x49: {  	_ =	shalt  }
0x4a: {  	_ =	shalt  }
0x4b: {  	_ =	shalt  }
0x4c: {  	_ =	shalt  }
0x4d: {  	_ =	shalt  }
0x4e: {  	_ =	shalt  }
0x4f: {  	_ =	shalt  }
0x50: {  	_ =	shalt  }
0x51: {  	_ =	shalt  }
0x52: {  	_ =	shalt  }
0x53: {  	_ =	shalt  }
0x54: {  	_ =	shalt  }
0x55: {  	_ =	shalt  }
0x56: {  	_ =	shalt  }
0x57: {  	_ =	shalt  }
0x58: {  	_ =	shalt  }
0x59: {  	_ =	shalt  }
0x5a: {  	_ =	shalt  }
0x5b: {  	_ =	shalt  }
0x5c: {  	_ =	shalt  }
0x5d: {  	_ =	shalt  }
0x5e: {  	_ =	shalt  }
0x5f: {  	_ =	shalt  }
0x60: {  	_ =	shalt  }
0x61: {  	_ =	shalt  }
0x62: {  	_ =	shalt  }
0x63: {  	_ =	shalt  }
0x64: {  	_ =	shalt  }
0x65: {  	_ =	shalt  }
0x66: {  	_ =	shalt  }
0x67: {  	_ =	shalt  }
0x68: {  	_ =	shalt  }
0x69: {  	_ =	shalt  }
0x6a: {  	_ =	shalt  }
0x6b: {  	_ =	shalt  }
0x6c: {  	_ =	shalt  }
0x6d: {  	_ =	shalt  }
0x6e: {  	_ =	shalt  }
0x6f: {  	_ =	shalt  }
0x70: {  	_ =	shalt  }
0x71: {  	_ =	shalt  }
0x72: {  	_ =	shalt  }
0x73: {  	_ =	shalt  }
0x74: {  	_ =	shalt  }
0x75: {  	_ =	shalt  }
0x76: {  	_ =	shalt  }
0x77: {  	_ =	shalt  }
0x78: {  	_ =	shalt  }
0x79: {  	_ =	shalt  }
0x7a: {  	_ =	shalt  }
0x7b: {  	_ =	shalt  }
0x7c: {  	_ =	shalt  }
0x7d: {  	_ =	shalt  }
0x7e: {  	_ =	shalt  }
0x7f: {  	_ =	shalt  }
0x80: {  	_ =	shalt  }
0x81: {  	_ =	shalt  }
0x82: {  	_ =	shalt  }
0x83: {  	_ =	shalt  }
0x84: {  	_ =	shalt  }
0x85: {  	_ =	shalt  }
0x86: {  	_ =	shalt  }
0x87: {  	_ =	shalt  }
.Lfunc_end0:
.L_simem_size_0:
called_computation.2_lowered:
.L_overlay_start_0:
0x88: {  	s2 =	sld [smem:$0x3FD9]  }
0x89: {  	s3 =	sld [smem:$0x3FFE];
	_ =	sdelay $0x1  }
0x8a: {  	s1 =	srdreg.scid  }
0x8b: {  	s0 =	sand.u32 $0x1, s1  }
0x8c: {  	s17 =	sshll.u32 s0, $0xA;
	s2 =	sadd.s32 s3, s2  }
0x8d: {  	s2 =	sadd.s32 s2, s17  }
0x8e: {  	[smem:$0x3FC0] =	sst s2  }
0x8f: {  	_ = 	snop  }
0x90: {  	s2 =	sld [smem:$0x3FD0];
	(tm) =	ssettm $0x1  }
0x91: {  	s18 =	sld [smem:$0x3FFB];
	_ =	sdelay $0x3  }
0x92: {  	_ =	strace s18  }
0x93: {  	s3 =	sld [smem:$0x3FFC];
	_ =	sdelay $0x3  }
0x94: {  	_ =	strace s3  }
0x95: {  	s3 =	sld [smem:$0x3FFD];
	_ =	sdelay $0x3  }
0x96: {  	_ =	strace s3  }
0x97: {  	_ =	strace $0x8FFFFFFF  }
0x98: {  	s19 =	sld [smem:$0x3FDB];
	_ =	sdelay $0x1  }
0x99: {  	s4 =	simm.s32 $_scs_section_size  }
0x9a: {  	s5 =	simm.s32 $_size__tile_overlayer_lowered;
	s6 =	simm.s32 $_tile_overlayer_lowered  }
0x9b: {  	s22 =	simm.s32 $0x1BFF;
	s21 =	sshll.u32 s6, $0x1;
	s3 =	sadd.s32 s4, s19  }
0x9c: {  	s7 =	simm.s32 $0x0;
	s20 =	sshll.u32 s5, $0x1;
	s5 =	sadd.s32 s21, s3  }
0x9d: {  	[timem:s7], [sflag:s22] =	dma.local [hbm:s5], s20  }
0x9e: {  	_ =	swait.ge [sflag:s22], s20  }
0x9f: {  	s4 =	ssub.s32 $0x0, s20;
	[sflag:s22] =	ssyncset.done $0x0  }
0xa0: {  	[sflag:s22] =	ssyncadd.s32 s4;
	_ =	sdelay $0x1  }
0xa1: {  	s23 =	simm.s32 $0x1B8B  }
0xa2: {  	_ =	swait.ge [sflag:s23], $0x1  }
0xa3: {  	[sflag:s23] =	ssyncset.done $0x0  }
0xa4: {  	s25 =	simm.s32 $0x1B8E;
	s24 =	sld [smem:$0x3FFE];
	[sflag:s23] =	ssyncadd.s32 $0xFFFFFFFF  }
0xa5: {  	s26 =	simm.s32 $execute0_lowered;
	[smem:$0x3FD2] =	sst s25  }
0xa6: {  	s5 =	sshll.u32 s26, $0x1;
	_ =	strace $0x8000004C;
	[dreg:$0x1] =	wrdreg $0xFFFFFFFF  }
0xa7: {  	s28 =	simm.s32 $_size_execute0_lowered;
	s3 =	sadd.s32 s3, s5;
	[dreg:$0x0] =	wrdreg $0x0  }
0xa8: {  	s5 =	sshll.u32 s28, $0x1;
	[dreg:$0x2] =	wrdreg s3  }
0xa9: {  	[dreg:$0x3] =	wrdreg s5  }
0xaa: {  	[dreg:$0x4] =	wrdreg $0xC0  }
0xab: {  	_ =	task [dreg:s7], $0x5FFFF  }
0xac: {  	[dreg:$0x1] =	wrdreg $0xFFFFFFFF  }
0xad: {  	[dreg:$0x0] =	wrdreg $0x60  }
0xae: {  	[dreg:$0x2] =	wrdreg s2  }
0xaf: {  	[dreg:$0x3] =	wrdreg s24  }
0xb0: {  	[dreg:$0x4] =	wrdreg $0x0  }
0xb1: {  	[dreg:$0x5] =	wrdreg $0x9  }
0xb2: {  	_ =	task.clear_ibuf [dreg:s7], $0x6FFFF;
	_ =	strace $0x9000004C  }
0xb3: {  	s29 =	simm.s32 $0x9;
	_ =	strace $0x8000004E  }
0xb4: {  	_ =	swait.ge [sflag:s29], $0x1  }
0xb5: {  	[sflag:s29] =	ssyncadd.s32 $0xFFFFFFFF  }
0xb6: {  	_ =	strace $0x9000004E  }
0xb7: {  	_ =	sfence  }
0xb8: {  	s30 =	sld [smem:$0x0];
	_ =	sdelay $0x2  }
0xb9: {  	s31 =	sshll.u32 s1, $0xD;
	s1 =	sshrl.u32 s1, $0x2  }
0xba: {  	s3 =	sand.u32 $0x4000, s31;
	s1 =	sadd.s32 s1, s30  }
0xbb: {  	s0 =	sor.u32 s3, s0;
	s1 =	sshll.u32 s1, $0x11  }
0xbc: {  	s0 =	sor.u32 s1, s0  }
0xbd: {  	s0 =	sadd.s32 $0x8F2B, s0  }
0xbe: {  	[sflag:s0] =	ssyncadd.remote.s32 $0x1  }
0xbf: {  	_ =	sfence.sel $0xFFFF  }
0xc0: {  	[dreg:$0x0] =	wrdreg $0xFFFFFFFF;
	(pc) =	sbr.abs _section_cstart, $3  }
0xc1: {  	[dreg:$0x1] =	wrdreg $0xFFFFFFFF  }
0xc2: {  	_ =	task.clear_ibuf [dreg:s7], $0x2FFFF;
	_ =	strace $0x9FFFFFFF  }
0xc3: {  	(tm) =	ssettm $0x7FFFFFFF  }
tec
execute0_lowered:
.L_overlay_start_1:
0x0: {  	(tag) =	ssettag $0x1  }
0x1: {  	s0 =	rddreg [dreg:$0x0]  }
0x2: {  	s1 =	srdreg.scid;
	s5 =	rddreg [dreg:$0x1]  }
0x3: {  	s13 =	stileid.u32;
	s2 =	rddreg [dreg:$0x2]  }
0x4: {  	s15 =	simm.s32 $0x13C80;
	s19 =	simm.s32 $0x13D00;
	s28 =	simm.s32 $0x18000  }
0x5: {  	s29 =	simm.s32 $0x1;
	s30 =	simm.s32 $0x6;
	s31 =	simm.s32 $0x1C000  }
0x6: {  	s1 =	sand.u32 $0x1, s1;
	s3 =	sshll.u32 s13, $0x1;
	s9 =	smul.u32 $0x2780, s13  }
0x7: {  	s10 =	smul.u32 $0x4F000, s13;
	s23 =	sshll.u32 s13, $0x6;
	s4 =	sor.u32 s1, s3  }
0x8: {  	s3 =	simm.s32 $0x0;
	s6 =	smul.u32 $0x27800, s1;
	s1 =	ssub.s32 $0x2, s1  }
0x9: {  	s7 =	smul.u32 $0x580, s4;
	[smem:$0x7FF] =	sst s3;
	s4 =	sadd.s32 $0x76600, s5  }
0xa: {  	s11 =	sadd.s32 s9, s5;
	s12 =	sshrl.u32 s1, $0x1;
	s21 =	sshrl.u32 s10, $0x2  }
0xb: {  	_ =	strace $0x8000004D;
	s1 =	ssub.s32 s1, s12;
	s10 =	sadd.s32 s21, s2  }
0xc: {  	s22 =	sadd.s32 $0x9DE00, s11;
	s11 =	simm.s32 $0xA;
	s12 =	simm.s32 $0x13C00  }
0xd: {  	s21 =	simm.s32 $0x13F00;
	s8 =	sadd.s32 s7, s5;
	s5 =	sadd.s32 s6, s5  }
0xe: {  	[dreg:$0x4] =	wrdreg s22;
	s6 =	sor.u32 $0x1C0A, s23;
	s7 =	sadd.s32 s0, s7  }
0xf: {  	s1 =	smax.u32 s1, $0x1;
	s10 =	sshrl.u32 s10, $0x3;
	s22 =	simm.s32 $0x4  }
0x10: {  	s23 =	simm.s32 $0x80;
	s0 =	simm.s32 $0x8;
	s8 =	sadd.s32 $0x1C600, s8  }
.Ltmp0:
0x11: {  	s24 =	sadd.s32 $0xC5600, s5;
	[dreg:$0x5] =	wrdreg s1;
	(pc) =	sbr.rel .LBB2_1-.Ltmp0, $4  }
0x12: {  	s25 =	sadd.s32 $0x10, s7;
	s18 =	sadd.s32 $0x20, s7;
	s1 =	simm.s32 $0x7  }
0x13: {  	s5 =	simm.s32 $0x9;
	[dreg:$0x6] =	wrdreg s25;
	s26 =	sadd.s32 $0x10, s8  }
0x14: {  	s20 =	sadd.s32 $0x20, s8;
	s24 =	sadd.s32 s9, s24;
	s25 =	simm.s32 $0x14000  }
0x15: {  	s9 =	simm.s32 $0x0;
	[dreg:$0x7] =	wrdreg s26;
	s26 =	simm.s32 $0x5  }
.LBB2_4:
0x16: {  	[bflag:$0x0] =	sbarrier.arrive $0xFFFF  }
0x17: {  	[hbm:s24], [sflag:s6] =	dma.local [spmem:s10], $0x2780  }
0x18: {  	_ =	swait.ge [sflag:s11], $0x2780  }
0x19: {  	s9 =	sadd.s32 $0x1, s9;
	s13 =	rddreg [dreg:$0x5]  }
0x1a: {  	p0 =	sne.s32 s9, s13  }
.Ltmp1:
0x1b: {  	_ = 	snop;
	(pc) =	sbr.rel @!p0 .LBB2_5-.Ltmp1, $3  }
0x1c: {  	_ =	sdelay $0x1  }
0x1d: {  	[sflag:s11] =	ssyncset.done $0x0  }
0x1e: {  	[sflag:s11] =	ssyncadd.s32 $0xFFFFD880  }
.LBB2_1:
0x1f: {  	s13 =	rddreg [dreg:$0x4]  }
0x20: {  	[spmem:s10], [sflag:s6] =	dma.local [hbm:s13], $0x2780  }
0x21: {  	_ =	swait.ge [sflag:s11], $0x2780  }
0x22: {  	[sflag:s11] =	ssyncset.done $0x0  }
0x23: {  	[sflag:s11] =	ssyncadd.s32 $0xFFFFD880  }
0x24: {  	[tilespmem:s12], [sflag:$0x7] =	stream.linear.gather [hbm4b:s7+s3], $0x80, $0x38;
	v63 =	vld [tilespmem:$0x0]  }
0x25: {  	s13 =	simm.s32 $0x13E00  }
0x26: {  	[tilespmem:s13], [sflag:$0x4] =	stream.linear.gather [hbm4b:s8+s3], $0x80, $0x38;
	v63 =	vld [tilespmem:$0x0]  }
0x27: {  	s14 =	rddreg [dreg:$0x6]  }
0x28: {  	[tilespmem:s15], [sflag:$0x8] =	stream.linear.gather [hbm4b:s14+s3], $0x80, $0x38;
	v63 =	vld [tilespmem:$0x0]  }
0x29: {  	s16 =	simm.s32 $0x13E80;
	s17 =	rddreg [dreg:$0x7]  }
0x2a: {  	[tilespmem:s16], [sflag:$0x5] =	stream.linear.gather [hbm4b:s17+s3], $0x80, $0x38;
	v63 =	vld [tilespmem:$0x0]  }
0x2b: {  	_ = 	snop  }
0x2c: {  	[tilespmem:s19], [sflag:$0x9] =	stream.linear.gather [hbm4b:s18+s3], $0x80, $0x38;
	v63 =	vld [tilespmem:$0x0]  }
0x2d: {  	_ = 	snop  }
0x2e: {  	[tilespmem:s21], [sflag:$0x6] =	stream.linear.gather [hbm4b:s20+s3], $0x80, $0x38;
	v63 =	vld [tilespmem:$0x0]  }
0x2f: {  	[bflag:$0x0] =	sbarrier.arrive $0xFFFF  }
0x30: {  	_ =	swait.ge [sflag:s22], $0x80  }
0x31: {  	[sflag:s22] =	ssyncset.done $0x0  }
0x32: {  	[sflag:s22] =	ssyncadd.s32 $0xFFFFFF80  }
0x33: {  	[tilespmem:s25], [sflag:$0x1] =	stream.indirect.gather [hbm4b:s4+s23], $0x80, s13, s23, $0xb8;
	v63 =	vld [tilespmem:$0x0]  }
0x34: {  	_ =	swait.ge [sflag:s26], $0x80  }
0x35: {  	[sflag:s26] =	ssyncset.done $0x0  }
0x36: {  	s13 =	simm.s32 $0x0;
	[sflag:s26] =	ssyncadd.s32 $0xFFFFFF80  }
0x37: {  	[tilespmem:s28], [sflag:$0x2] =	stream.indirect.gather [hbm4b:s4+s23], $0x80, s16, s23, $0xb8;
	v63 =	vld [tilespmem:$0x0]  }
.LBB2_2:
0x38: {  	_ =	swait.ge [sflag:s29], $0x4000  }
0x39: {  	[sflag:s29] =	ssyncset.done $0x0  }
0x3a: {  	[sflag:s29] =	ssyncadd.s32 $0xFFFFC000  }
0x3b: {  	_ =	swait.ge [sflag:s30], $0x80  }
0x3c: {  	[sflag:s30] =	ssyncset.done $0x0  }
0x3d: {  	[sflag:s30] =	ssyncadd.s32 $0xFFFFFF80  }
0x3e: {  	[tilespmem:s31], [sflag:$0x3] =	stream.indirect.gather [hbm4b:s4+s23], $0x80, s21, s23, $0xb8;
	v63 =	vld [tilespmem:$0x0]  }
0x3f: {  	_ =	swait.ge [sflag:s1], $0x80  }
0x40: {  	[sflag:s1] =	ssyncset.done $0x0  }
0x41: {  	[sflag:s1] =	ssyncadd.s32 $0xFFFFFF80  }
0x42: {  	[spmem:s2] =	stream.indirect.scatter.add.f32 [tilespmem:s25], [sflag:$0xA], $0x80, s12, s23, $0xb8;
	v63 =	vld [tilespmem:$0x0]  }
0x43: {  	_ =	swait.ge [sflag:s11], $0x4000  }
0x44: {  	p0 =	seq.s32 s13, $0x4E0;
	[sflag:s11] =	ssyncset.done $0x0  }
0x45: {  	s14 =	simm.s32 @p0 $0x2;
	[sflag:s11] =	ssyncadd.s32 $0xFFFFC000  }
0x46: {  	_ =	swait.ge @p0 [sflag:s14], $0x4000  }
0x47: {  	[sflag:s14] =	ssyncset.done @p0 $0x0  }
0x48: {  	[sflag:s14] =	ssyncadd.s32 @p0 $0xFFFFC000;
	s14 =	sadd.s32 @!p0 s13, s7  }
0x49: {  	s17 =	simm.s32 @!p0 $0x0;
	s16 =	simm.s32 @!p0 $0x13C00;
	s14 =	sadd.s32 @!p0 $0x30, s14  }
0x4a: {  	[tilespmem:s16], [sflag:$0x7] =	stream.linear.gather @!p0 [hbm4b:s14+s17], $0x80, $0x38;
	v63 =	vld [tilespmem:$0x0]  }
0x4b: {  	s14 =	sadd.s32 @!p0 s13, s8  }
0x4c: {  	s16 =	simm.s32 @!p0 $0x13E00;
	s14 =	sadd.s32 @!p0 $0x30, s14  }
0x4d: {  	[tilespmem:s16], [sflag:$0x4] =	stream.linear.gather @!p0 [hbm4b:s14+s17], $0x80, $0x38;
	v63 =	vld [tilespmem:$0x0]  }
0x4e: {  	s14 =	simm.s32 @!p0 $0x2  }
0x4f: {  	_ =	swait.ge @!p0 [sflag:s14], $0x4000  }
0x50: {  	[sflag:s14] =	ssyncset.done @!p0 $0x0  }
0x51: {  	[sflag:s14] =	ssyncadd.s32 @!p0 $0xFFFFC000;
	s14 =	simm.s32 @!p0 $0x4  }
0x52: {  	_ =	swait.ge @!p0 [sflag:s14], $0x80  }
0x53: {  	[sflag:s14] =	ssyncset.done @!p0 $0x0  }
0x54: {  	s17 =	simm.s32 @!p0 $0x14000;
	[sflag:s14] =	ssyncadd.s32 @!p0 $0xFFFFFF80;
	s14 =	simm.s32 @!p0 $0x80  }
0x55: {  	[tilespmem:s17], [sflag:$0x1] =	stream.indirect.gather @!p0 [hbm4b:s4+s14], $0x80, s16, s14, $0xb8;
	v63 =	vld [tilespmem:$0x0]  }
0x56: {  	_ =	swait.ge [sflag:s0], $0x80  }
0x57: {  	[sflag:s0] =	ssyncset.done $0x0  }
0x58: {  	[sflag:s0] =	ssyncadd.s32 $0xFFFFFF80  }
0x59: {  	[spmem:s2] =	stream.indirect.scatter.add.f32 [tilespmem:s28], [sflag:$0xA], $0x80, s15, s23, $0xb8;
	v63 =	vld [tilespmem:$0x0]  }
0x5a: {  	p1 =	sne.s32 s13, $0x4E0;
	_ =	swait.ge [sflag:s11], $0x4000  }
0x5b: {  	s14 =	sadd.s32 @p1 s13, s7;
	s16 =	simm.s32 @p1 $0x0;
	[sflag:s11] =	ssyncset.done $0x0  }
0x5c: {  	s17 =	simm.s32 @p1 $0x13C80;
	s14 =	sadd.s32 @p1 $0x40, s14;
	[sflag:s11] =	ssyncadd.s32 $0xFFFFC000  }
0x5d: {  	[tilespmem:s17], [sflag:$0x8] =	stream.linear.gather @p1 [hbm4b:s14+s16], $0x80, $0x38;
	v63 =	vld [tilespmem:$0x0]  }
0x5e: {  	s14 =	sadd.s32 @p1 s13, s8  }
0x5f: {  	s17 =	simm.s32 @p1 $0x13E80;
	s14 =	sadd.s32 @p1 $0x40, s14  }
0x60: {  	[tilespmem:s17], [sflag:$0x5] =	stream.linear.gather @p1 [hbm4b:s14+s16], $0x80, $0x38;
	v63 =	vld [tilespmem:$0x0]  }
0x61: {  	s14 =	simm.s32 @p1 $0x3  }
0x62: {  	_ =	swait.ge @p1 [sflag:s14], $0x4000  }
0x63: {  	[sflag:s14] =	ssyncset.done @p1 $0x0  }
0x64: {  	[sflag:s14] =	ssyncadd.s32 @p1 $0xFFFFC000;
	s14 =	simm.s32 @p1 $0x5  }
0x65: {  	_ =	swait.ge @p1 [sflag:s14], $0x80  }
0x66: {  	[sflag:s14] =	ssyncset.done @p1 $0x0  }
0x67: {  	s16 =	simm.s32 @p1 $0x18000;
	[sflag:s14] =	ssyncadd.s32 @p1 $0xFFFFFF80;
	s14 =	simm.s32 @p1 $0x80  }
0x68: {  	[tilespmem:s16], [sflag:$0x2] =	stream.indirect.gather @p1 [hbm4b:s4+s14], $0x80, s17, s14, $0xb8;
	v63 =	vld [tilespmem:$0x0]  }
0x69: {  	s14 =	simm.s32 @!p1 $0x3  }
0x6a: {  	_ =	swait.ge @!p1 [sflag:s14], $0x4000  }
0x6b: {  	[sflag:s14] =	ssyncset.done @!p1 $0x0  }
0x6c: {  	[sflag:s14] =	ssyncadd.s32 @!p1 $0xFFFFC000  }
0x6d: {  	_ =	swait.ge [sflag:s5], $0x80  }
0x6e: {  	[sflag:s5] =	ssyncset.done $0x0  }
.Ltmp2:
0x6f: {  	[sflag:s5] =	ssyncadd.s32 $0xFFFFFF80;
	(pc) =	sbr.rel @p0 .LBB2_4-.Ltmp2, $4  }
0x70: {  	[spmem:s2] =	stream.indirect.scatter.add.f32 [tilespmem:s31], [sflag:$0xA], $0x80, s19, s23, $0xb8;
	v63 =	vld [tilespmem:$0x0]  }
0x71: {  	_ =	swait.ge [sflag:s11], $0x4000  }
0x72: {  	[sflag:s11] =	ssyncset.done $0x0  }
0x73: {  	[sflag:s11] =	ssyncadd.s32 $0xFFFFC000  }
.Ltmp3:
0x74: {  	s14 =	sadd.s32 s13, s7;
	(pc) =	sbr.rel .LBB2_2-.Ltmp3, $4  }
0x75: {  	s17 =	sadd.s32 s13, s8;
	s14 =	sadd.s32 $0x50, s14  }
0x76: {  	[tilespmem:s19], [sflag:$0x9] =	stream.linear.gather [hbm4b:s14+s3], $0x80, $0x38;
	v63 =	vld [tilespmem:$0x0]  }
0x77: {  	s13 =	sadd.s32 $0x30, s13;
	s14 =	sadd.s32 $0x50, s17  }
0x78: {  	[tilespmem:s21], [sflag:$0x6] =	stream.linear.gather [hbm4b:s14+s3], $0x80, $0x38;
	v63 =	vld [tilespmem:$0x0]  }
.LBB2_5:
0x79: {  	_ =	sfence.sel $0x180000  }
0x7a: {  	[bflag:$0x0] =	sbarrier.arrive $0xFFFF  }
0x7b: {  	_ =	strace $0x9000004D  }
0x7c: {  	s0 =	stileid.u32;
	[bflag:$0x2] =	sbarrier.arrive $0xFFFF  }
0x7d: {  	p0 =	sne.s32 s0, $0x0;
	s0 =	rddreg [dreg:$0x3]  }
0x7e: {  	s0 =	sadd.s32 @!p0 $0x100000, s0  }
0x7f: {  	[sflag:s0] =	ssyncadd.tile.s32 @!p0 $0x1;
	_ =	shalt  }
.Lfunc_end2:
_tile_overlayer_lowered:
.L_overlay_start_2:
0x80: {  	(tag) =	ssettag $0x2  }
0x81: {  	s0 =	rddreg [dreg:$0x0];
	s2 =	stileid.u32  }
0x82: {  	s1 =	rddreg [dreg:$0x1];
	p0 =	sne.s32 s2, $0x0  }
0x83: {  	s3 =	rddreg [dreg:$0x2];
	[bflag:$0x3] =	sbarrier.arrive $0xFFFF;
	s2 =	simm.s32 @!p0 $0x1C0A  }
0x84: {  	[timem:s3], [sflag:s2] =	dma.local @!p0 [hbm:s0], s1  }
0x85: {  	s0 =	simm.s32 @!p0 $0xA  }
0x86: {  	_ =	swait.ge @!p0 [sflag:s0], s1  }
0x87: {  	s1 =	ssub.s32 @!p0 $0x0, s1;
	[sflag:s0] =	ssyncset.done @!p0 $0x0  }
0x88: {  	[sflag:s0] =	ssyncadd.s32 @!p0 s1  }
0x89: {  	[bflag:$0x3] =	sbarrier.arrive $0xFFFF  }
0x8a: {  	_ =	shalt  }

// kernel: kernel.9.cloned.1.call-start
scs
__scs_entry_jumppad:
0x0: {  	(pc) =	sbr.rel $0x88, $3  }
0x1: {  	(tag) =	ssettag $0x0;
	lr =	simm.s32 $0x1  }
0x2: {  	[smem:$0x3F99] =	sst lr;
	_ =	strace $0xD0000000  }
0x3: {  	_ = 	snop  }
0x4: {  	_ = 	snop  }
0x5: {  	_ = 	snop  }
0x6: {  	_ = 	snop  }
0x7: {  	_ = 	snop  }
__scs_overlays_trampoline_lowered:
0x8: {  	[smem:$0x3FA8] =	sst s0  }
0x9: {  	[smem:$0x3FA9] =	sst s1  }
0xa: {  	[smem:$0x3FAA] =	sst s2  }
0xb: {  	[smem:$0x3FAB] =	sst s3  }
0xc: {  	[smem:$0x3FAC] =	sst s4  }
0xd: {  	[smem:$0x3FAD] =	sst s5  }
0xe: {  	[smem:$0x3FAE] =	sst s6  }
0xf: {  	[smem:$0x3FAF] =	sst s7  }
0x10: {  	[smem:$0x3FB0] =	sst s8  }
0x11: {  	[smem:$0x3FB1] =	sst s9;
	s0 =	simm.s32 @!p0 $0x0  }
0x12: {  	s1 =	sld [smem:$0x3F97];
	s0 =	simm.s32 @p0 $0x1  }
0x13: {  	[smem:$0x3FB2] =	sst s0;
	s0 =	simm.s32 @!p1 $0x0  }
0x14: {  	s2 =	sld [smem:$0x3F96];
	s0 =	simm.s32 @p1 $0x1  }
0x15: {  	[smem:$0x3FB3] =	sst s0;
	s0 =	simm.s32 @!p2 $0x0  }
0x16: {  	s3 =	sld [smem:$0x3FDB];
	s0 =	simm.s32 @p2 $0x1  }
0x17: {  	s4 =	simm.s32 $0x1BF5;
	[smem:$0x3FB5] =	sst s0  }
0x18: {  	s0 =	sld [smem:$0x3F98];
	_ =	swait.ge [sflag:s4], $0x0  }
0x19: {  	s7 =	sld [smem:$0x3F99]  }
0x1a: {  	s8 =	sadd.s32 $0xFFFFE003, lr  }
0x1b: {  	s9 =	sadd.s32 $0xFFFFFEF7, lr;
	s5 =	simm.s32 $0xFFFFFFFF;
	p2 =	slt.u32 s8, $0xFFFFF086  }
0x1c: {  	p1 =	slt.u32 s9, $0xF7A;
	s5 =	simm.s32 @!p2 $0x0  }
0x1d: {  	s5 =	simm.s32 @p1 $0x1;
	p0 =	seq.s32 s7, s2  }
0x1e: {  	s7 =	smul.u32 @!p0 $0xF7A, s2;
	p2 =	seq.s32 @!p0 s5, $0x0  }
0x1f: {  	s9 =	smul.u32 $0xF7A, s1;
	s8 =	simm.s32 @!p0 $0x1BF5;
	p2 =	por !p2, p0  }
0x20: {  	[sflag:s8] =	ssyncset.s32 @!p0 $0xFFFFF086;
	s6 =	sadd.s32 @!p0 s3, s7;
	s7 =	simm.s32 @!p0 $0x108  }
0x21: {  	s3 =	sadd.s32 s3, s9;
	s6 =	sadd.s32 @!p0 $0x88, s6;
	s7 =	simm.s32 @p2 $0x1082  }
0x22: {  	[simem:s7], [sflag:s8] =	dma.local @!p0 [hbm:s6], $0xF7A  }
0x23: {  	s9 =	sor.u32 $0xD0000000, s2;
	s6 =	simm.s32 $0x108;
	_ =	swait.ge @!p0 [sflag:s8], $0x0  }
0x24: {  	s3 =	sadd.s32 $0x88, s3;
	s6 =	simm.s32 @!p1 $0x1082;
	[sflag:s4] =	ssyncset.s32 $0xFFFFF086  }
0x25: {  	[simem:s6], [sflag:s4] =	dma.local [hbm:s3], $0xF7A  }
0x26: {  	[smem:$0x3F99] =	sst s1;
	(tag) =	ssettag s2;
	_ =	strace s9  }
0x27: {  	s1 =	sld [smem:$0x3FA9]  }
0x28: {  	s2 =	sld [smem:$0x3FAA]  }
0x29: {  	s4 =	sld [smem:$0x3FAC]  }
0x2a: {  	p0 =	seq.s32 s5, $0x0;
	s5 =	sld [smem:$0x3FAD]  }
0x2b: {  	s6 =	sld [smem:$0x3FAE]  }
0x2c: {  	s7 =	sld [smem:$0x3FAF]  }
0x2d: {  	s3 =	simm.s32 $0x108;
	s8 =	sld [smem:$0x3FB0]  }
0x2e: {  	s3 =	simm.s32 @!p0 $0x1082;
	s9 =	sld [smem:$0x3FB1]  }
0x2f: {  	lr =	sadd.s32 s0, s3;
	s0 =	sld [smem:$0x3FA8]  }
0x30: {  	s3 =	sld [smem:$0x3FAB]  }
0x31: {  	[smem:$0x3FB4] =	sst s10  }
0x32: {  	s10 =	sld [smem:$0x3FB2];
	_ =	sdelay $0x3  }
0x33: {  	p0 =	seq.s32 s10, $0x1;
	s10 =	sld [smem:$0x3FB4];
	_ =	sdelay $0x3  }
0x34: {  	[smem:$0x3FB4] =	sst s10  }
0x35: {  	s10 =	sld [smem:$0x3FB3];
	_ =	sdelay $0x3  }
0x36: {  	p1 =	seq.s32 s10, $0x1;
	s10 =	sld [smem:$0x3FB4];
	_ =	sdelay $0x3  }
0x37: {  	[smem:$0x3FB4] =	sst s10  }
0x38: {  	s10 =	sld [smem:$0x3FB5]  }
0x39: {  	_ = 	snop;
	(pc) =	sbr.ind lr, $3  }
0x3a: {  	_ = 	snop  }
0x3b: {  	_ = 	snop  }
0x3c: {  	p2 =	seq.s32 s10, $0x1;
	s10 =	sld [smem:$0x3FB4]  }
0x3d: {  	_ =	shalt  }
0x3e: {  	_ =	shalt  }
0x3f: {  	_ =	shalt  }
0x40: {  	_ =	shalt  }
0x41: {  	_ =	shalt  }
0x42: {  	_ =	shalt  }
0x43: {  	_ =	shalt  }
0x44: {  	_ =	shalt  }
0x45: {  	_ =	shalt  }
0x46: {  	_ =	shalt  }
0x47: {  	_ =	shalt  }
0x48: {  	_ =	shalt  }
0x49: {  	_ =	shalt  }
0x4a: {  	_ =	shalt  }
0x4b: {  	_ =	shalt  }
0x4c: {  	_ =	shalt  }
0x4d: {  	_ =	shalt  }
0x4e: {  	_ =	shalt  }
0x4f: {  	_ =	shalt  }
0x50: {  	_ =	shalt  }
0x51: {  	_ =	shalt  }
0x52: {  	_ =	shalt  }
0x53: {  	_ =	shalt  }
0x54: {  	_ =	shalt  }
0x55: {  	_ =	shalt  }
0x56: {  	_ =	shalt  }
0x57: {  	_ =	shalt  }
0x58: {  	_ =	shalt  }
0x59: {  	_ =	shalt  }
0x5a: {  	_ =	shalt  }
0x5b: {  	_ =	shalt  }
0x5c: {  	_ =	shalt  }
0x5d: {  	_ =	shalt  }
0x5e: {  	_ =	shalt  }
0x5f: {  	_ =	shalt  }
0x60: {  	_ =	shalt  }
0x61: {  	_ =	shalt  }
0x62: {  	_ =	shalt  }
0x63: {  	_ =	shalt  }
0x64: {  	_ =	shalt  }
0x65: {  	_ =	shalt  }
0x66: {  	_ =	shalt  }
0x67: {  	_ =	shalt  }
0x68: {  	_ =	shalt  }
0x69: {  	_ =	shalt  }
0x6a: {  	_ =	shalt  }
0x6b: {  	_ =	shalt  }
0x6c: {  	_ =	shalt  }
0x6d: {  	_ =	shalt  }
0x6e: {  	_ =	shalt  }
0x6f: {  	_ =	shalt  }
0x70: {  	_ =	shalt  }
0x71: {  	_ =	shalt  }
0x72: {  	_ =	shalt  }
0x73: {  	_ =	shalt  }
0x74: {  	_ =	shalt  }
0x75: {  	_ =	shalt  }
0x76: {  	_ =	shalt  }
0x77: {  	_ =	shalt  }
0x78: {  	_ =	shalt  }
0x79: {  	_ =	shalt  }
0x7a: {  	_ =	shalt  }
0x7b: {  	_ =	shalt  }
0x7c: {  	_ =	shalt  }
0x7d: {  	_ =	shalt  }
0x7e: {  	_ =	shalt  }
0x7f: {  	_ =	shalt  }
0x80: {  	_ =	shalt  }
0x81: {  	_ =	shalt  }
0x82: {  	_ =	shalt  }
0x83: {  	_ =	shalt  }
0x84: {  	_ =	shalt  }
0x85: {  	_ =	shalt  }
0x86: {  	_ =	shalt  }
0x87: {  	_ =	shalt  }
.Lfunc_end0:
.L_simem_size_0:
called_computation_lowered:
.L_overlay_start_0:
0x88: {  	s2 =	sld [smem:$0x3FD9]  }
0x89: {  	s3 =	sld [smem:$0x3FFE];
	_ =	sdelay $0x1  }
0x8a: {  	s1 =	srdreg.scid  }
0x8b: {  	s0 =	sand.u32 $0x1, s1  }
0x8c: {  	s16 =	sshll.u32 s0, $0xA;
	s2 =	sadd.s32 s3, s2  }
0x8d: {  	s2 =	sadd.s32 s2, s16  }
0x8e: {  	[smem:$0x3FC0] =	sst s2  }
0x8f: {  	_ = 	snop  }
0x90: {  	(tm) =	ssettm $0x1  }
0x91: {  	s17 =	sld [smem:$0x3FFB];
	_ =	sdelay $0x3  }
0x92: {  	_ =	strace s17  }
0x93: {  	s2 =	sld [smem:$0x3FFC];
	_ =	sdelay $0x3  }
0x94: {  	_ =	strace s2  }
0x95: {  	s2 =	sld [smem:$0x3FFD];
	_ =	sdelay $0x3  }
0x96: {  	_ =	strace s2  }
0x97: {  	_ =	strace $0x8FFFFFFF  }
0x98: {  	s18 =	sld [smem:$0x3FDB];
	_ =	sdelay $0x1  }
0x99: {  	s19 =	simm.s32 $_scs_section_size  }
0x9a: {  	s4 =	simm.s32 $_size__tile_overlayer_lowered;
	s5 =	simm.s32 $_tile_overlayer_lowered  }
0x9b: {  	s22 =	simm.s32 $0x1BFF;
	s21 =	sshll.u32 s5, $0x1;
	s2 =	sadd.s32 s19, s18  }
0x9c: {  	s6 =	simm.s32 $0x0;
	s20 =	sshll.u32 s4, $0x1;
	s4 =	sadd.s32 s21, s2  }
0x9d: {  	[timem:s6], [sflag:s22] =	dma.local [hbm:s4], s20  }
0x9e: {  	_ =	swait.ge [sflag:s22], s20  }
0x9f: {  	s3 =	ssub.s32 $0x0, s20;
	[sflag:s22] =	ssyncset.done $0x0  }
0xa0: {  	[sflag:s22] =	ssyncadd.s32 s3;
	_ =	sdelay $0x1  }
0xa1: {  	s23 =	simm.s32 $0x1B8B  }
0xa2: {  	_ =	swait.ge [sflag:s23], $0x1  }
0xa3: {  	[sflag:s23] =	ssyncset.done $0x0  }
0xa4: {  	s25 =	simm.s32 $0x1B8E;
	s24 =	sld [smem:$0x3FFE];
	[sflag:s23] =	ssyncadd.s32 $0xFFFFFFFF  }
0xa5: {  	s26 =	simm.s32 $execute0_lowered;
	[smem:$0x3FD2] =	sst s25  }
0xa6: {  	s4 =	sshll.u32 s26, $0x1;
	_ =	strace $0x80000046;
	[dreg:$0x1] =	wrdreg $0xFFFFFFFF  }
0xa7: {  	s28 =	simm.s32 $_size_execute0_lowered;
	s2 =	sadd.s32 s2, s4;
	[dreg:$0x0] =	wrdreg $0x0  }
0xa8: {  	s4 =	sshll.u32 s28, $0x1;
	[dreg:$0x2] =	wrdreg s2  }
0xa9: {  	[dreg:$0x3] =	wrdreg s4  }
0xaa: {  	[dreg:$0x4] =	wrdreg $0xC0  }
0xab: {  	_ =	task [dreg:s6], $0x5FFFF  }
0xac: {  	[dreg:$0x1] =	wrdreg $0xFFFFFFFF  }
0xad: {  	[dreg:$0x0] =	wrdreg $0x60  }
0xae: {  	[dreg:$0x2] =	wrdreg s24  }
0xaf: {  	[dreg:$0x3] =	wrdreg $0x0  }
0xb0: {  	[dreg:$0x4] =	wrdreg $0x9  }
0xb1: {  	_ =	task.clear_ibuf [dreg:s6], $0x5FFFF;
	_ =	strace $0x90000046  }
0xb2: {  	s29 =	simm.s32 $0x9;
	_ =	strace $0x80000048  }
0xb3: {  	_ =	swait.ge [sflag:s29], $0x1  }
0xb4: {  	[sflag:s29] =	ssyncadd.s32 $0xFFFFFFFF  }
0xb5: {  	_ =	strace $0x90000048  }
0xb6: {  	_ =	sfence  }
0xb7: {  	s30 =	sld [smem:$0x0];
	_ =	sdelay $0x2  }
0xb8: {  	s31 =	sshll.u32 s1, $0xD;
	s1 =	sshrl.u32 s1, $0x2  }
0xb9: {  	s3 =	sand.u32 $0x4000, s31;
	s1 =	sadd.s32 s1, s30  }
0xba: {  	s0 =	sor.u32 s3, s0;
	s1 =	sshll.u32 s1, $0x11  }
0xbb: {  	s0 =	sor.u32 s1, s0  }
0xbc: {  	s0 =	sadd.s32 $0x8F2B, s0  }
0xbd: {  	[sflag:s0] =	ssyncadd.remote.s32 $0x1  }
0xbe: {  	_ =	sfence.sel $0xFFFF  }
0xbf: {  	[dreg:$0x0] =	wrdreg $0xFFFFFFFF;
	(pc) =	sbr.abs _section_cstart, $3  }
0xc0: {  	[dreg:$0x1] =	wrdreg $0xFFFFFFFF  }
0xc1: {  	_ =	task.clear_ibuf [dreg:s6], $0x2FFFF;
	_ =	strace $0x9FFFFFFF  }
0xc2: {  	(tm) =	ssettm $0x7FFFFFFF  }
0xc3: {  	_ =	shalt  }
tec
execute0_lowered:
.L_overlay_start_1:
0x0: {  	(tag) =	ssettag $0x1  }
0x1: {  	s5 =	rddreg [dreg:$0x0]  }
0x2: {  	s2 =	rddreg [dreg:$0x1]  }
0x3: {  	s0 =	rddreg [dreg:$0x2];
	s4 =	srdreg.scid  }
0x4: {  	s1 =	stileid.u32;
	s3 =	simm.s32 $0x0;
	s12 =	simm.s32 $0x2780  }
0x5: {  	s13 =	simm.s32 $0x80;
	s14 =	simm.s32 $0x1;
	s4 =	sand.u32 $0x1, s4  }
0x6: {  	s6 =	sshll.u32 s1, $0x1;
	[smem:$0x7FF] =	sst s3;
	s7 =	smul.u32 $0x2780, s1  }
0x7: {  	s31 =	sshll.u32 s1, $0x6;
	s6 =	sor.u32 s4, s6;
	_ =	strace $0x80000047  }
0x8: {  	s8 =	smul.u32 $0x4F00, s4;
	s9 =	ssub.s32 $0x2, s4;
	s4 =	sadd.s32 $0xD600, s5  }
0x9: {  	s6 =	smul.u32 $0x510, s6;
	s15 =	sshrl.u32 s7, $0x3;
	s11 =	sshrl.u32 s9, $0x1  }
0xa: {  	s30 =	sadd.s32 s7, s2;
	s29 =	sadd.s32 s15, s5;
	s8 =	sadd.s32 s8, s5  }
0xb: {  	s9 =	ssub.s32 s9, s11;
	s11 =	simm.s32 $0x5000;
	s10 =	sadd.s32 s6, s5  }
0xc: {  	s5 =	sadd.s32 $0xD800, s29;
	s6 =	sor.u32 $0x1C02, s31;
	s16 =	sadd.s32 $0x12800, s8  }
0xd: {  	s8 =	smax.u32 s9, $0x1;
	s9 =	sshrl.u32 s30, $0x3;
	s7 =	sadd.s32 $0x3400, s10  }
0xe: {  	s10 =	simm.s32 $0x2;
	s15 =	sadd.s32 s15, s16;
	s16 =	simm.s32 $0x0  }
.LBB2_1:
0xf: {  	[spmem:s9], [sflag:s6] =	dma.local [hbm:s5], $0x4F0  }
0x10: {  	_ =	swait.ge [sflag:s10], $0x4F0  }
0x11: {  	[sflag:s10] =	ssyncset.done $0x0  }
0x12: {  	[sflag:s10] =	ssyncadd.s32 $0xFFFFFB10  }
0x13: {  	[tilespmem:s11], [sflag:$0x2] =	stream.linear.gather [hbm4b:s4+s3], $0x800, $0x38;
	[tilespmem:$0x5800] =	vst v63  }
0x14: {  	_ =	swait.ge [sflag:s10], $0x800  }
0x15: {  	[sflag:s10] =	ssyncset.done $0x0  }
0x16: {  	[sflag:s10] =	ssyncadd.s32 $0xFFFFF800  }
0x17: {  	[tilespmem:s12], [sflag:$0x2] =	stream.linear.gather [hbm4b:s7+s3], $0x2880, $0x38;
	[tilespmem:$0x5800] =	vst v63  }
0x18: {  	_ =	swait.ge [sflag:s10], $0x2880  }
0x19: {  	[sflag:s10] =	ssyncset.done $0x0  }
0x1a: {  	[sflag:s10] =	ssyncadd.s32 $0xFFFFD780  }
0x1b: {  	s17 =	simm.s32 $0x2780;
	[bflag:$0x0] =	sbarrier.arrive $0xFFFF  }
0x1c: {  	[spmem:s2] =	stream.indirect.scatter.add.f32 [tilespmem:s11], [sflag:$0x1], $0x10, s17, s13, $0xb8;
	[tilespmem:$0x5800] =	vst v63  }
0x1d: {  	s30 =	simm.s32 $0x2800  }
0x1e: {  	[spmem:s2] =	stream.indirect.scatter.add.f32 [tilespmem:s11], [sflag:$0x1], $0x10, s30, s13, $0xb8;
	[tilespmem:$0x5800] =	vst v63  }
0x1f: {  	s31 =	simm.s32 $0x2880  }
0x20: {  	[spmem:s2] =	stream.indirect.scatter.add.f32 [tilespmem:s11], [sflag:$0x1], $0x10, s31, s13, $0xb8;
	[tilespmem:$0x5800] =	vst v63  }
0x21: {  	_ =	swait.ge [sflag:s14], $0x800  }
0x22: {  	[sflag:s14] =	ssyncset.done $0x0  }
0x23: {  	[sflag:s14] =	ssyncadd.s32 $0xFFFFF800  }
0x24: {  	_ =	swait.ge [sflag:s14], $0x800  }
0x25: {  	[sflag:s14] =	ssyncset.done $0x0  }
0x26: {  	[sflag:s14] =	ssyncadd.s32 $0xFFFFF800  }
0x27: {  	_ =	swait.ge [sflag:s14], $0x800  }
0x28: {  	s18 =	simm.s32 $0xC00;
	s17 =	simm.s32 $0x180;
	[sflag:s14] =	ssyncset.done $0x0  }
.LBB2_2:
0x29: {  	s19 =	sadd.s32 $0x2780, s17  }
0x2a: {  	[sflag:s14] =	ssyncadd.s32 $0xFFFFF800;
	s20 =	smov.u32 s18;
	s21 =	sadd.s32 $0x600, s18  }
0x2b: {  	[spmem:s2] =	stream.indirect.scatter.add.f32 [tilespmem:s11], [sflag:$0x1], $0x10, s19, s13, $0xb8;
	[tilespmem:$0x5800] =	vst v63  }
0x2c: {  	p0 =	sne.s32 s18, $0x9C00;
	s18 =	sadd.s32 $0x2800, s17  }
0x2d: {  	[spmem:s2] =	stream.indirect.scatter.add.f32 [tilespmem:s11], [sflag:$0x1], $0x10, s18, s13, $0xb8;
	[tilespmem:$0x5800] =	vst v63  }
0x2e: {  	s17 =	sadd.s32 $0x2880, s17  }
0x2f: {  	[spmem:s2] =	stream.indirect.scatter.add.f32 [tilespmem:s11], [sflag:$0x1], $0x10, s17, s13, $0xb8;
	[tilespmem:$0x5800] =	vst v63  }
0x30: {  	_ =	swait.ge [sflag:s14], $0x800  }
0x31: {  	[sflag:s14] =	ssyncset.done $0x0  }
0x32: {  	[sflag:s14] =	ssyncadd.s32 $0xFFFFF800  }
.Ltmp0:
0x33: {  	_ =	swait.ge [sflag:s14], $0x800;
	(pc) =	sbr.rel @p0 .LBB2_2-.Ltmp0, $4  }
0x34: {  	[sflag:s14] =	ssyncset.done $0x0  }
0x35: {  	[sflag:s14] =	ssyncadd.s32 $0xFFFFF800  }
0x36: {  	_ =	swait.ge [sflag:s14], $0x800  }
0x37: {  	s18 =	smov.u32 s21;
	s17 =	sshra.s32 s20, $0x2;
	[sflag:s14] =	ssyncset.done $0x0  }
0x38: {  	s18 =	sadd.s32 $0x2780, s17;
	[sflag:s14] =	ssyncadd.s32 $0xFFFFF800  }
0x39: {  	[spmem:s2] =	stream.indirect.scatter.add.f32 [tilespmem:s11], [sflag:$0x1], $0x10, s18, s13, $0xb8;
	[tilespmem:$0x5800] =	vst v63  }
0x3a: {  	s30 =	sadd.s32 $0x2800, s17  }
0x3b: {  	[spmem:s2] =	stream.indirect.scatter.add.f32 [tilespmem:s11], [sflag:$0x1], $0x10, s30, s13, $0xb8;
	[tilespmem:$0x5800] =	vst v63  }
0x3c: {  	s31 =	sadd.s32 $0x2880, s17  }
0x3d: {  	[spmem:s2] =	stream.indirect.scatter.add.f32 [tilespmem:s11], [sflag:$0x1], $0x10, s31, s13, $0xb8;
	[tilespmem:$0x5800] =	vst v63  }
0x3e: {  	_ =	swait.ge [sflag:s14], $0x800  }
0x3f: {  	[sflag:s14] =	ssyncset.done $0x0  }
0x40: {  	[sflag:s14] =	ssyncadd.s32 $0xFFFFF800  }
0x41: {  	_ =	swait.ge [sflag:s14], $0x800  }
0x42: {  	[sflag:s14] =	ssyncset.done $0x0  }
0x43: {  	[sflag:s14] =	ssyncadd.s32 $0xFFFFF800  }
0x44: {  	_ =	swait.ge [sflag:s14], $0x800  }
0x45: {  	s16 =	sadd.s32 $0x1, s16;
	[sflag:s14] =	ssyncset.done $0x0  }
0x46: {  	p0 =	sne.s32 s16, s8;
	[sflag:s14] =	ssyncadd.s32 $0xFFFFF800  }
.Ltmp1:
0x47: {  	[bflag:$0x0] =	sbarrier.arrive $0xFFFF;
	(pc) =	sbr.rel @p0 .LBB2_1-.Ltmp1, $4  }
0x48: {  	[hbm:s15], [sflag:s6] =	dma.local [spmem:s9], $0x4F0  }
0x49: {  	_ =	swait.ge [sflag:s10], $0x4F0  }
0x4a: {  	[sflag:s10] =	ssyncset.done $0x0  }
0x4b: {  	[sflag:s10] =	ssyncadd.s32 $0xFFFFFB10  }
0x4c: {  	_ =	sfence.sel $0x180000  }
0x4d: {  	[bflag:$0x0] =	sbarrier.arrive $0xFFFF  }
0x4e: {  	p0 =	sne.s32 s1, $0x0;
	_ =	strace $0x90000047  }
0x4f: {  	s0 =	sadd.s32 @!p0 $0x100000, s0;
	[bflag:$0x2] =	sbarrier.arrive $0xFFFF  }
0x50: {  	[sflag:s0] =	ssyncadd.tile.s32 @!p0 $0x1;
	_ =	shalt  }
.Lfunc_end2:
_tile_overlayer_lowered:
.L_overlay_start_2:
0x51: {  	(tag) =	ssettag $0x2  }
0x52: {  	s0 =	rddreg [dreg:$0x0];
	s2 =	stileid.u32  }
0x53: {  	s1 =	rddreg [dreg:$0x1];
	p0 =	sne.s32 s2, $0x0  }
0x54: {  	s3 =	rddreg [dreg:$0x2];
	[bflag:$0x3] =	sbarrier.arrive $0xFFFF;
	s2 =	simm.s32 @!p0 $0x1C02  }
0x55: {  	[timem:s3], [sflag:s2] =	dma.local @!p0 [hbm:s0], s1  }
0x56: {  	s0 =	simm.s32 @!p0 $0x2  }
0x57: {  	_ =	swait.ge @!p0 [sflag:s0], s1  }
0x58: {  	s1 =	ssub.s32 @!p0 $0x0, s1;
	[sflag:s0] =	ssyncset.done @!p0 $0x0  }
0x59: {  	[sflag:s0] =	ssyncadd.s32 @!p0 s1  }
0x5a: {  	[bflag:$0x3] =	sbarrier.arrive $0xFFFF  }
0x5b: {  	_ =	shalt  }

</sc_bundles>
